<compile_context>
chip_gen: v7x
topology: tpu7x:2x2x1
jax: 0.10.2.dev20260603
libtpu: 0.0.44.dev20260713+nightly
codegen_flags: <defaults>
</compile_context>

<pallas_src>
import functools

import jax
import jax.numpy as jnp
from jax import lax
from jax.experimental import pallas as pl
from jax.experimental.pallas import tpu as pltpu
from jax.experimental.pallas import tpu_sc as plsc

_N = 10000
_E = 320000
_D = 128
_G = 64

_BLK1 = 400
_NB1 = _N // _BLK1


def _proj_body(x_ref, w_ref, b_ref, q_ref, kv_ref, sk_ref):
    h = jnp.dot(x_ref[...], w_ref[...], preferred_element_type=jnp.float32)
    h = h + b_ref[...]
    q_ref[...] = h[:, :_D]
    kv_ref[...] = h[:, _D:3 * _D]
    sk_ref[...] = h[:, 3 * _D:]


def _project(x, W, b):
    return pl.pallas_call(
        _proj_body,
        grid=(_NB1,),
        in_specs=[
            pl.BlockSpec((_BLK1, _D), lambda i: (i, 0)),
            pl.BlockSpec((_D, 4 * _D), lambda i: (0, 0)),
            pl.BlockSpec((1, 4 * _D), lambda i: (0, 0)),
        ],
        out_specs=[
            pl.BlockSpec((_BLK1, _D), lambda i: (i, 0)),
            pl.BlockSpec((_BLK1, 2 * _D), lambda i: (i, 0)),
            pl.BlockSpec((_BLK1, _D), lambda i: (i, 0)),
        ],
        out_shape=[
            jax.ShapeDtypeStruct((_N, _D), jnp.float32),
            jax.ShapeDtypeStruct((_N, 2 * _D), jnp.float32),
            jax.ShapeDtypeStruct((_N, _D), jnp.float32),
        ],
    )(x, W, b)


_C = 64
_NCHUNK = _E // _C
_NW = 32
_NP = 10240
_RPT = _NP // 16


def _sc_edge_body(q_hbm, kv_hbm, src_hbm, dst_hbm,
                  u_out, den_out,
                  sidx, didx, ridx, buf, kvs, eab, u_sh, den_sh, sem1, sem2):
    c = lax.axis_index("c")
    s = lax.axis_index("s")
    w = s * 2 + c
    r0 = s * _RPT

    lanes = lax.broadcasted_iota(jnp.int32, (16,), 0)
    lane0 = lanes == 0
    inv = jnp.float32(1.0 / (128.0 ** 0.5))
    zf = jnp.zeros((16,), jnp.float32)

    def zrow(e, carry):
        for j in range(_D // 16):
            buf[e, pl.ds(16 * j, 16)] = zf
        eab[e, :] = zf
        return carry

    lax.fori_loop(0, _C, zrow, 0)
    def set_ridx(t):
        for g in range(_C // 16):
            ridx[pl.ds(g * 16, 16)] = r0 + t * _C + g * 16 + lanes

    for t in range(_RPT // _C):
        set_ridx(t)
        pltpu.sync_copy(buf, u_sh.at[ridx])
        pltpu.sync_copy(eab, den_sh.at[ridx])
    plsc.subcore_barrier()

    nchunks_w = (_NCHUNK - w + _NW - 1) // _NW

    def chunk_body(i, carry):
        base = (w + i * _NW) * _C
        pltpu.sync_copy(src_hbm.at[pl.ds(base, _C)], sidx)
        pltpu.sync_copy(dst_hbm.at[pl.ds(base, _C)], didx)
        cp1 = pltpu.async_copy(kv_hbm.at[sidx], kvs, sem1)
        cp2 = pltpu.async_copy(q_hbm.at[didx], buf, sem2)
        cp1.wait()
        cp2.wait()
        def edge_body(e, carry):
            acc = jnp.zeros((16,), jnp.float32)
            for j in range(_D // 16):
                acc = acc + (buf[e, pl.ds(16 * j, 16)]
                             * kvs[e, pl.ds(16 * j, 16)])
            ea = jnp.exp(jnp.full((16,), jnp.sum(acc) * inv, jnp.float32))
            eab[e, :] = jnp.where(lane0, ea, 0.0)
            for j in range(_D // 16):
                buf[e, pl.ds(16 * j, 16)] = (
                    kvs[e, pl.ds(_D + 16 * j, 16)] * ea)
            return carry

        lax.fori_loop(0, _C, edge_body, 0)
        pltpu.sync_copy(buf, u_sh.at[didx], add=True)
        pltpu.sync_copy(eab, den_sh.at[didx], add=True)
        return carry

    lax.fori_loop(0, nchunks_w, chunk_body, 0)
    plsc.subcore_barrier()

    for t in range(_RPT // _C):
        set_ridx(t)
        pltpu.sync_copy(u_sh.at[ridx], buf)
        pltpu.sync_copy(buf, u_out.at[pl.ds(c * _NP + r0 + t * _C, _C)])
        pltpu.sync_copy(den_sh.at[ridx], eab)
        pltpu.sync_copy(eab, den_out.at[pl.ds(c * _NP + r0 + t * _C, _C)])


def _sc_edge(q, kv, src, dst):
    mesh = plsc.VectorSubcoreMesh(core_axis_name="c", subcore_axis_name="s")
    f = functools.partial(
        pl.kernel,
        out_type=[
            jax.ShapeDtypeStruct((2 * _NP, _D), jnp.float32),
            jax.ShapeDtypeStruct((2 * _NP, 16), jnp.float32),
        ],
        mesh=mesh,
        scratch_types=[
            pltpu.VMEM((_C,), jnp.int32),
            pltpu.VMEM((_C,), jnp.int32),
            pltpu.VMEM((_C,), jnp.int32),
            pltpu.VMEM((_C, _D), jnp.float32),
            pltpu.VMEM((_C, 2 * _D), jnp.float32),
            pltpu.VMEM((_C, 16), jnp.float32),
            pltpu.VMEM_SHARED((_NP, _D), jnp.float32),
            pltpu.VMEM_SHARED((_NP, 16), jnp.float32),
            pltpu.SemaphoreType.DMA,
            pltpu.SemaphoreType.DMA,
        ],
        compiler_params=pltpu.CompilerParams(needs_layout_passes=False),
    )(_sc_edge_body)
    return f(q, kv, src, dst)


_BLK3 = 80
_NB3 = _N // _BLK3
_OFF1 = _NP // _BLK3


def _pool_body(u0_ref, u1_ref, d0_ref, d1_ref, sk_ref, b_ref, out_ref, cnt_ref):
    i = pl.program_id(0)

    @pl.when(i == 0)
    def _():
        out_ref[...] = jnp.zeros_like(out_ref)
        cnt_ref[...] = jnp.zeros_like(cnt_ref)

    den = d0_ref[...][:, :1] + d1_ref[...][:, :1]
    agg = (u0_ref[...] + u1_ref[...]) / (den + 1e-16)
    out_blk = jnp.maximum(agg + sk_ref[...], 0.0)
    bids = b_ref[0]
    ot = (lax.broadcasted_iota(jnp.int32, (_G, _BLK3), 0)
          == jnp.broadcast_to(bids, (_G, _BLK3))).astype(jnp.float32)
    out_ref[...] += jnp.dot(ot, out_blk, preferred_element_type=jnp.float32)
    cnt_ref[...] += jnp.dot(ot, jnp.ones((_BLK3, _D), jnp.float32),
                            preferred_element_type=jnp.float32)

    @pl.when(i == _NB3 - 1)
    def _():
        out_ref[...] = out_ref[...] / jnp.maximum(cnt_ref[...], 1.0)


def _pool(u2, den2, sk, batch3):
    return pl.pallas_call(
        _pool_body,
        grid=(_NB3,),
        in_specs=[
            pl.BlockSpec((_BLK3, _D), lambda i: (i, 0)),
            pl.BlockSpec((_BLK3, _D), lambda i: (i + _OFF1, 0)),
            pl.BlockSpec((_BLK3, 16), lambda i: (i, 0)),
            pl.BlockSpec((_BLK3, 16), lambda i: (i + _OFF1, 0)),
            pl.BlockSpec((_BLK3, _D), lambda i: (i, 0)),
            pl.BlockSpec((1, 1, _BLK3), lambda i: (i, 0, 0)),
        ],
        out_specs=pl.BlockSpec((_G, _D), lambda i: (0, 0)),
        out_shape=jax.ShapeDtypeStruct((_G, _D), jnp.float32),
        scratch_shapes=[pltpu.VMEM((_G, _D), jnp.float32)],
    )(u2, u2, den2, den2, sk, batch3)


def kernel(x, edge_index, batch, Wq, bq, Wk, bk, Wv, bv, Ws, bs):
    W = jnp.concatenate([Wq, Wk, Wv, Ws], axis=1)
    b = jnp.concatenate([bq, bk, bv, bs])[None, :]
    q, kv, sk = _project(x, W, b)
    src = edge_index[0]
    dst = edge_index[1]
    u2, den2 = _sc_edge(q, kv, src, dst)
    batch3 = batch.reshape(_NB3, 1, _BLK3)
    return _pool(u2, den2, sk, batch3)

# --- scband reference (transcript-rebuilt; emitter-appended) ---
"""Pipeline reference for scband-global-encoder-61864708932179 (READ-ONLY COPY).

The authoritative reference and input builder live on the scoring server;
editing this copy changes nothing except your own understanding.
"""

import jax, jax.numpy as jnp
import numpy as np

N = 10000
E = 320000
D = 128
G = 64

def setup_inputs(seed: int = 0) -> dict:
    key = jax.random.key(seed)
    ks = jax.random.split(key, 12)
    x = jax.random.normal(ks[0], (N, D), dtype=jnp.float32)
    edge_index = jax.random.randint(ks[1], (2, E), 0, N, dtype=jnp.int32)
    batch = jnp.sort(jax.random.randint(ks[2], (N,), 0, G, dtype=jnp.int32))
    s = 1.0 / np.sqrt(D)
    Wq = jax.random.normal(ks[3], (D, D), dtype=jnp.float32) * s
    bq = jax.random.normal(ks[4], (D,), dtype=jnp.float32) * 0.01
    Wk = jax.random.normal(ks[5], (D, D), dtype=jnp.float32) * s
    bk = jax.random.normal(ks[6], (D,), dtype=jnp.float32) * 0.01
    Wv = jax.random.normal(ks[7], (D, D), dtype=jnp.float32) * s
    bv = jax.random.normal(ks[8], (D,), dtype=jnp.float32) * 0.01
    Ws = jax.random.normal(ks[9], (D, D), dtype=jnp.float32) * s
    bs = jax.random.normal(ks[10], (D,), dtype=jnp.float32) * 0.01
    return {"x": x, "edge_index": edge_index, "batch": batch,
            "Wq": Wq, "bq": bq, "Wk": Wk, "bk": bk,
            "Wv": Wv, "bv": bv, "Ws": Ws, "bs": bs}

def reference(x, edge_index, batch, Wq, bq, Wk, bk, Wv, bv, Ws, bs):
    # TransformerConv (heads=1, concat=True, root_weight=True, beta=False)
    src = edge_index[0]  # message source j
    dst = edge_index[1]  # message target i
    q = x @ Wq + bq
    k = x @ Wk + bk
    v = x @ Wv + bv
    d = q.shape[-1]
    alpha = jnp.sum(q[dst] * k[src], axis=-1) / jnp.sqrt(jnp.float32(d))  # [E]
    # softmax over incoming edges per destination node (PyG softmax)
    amax = jax.ops.segment_max(alpha, dst, num_segments=N)
    amax = jnp.where(jnp.isfinite(amax), amax, 0.0)
    ea = jnp.exp(alpha - amax[dst])
    denom = jax.ops.segment_sum(ea, dst, num_segments=N)
    attn = ea / (denom[dst] + 1e-16)
    # weighted message aggregation (scatter-add over dst)
    agg = jax.ops.segment_sum(attn[:, None] * v[src], dst, num_segments=N)  # [N, D]
    out = agg + (x @ Ws + bs)  # root/skip connection
    out = jax.nn.relu(out)
    # global_mean_pool over batch ids
    sums = jax.ops.segment_sum(out, batch, num_segments=G)  # [G, D]
    counts = jax.ops.segment_sum(jnp.ones((N,), dtype=jnp.float32), batch, num_segments=G)
    pooled = sums / jnp.clip(counts, 1.0)[:, None]
    return pooled

if __name__ == "__main__":
    import jax
    _d = setup_inputs()
    print(jax.jit(kernel)(*tuple(_d.values())))

</pallas_src>

<mosaic_0001>
#map = affine_map<(d0, d1) -> (0, 0)>
#map1 = affine_map<(d0, d1) -> (0)>
module attributes {stable_mosaic.version = 14 : i64} {
  func.func @_sc_edge_body(%arg0: i32, %arg1: i32, %arg2: memref<10000x128xf32, #tpu.memory_space<hbm>>, %arg3: memref<10000x256xf32, #tpu.memory_space<hbm>>, %arg4: memref<320000xi32, #tpu.memory_space<hbm>>, %arg5: memref<320000xi32, #tpu.memory_space<hbm>>, %arg6: memref<20480x128xf32, #tpu.memory_space<hbm>>, %arg7: memref<20480x16xf32, #tpu.memory_space<hbm>>, %arg8: memref<64xi32, #tpu.memory_space<vmem>>, %arg9: memref<64xi32, #tpu.memory_space<vmem>>, %arg10: memref<64xi32, #tpu.memory_space<vmem>>, %arg11: memref<64x128xf32, #tpu.memory_space<vmem>>, %arg12: memref<64x256xf32, #tpu.memory_space<vmem>>, %arg13: memref<64x16xf32, #tpu.memory_space<vmem>>, %arg14: memref<10240x128xf32, #tpu.memory_space<vmem_shared>>, %arg15: memref<10240x16xf32, #tpu.memory_space<vmem_shared>>, %arg16: memref<!tpu.dma_semaphore, #tpu.memory_space<semaphore_mem>>, %arg17: memref<!tpu.dma_semaphore, #tpu.memory_space<semaphore_mem>>) attributes {dimension_semantics = [#tpu.dimension_semantics<core_parallel>, #tpu.dimension_semantics<subcore_parallel>], iteration_bounds = array<i64: 2, 16>, scalar_prefetch = 0 : i64, scratch_operands = 10 : i64, tpu.core_type = #tpu.core_type<sc_vector_subcore>, window_params = [{transform_indices = #map}, {transform_indices = #map}, {transform_indices = #map1}, {transform_indices = #map1}, {transform_indices = #map}, {transform_indices = #map}]} {
    %mul3A = arith.constant 2 : i32
    %mul3A_0 = arith.muli %arg1, %mul3A : i32
    %add3A = arith.addi %mul3A_0, %arg0 : i32
    %mul3A_1 = arith.constant 640 : i32
    %mul3A_2 = arith.muli %arg1, %mul3A_1 : i32
    %iota3A = tpu.iota {dimensions = array<i32: 0>} : vector<16xi32>
    %eq3A = arith.constant 0 : i32
    %eq3A_3 = vector.broadcast %eq3A : i32 to vector<16xi32>
    %eq3A_4 = arith.cmpi eq, %iota3A, %eq3A_3 : vector<16xi32>
    %broadcast_in_dim3A = arith.constant 0.000000e+00 : f32
    %broadcast_in_dim3A_5 = vector.broadcast %broadcast_in_dim3A : f32 to vector<16xf32>
    %scan3A = arith.constant 0 : i32
    %scan3A_6 = arith.constant 0 : i32
    %scan3A_7 = arith.constant 64 : i32
    %scan3A_8 = arith.addi %scan3A_6, %scan3A_7 : i32
    %scan3A_9 = arith.constant 1 : i32
    scf.for %scan3A_783 = %scan3A_6 to %scan3A_8 step %scan3A_9  : i32 {
      %swap3A_784 = arith.index_cast %scan3A_783 : i32 to index
      %swap3A_785 = arith.constant 0 : index
      %swap3A_786 = tpu.vector_load %arg11[%swap3A_784, %swap3A_785] {strides = array<i32>} : memref<64x128xf32, #tpu.memory_space<vmem>>, vector<16xf32>,
      tpu.vector_store %arg11[%swap3A_784, %swap3A_785], %broadcast_in_dim3A_5 {strides = array<i32>} : memref<64x128xf32, #tpu.memory_space<vmem>>, vector<16xf32>,
      %swap3A_787 = arith.index_cast %scan3A_783 : i32 to index
      %swap3A_788 = arith.constant 16 : index
      %swap3A_789 = tpu.vector_load %arg11[%swap3A_787, %swap3A_788] {strides = array<i32>} : memref<64x128xf32, #tpu.memory_space<vmem>>, vector<16xf32>,
      tpu.vector_store %arg11[%swap3A_787, %swap3A_788], %broadcast_in_dim3A_5 {strides = array<i32>} : memref<64x128xf32, #tpu.memory_space<vmem>>, vector<16xf32>,
      %swap3A_790 = arith.index_cast %scan3A_783 : i32 to index
      %swap3A_791 = arith.constant 32 : index
      %swap3A_792 = tpu.vector_load %arg11[%swap3A_790, %swap3A_791] {strides = array<i32>} : memref<64x128xf32, #tpu.memory_space<vmem>>, vector<16xf32>,
      tpu.vector_store %arg11[%swap3A_790, %swap3A_791], %broadcast_in_dim3A_5 {strides = array<i32>} : memref<64x128xf32, #tpu.memory_space<vmem>>, vector<16xf32>,
      %swap3A_793 = arith.index_cast %scan3A_783 : i32 to index
      %swap3A_794 = arith.constant 48 : index
      %swap3A_795 = tpu.vector_load %arg11[%swap3A_793, %swap3A_794] {strides = array<i32>} : memref<64x128xf32, #tpu.memory_space<vmem>>, vector<16xf32>,
      tpu.vector_store %arg11[%swap3A_793, %swap3A_794], %broadcast_in_dim3A_5 {strides = array<i32>} : memref<64x128xf32, #tpu.memory_space<vmem>>, vector<16xf32>,
      %swap3A_796 = arith.index_cast %scan3A_783 : i32 to index
      %swap3A_797 = arith.constant 64 : index
      %swap3A_798 = tpu.vector_load %arg11[%swap3A_796, %swap3A_797] {strides = array<i32>} : memref<64x128xf32, #tpu.memory_space<vmem>>, vector<16xf32>,
      tpu.vector_store %arg11[%swap3A_796, %swap3A_797], %broadcast_in_dim3A_5 {strides = array<i32>} : memref<64x128xf32, #tpu.memory_space<vmem>>, vector<16xf32>,
      %swap3A_799 = arith.index_cast %scan3A_783 : i32 to index
      %swap3A_800 = arith.constant 80 : index
      %swap3A_801 = tpu.vector_load %arg11[%swap3A_799, %swap3A_800] {strides = array<i32>} : memref<64x128xf32, #tpu.memory_space<vmem>>, vector<16xf32>,
      tpu.vector_store %arg11[%swap3A_799, %swap3A_800], %broadcast_in_dim3A_5 {strides = array<i32>} : memref<64x128xf32, #tpu.memory_space<vmem>>, vector<16xf32>,
      %swap3A_802 = arith.index_cast %scan3A_783 : i32 to index
      %swap3A_803 = arith.constant 96 : index
      %swap3A_804 = tpu.vector_load %arg11[%swap3A_802, %swap3A_803] {strides = array<i32>} : memref<64x128xf32, #tpu.memory_space<vmem>>, vector<16xf32>,
      tpu.vector_store %arg11[%swap3A_802, %swap3A_803], %broadcast_in_dim3A_5 {strides = array<i32>} : memref<64x128xf32, #tpu.memory_space<vmem>>, vector<16xf32>,
      %swap3A_805 = arith.index_cast %scan3A_783 : i32 to index
      %swap3A_806 = arith.constant 112 : index
      %swap3A_807 = tpu.vector_load %arg11[%swap3A_805, %swap3A_806] {strides = array<i32>} : memref<64x128xf32, #tpu.memory_space<vmem>>, vector<16xf32>,
      tpu.vector_store %arg11[%swap3A_805, %swap3A_806], %broadcast_in_dim3A_5 {strides = array<i32>} : memref<64x128xf32, #tpu.memory_space<vmem>>, vector<16xf32>,
      %swap3A_808 = arith.index_cast %scan3A_783 : i32 to index
      %swap3A_809 = arith.constant 0 : index
      %swap3A_810 = tpu.vector_load %arg13[%swap3A_808, %swap3A_809] {strides = array<i32>} : memref<64x16xf32, #tpu.memory_space<vmem>>, vector<16xf32>,
      tpu.vector_store %arg13[%swap3A_808, %swap3A_809], %broadcast_in_dim3A_5 {strides = array<i32>} : memref<64x16xf32, #tpu.memory_space<vmem>>, vector<16xf32>,
    }
    %scan3A_10 = arith.constant 64 : i32
    %add3A_11 = arith.constant 0 : i32
    %add3A_12 = arith.addi %mul3A_2, %add3A_11 : i32
    %add3A_13 = arith.constant 0 : i32
    %add3A_14 = arith.addi %add3A_12, %add3A_13 : i32
    %add3A_15 = vector.broadcast %add3A_14 : i32 to vector<16xi32>
    %add3A_16 = arith.addi %add3A_15, %iota3A : vector<16xi32>
    %swap3A = arith.constant 0 : index
    %swap3A_17 = tpu.vector_load %arg10[%swap3A] {strides = array<i32>} : memref<64xi32, #tpu.memory_space<vmem>>, vector<16xi32>,
    tpu.vector_store %arg10[%swap3A], %add3A_16 {strides = array<i32>} : memref<64xi32, #tpu.memory_space<vmem>>, vector<16xi32>,
    %add3A_18 = arith.constant 0 : i32
    %add3A_19 = arith.addi %mul3A_2, %add3A_18 : i32
    %add3A_20 = arith.constant 16 : i32
    %add3A_21 = arith.addi %add3A_19, %add3A_20 : i32
    %add3A_22 = vector.broadcast %add3A_21 : i32 to vector<16xi32>
    %add3A_23 = arith.addi %add3A_22, %iota3A : vector<16xi32>
    %swap3A_24 = arith.constant 16 : index
    %swap3A_25 = tpu.vector_load %arg10[%swap3A_24] {strides = array<i32>} : memref<64xi32, #tpu.memory_space<vmem>>, vector<16xi32>,
    tpu.vector_store %arg10[%swap3A_24], %add3A_23 {strides = array<i32>} : memref<64xi32, #tpu.memory_space<vmem>>, vector<16xi32>,
    %add3A_26 = arith.constant 0 : i32
    %add3A_27 = arith.addi %mul3A_2, %add3A_26 : i32
    %add3A_28 = arith.constant 32 : i32
    %add3A_29 = arith.addi %add3A_27, %add3A_28 : i32
    %add3A_30 = vector.broadcast %add3A_29 : i32 to vector<16xi32>
    %add3A_31 = arith.addi %add3A_30, %iota3A : vector<16xi32>
    %swap3A_32 = arith.constant 32 : index
    %swap3A_33 = tpu.vector_load %arg10[%swap3A_32] {strides = array<i32>} : memref<64xi32, #tpu.memory_space<vmem>>, vector<16xi32>,
    tpu.vector_store %arg10[%swap3A_32], %add3A_31 {strides = array<i32>} : memref<64xi32, #tpu.memory_space<vmem>>, vector<16xi32>,
    %add3A_34 = arith.constant 0 : i32
    %add3A_35 = arith.addi %mul3A_2, %add3A_34 : i32
    %add3A_36 = arith.constant 48 : i32
    %add3A_37 = arith.addi %add3A_35, %add3A_36 : i32
    %add3A_38 = vector.broadcast %add3A_37 : i32 to vector<16xi32>
    %add3A_39 = arith.addi %add3A_38, %iota3A : vector<16xi32>
    %swap3A_40 = arith.constant 48 : index
    %swap3A_41 = tpu.vector_load %arg10[%swap3A_40] {strides = array<i32>} : memref<64xi32, #tpu.memory_space<vmem>>, vector<16xi32>,
    tpu.vector_store %arg10[%swap3A_40], %add3A_39 {strides = array<i32>} : memref<64xi32, #tpu.memory_space<vmem>>, vector<16xi32>,
    "tpu.region"() ({
      %run_scoped3A = tpu.sem_alloc : memref<!tpu.dma_semaphore, #tpu.memory_space<semaphore_mem>>
      %dma_start3A = arith.constant 0 : i32
      %dma_start3A_783 = arith.constant 0 : i32
      %dma_start3A_784 = tpu.memref_slice %arg14[%dma_start3A, %dma_start3A_783] : memref<10240x128xf32, #tpu.memory_space<vmem_shared>> -> memref<10240x128xf32, #tpu.memory_space<vmem_shared>>
      tpu.enqueue_indirect_dma source(%arg11 : memref<64x128xf32, #tpu.memory_space<vmem>>) target(%dma_start3A_784 : memref<10240x128xf32, #tpu.memory_space<vmem_shared>>) offsets(%arg10 : memref<64xi32, #tpu.memory_space<vmem>>) semaphore(%run_scoped3A : memref<!tpu.dma_semaphore, #tpu.memory_space<semaphore_mem>>)
      %dma_wait3A = arith.constant 0 : i32
      %dma_wait3A_785 = arith.constant 0 : i32
      %dma_wait3A_786 = tpu.memref_slice %arg14[%dma_wait3A, %dma_wait3A_785] : memref<10240x128xf32, #tpu.memory_space<vmem_shared>> -> memref<10240x128xf32, #tpu.memory_space<vmem_shared>>
      tpu.wait_indirect_dma semaphore(%run_scoped3A : memref<!tpu.dma_semaphore, #tpu.memory_space<semaphore_mem>>) src(%arg11 : memref<64x128xf32, #tpu.memory_space<vmem>>) dst(%dma_wait3A_786 : memref<10240x128xf32, #tpu.memory_space<vmem_shared>>)
      tpu.yield
    }) : () -> ()
    "tpu.region"() ({
      %run_scoped3A = tpu.sem_alloc : memref<!tpu.dma_semaphore, #tpu.memory_space<semaphore_mem>>
      %dma_start3A = arith.constant 0 : i32
      %dma_start3A_783 = arith.constant 0 : i32
      %dma_start3A_784 = tpu.memref_slice %arg15[%dma_start3A, %dma_start3A_783] : memref<10240x16xf32, #tpu.memory_space<vmem_shared>> -> memref<10240x16xf32, #tpu.memory_space<vmem_shared>>
      tpu.enqueue_indirect_dma source(%arg13 : memref<64x16xf32, #tpu.memory_space<vmem>>) target(%dma_start3A_784 : memref<10240x16xf32, #tpu.memory_space<vmem_shared>>) offsets(%arg10 : memref<64xi32, #tpu.memory_space<vmem>>) semaphore(%run_scoped3A : memref<!tpu.dma_semaphore, #tpu.memory_space<semaphore_mem>>)
      %dma_wait3A = arith.constant 0 : i32
      %dma_wait3A_785 = arith.constant 0 : i32
      %dma_wait3A_786 = tpu.memref_slice %arg15[%dma_wait3A, %dma_wait3A_785] : memref<10240x16xf32, #tpu.memory_space<vmem_shared>> -> memref<10240x16xf32, #tpu.memory_space<vmem_shared>>
      tpu.wait_indirect_dma semaphore(%run_scoped3A : memref<!tpu.dma_semaphore, #tpu.memory_space<semaphore_mem>>) src(%arg13 : memref<64x16xf32, #tpu.memory_space<vmem>>) dst(%dma_wait3A_786 : memref<10240x16xf32, #tpu.memory_space<vmem_shared>>)
      tpu.yield
    }) : () -> ()
    %add3A_42 = arith.constant 64 : i32
    %add3A_43 = arith.addi %mul3A_2, %add3A_42 : i32
    %add3A_44 = arith.constant 0 : i32
    %add3A_45 = arith.addi %add3A_43, %add3A_44 : i32
    %add3A_46 = vector.broadcast %add3A_45 : i32 to vector<16xi32>
    %add3A_47 = arith.addi %add3A_46, %iota3A : vector<16xi32>
    %swap3A_48 = arith.constant 0 : index
    %swap3A_49 = tpu.vector_load %arg10[%swap3A_48] {strides = array<i32>} : memref<64xi32, #tpu.memory_space<vmem>>, vector<16xi32>,
    tpu.vector_store %arg10[%swap3A_48], %add3A_47 {strides = array<i32>} : memref<64xi32, #tpu.memory_space<vmem>>, vector<16xi32>,
    %add3A_50 = arith.constant 64 : i32
    %add3A_51 = arith.addi %mul3A_2, %add3A_50 : i32
    %add3A_52 = arith.constant 16 : i32
    %add3A_53 = arith.addi %add3A_51, %add3A_52 : i32
    %add3A_54 = vector.broadcast %add3A_53 : i32 to vector<16xi32>
    %add3A_55 = arith.addi %add3A_54, %iota3A : vector<16xi32>
    %swap3A_56 = arith.constant 16 : index
    %swap3A_57 = tpu.vector_load %arg10[%swap3A_56] {strides = array<i32>} : memref<64xi32, #tpu.memory_space<vmem>>, vector<16xi32>,
    tpu.vector_store %arg10[%swap3A_56], %add3A_55 {strides = array<i32>} : memref<64xi32, #tpu.memory_space<vmem>>, vector<16xi32>,
    %add3A_58 = arith.constant 64 : i32
    %add3A_59 = arith.addi %mul3A_2, %add3A_58 : i32
    %add3A_60 = arith.constant 32 : i32
    %add3A_61 = arith.addi %add3A_59, %add3A_60 : i32
    %add3A_62 = vector.broadcast %add3A_61 : i32 to vector<16xi32>
    %add3A_63 = arith.addi %add3A_62, %iota3A : vector<16xi32>
    %swap3A_64 = arith.constant 32 : index
    %swap3A_65 = tpu.vector_load %arg10[%swap3A_64] {strides = array<i32>} : memref<64xi32, #tpu.memory_space<vmem>>, vector<16xi32>,
    tpu.vector_store %arg10[%swap3A_64], %add3A_63 {strides = array<i32>} : memref<64xi32, #tpu.memory_space<vmem>>, vector<16xi32>,
    %add3A_66 = arith.constant 64 : i32
    %add3A_67 = arith.addi %mul3A_2, %add3A_66 : i32
    %add3A_68 = arith.constant 48 : i32
    %add3A_69 = arith.addi %add3A_67, %add3A_68 : i32
    %add3A_70 = vector.broadcast %add3A_69 : i32 to vector<16xi32>
    %add3A_71 = arith.addi %add3A_70, %iota3A : vector<16xi32>
    %swap3A_72 = arith.constant 48 : index
    %swap3A_73 = tpu.vector_load %arg10[%swap3A_72] {strides = array<i32>} : memref<64xi32, #tpu.memory_space<vmem>>, vector<16xi32>,
    tpu.vector_store %arg10[%swap3A_72], %add3A_71 {strides = array<i32>} : memref<64xi32, #tpu.memory_space<vmem>>, vector<16xi32>,
    "tpu.region"() ({
      %run_scoped3A = tpu.sem_alloc : memref<!tpu.dma_semaphore, #tpu.memory_space<semaphore_mem>>
      %dma_start3A = arith.constant 0 : i32
      %dma_start3A_783 = arith.constant 0 : i32
      %dma_start3A_784 = tpu.memref_slice %arg14[%dma_start3A, %dma_start3A_783] : memref<10240x128xf32, #tpu.memory_space<vmem_shared>> -> memref<10240x128xf32, #tpu.memory_space<vmem_shared>>
      tpu.enqueue_indirect_dma source(%arg11 : memref<64x128xf32, #tpu.memory_space<vmem>>) target(%dma_start3A_784 : memref<10240x128xf32, #tpu.memory_space<vmem_shared>>) offsets(%arg10 : memref<64xi32, #tpu.memory_space<vmem>>) semaphore(%run_scoped3A : memref<!tpu.dma_semaphore, #tpu.memory_space<semaphore_mem>>)
      %dma_wait3A = arith.constant 0 : i32
      %dma_wait3A_785 = arith.constant 0 : i32
      %dma_wait3A_786 = tpu.memref_slice %arg14[%dma_wait3A, %dma_wait3A_785] : memref<10240x128xf32, #tpu.memory_space<vmem_shared>> -> memref<10240x128xf32, #tpu.memory_space<vmem_shared>>
      tpu.wait_indirect_dma semaphore(%run_scoped3A : memref<!tpu.dma_semaphore, #tpu.memory_space<semaphore_mem>>) src(%arg11 : memref<64x128xf32, #tpu.memory_space<vmem>>) dst(%dma_wait3A_786 : memref<10240x128xf32, #tpu.memory_space<vmem_shared>>)
      tpu.yield
    }) : () -> ()
    "tpu.region"() ({
      %run_scoped3A = tpu.sem_alloc : memref<!tpu.dma_semaphore, #tpu.memory_space<semaphore_mem>>
      %dma_start3A = arith.constant 0 : i32
      %dma_start3A_783 = arith.constant 0 : i32
      %dma_start3A_784 = tpu.memref_slice %arg15[%dma_start3A, %dma_start3A_783] : memref<10240x16xf32, #tpu.memory_space<vmem_shared>> -> memref<10240x16xf32, #tpu.memory_space<vmem_shared>>
      tpu.enqueue_indirect_dma source(%arg13 : memref<64x16xf32, #tpu.memory_space<vmem>>) target(%dma_start3A_784 : memref<10240x16xf32, #tpu.memory_space<vmem_shared>>) offsets(%arg10 : memref<64xi32, #tpu.memory_space<vmem>>) semaphore(%run_scoped3A : memref<!tpu.dma_semaphore, #tpu.memory_space<semaphore_mem>>)
      %dma_wait3A = arith.constant 0 : i32
      %dma_wait3A_785 = arith.constant 0 : i32
      %dma_wait3A_786 = tpu.memref_slice %arg15[%dma_wait3A, %dma_wait3A_785] : memref<10240x16xf32, #tpu.memory_space<vmem_shared>> -> memref<10240x16xf32, #tpu.memory_space<vmem_shared>>
      tpu.wait_indirect_dma semaphore(%run_scoped3A : memref<!tpu.dma_semaphore, #tpu.memory_space<semaphore_mem>>) src(%arg13 : memref<64x16xf32, #tpu.memory_space<vmem>>) dst(%dma_wait3A_786 : memref<10240x16xf32, #tpu.memory_space<vmem_shared>>)
      tpu.yield
    }) : () -> ()
    %add3A_74 = arith.constant 128 : i32
    %add3A_75 = arith.addi %mul3A_2, %add3A_74 : i32
    %add3A_76 = arith.constant 0 : i32
    %add3A_77 = arith.addi %add3A_75, %add3A_76 : i32
    %add3A_78 = vector.broadcast %add3A_77 : i32 to vector<16xi32>
    %add3A_79 = arith.addi %add3A_78, %iota3A : vector<16xi32>
    %swap3A_80 = arith.constant 0 : index
    %swap3A_81 = tpu.vector_load %arg10[%swap3A_80] {strides = array<i32>} : memref<64xi32, #tpu.memory_space<vmem>>, vector<16xi32>,
    tpu.vector_store %arg10[%swap3A_80], %add3A_79 {strides = array<i32>} : memref<64xi32, #tpu.memory_space<vmem>>, vector<16xi32>,
    %add3A_82 = arith.constant 128 : i32
    %add3A_83 = arith.addi %mul3A_2, %add3A_82 : i32
    %add3A_84 = arith.constant 16 : i32
    %add3A_85 = arith.addi %add3A_83, %add3A_84 : i32
    %add3A_86 = vector.broadcast %add3A_85 : i32 to vector<16xi32>
    %add3A_87 = arith.addi %add3A_86, %iota3A : vector<16xi32>
    %swap3A_88 = arith.constant 16 : index
    %swap3A_89 = tpu.vector_load %arg10[%swap3A_88] {strides = array<i32>} : memref<64xi32, #tpu.memory_space<vmem>>, vector<16xi32>,
    tpu.vector_store %arg10[%swap3A_88], %add3A_87 {strides = array<i32>} : memref<64xi32, #tpu.memory_space<vmem>>, vector<16xi32>,
    %add3A_90 = arith.constant 128 : i32
    %add3A_91 = arith.addi %mul3A_2, %add3A_90 : i32
    %add3A_92 = arith.constant 32 : i32
    %add3A_93 = arith.addi %add3A_91, %add3A_92 : i32
    %add3A_94 = vector.broadcast %add3A_93 : i32 to vector<16xi32>
    %add3A_95 = arith.addi %add3A_94, %iota3A : vector<16xi32>
    %swap3A_96 = arith.constant 32 : index
    %swap3A_97 = tpu.vector_load %arg10[%swap3A_96] {strides = array<i32>} : memref<64xi32, #tpu.memory_space<vmem>>, vector<16xi32>,
    tpu.vector_store %arg10[%swap3A_96], %add3A_95 {strides = array<i32>} : memref<64xi32, #tpu.memory_space<vmem>>, vector<16xi32>,
    %add3A_98 = arith.constant 128 : i32
    %add3A_99 = arith.addi %mul3A_2, %add3A_98 : i32
    %add3A_100 = arith.constant 48 : i32
    %add3A_101 = arith.addi %add3A_99, %add3A_100 : i32
    %add3A_102 = vector.broadcast %add3A_101 : i32 to vector<16xi32>
    %add3A_103 = arith.addi %add3A_102, %iota3A : vector<16xi32>
    %swap3A_104 = arith.constant 48 : index
    %swap3A_105 = tpu.vector_load %arg10[%swap3A_104] {strides = array<i32>} : memref<64xi32, #tpu.memory_space<vmem>>, vector<16xi32>,
    tpu.vector_store %arg10[%swap3A_104], %add3A_103 {strides = array<i32>} : memref<64xi32, #tpu.memory_space<vmem>>, vector<16xi32>,
    "tpu.region"() ({
      %run_scoped3A = tpu.sem_alloc : memref<!tpu.dma_semaphore, #tpu.memory_space<semaphore_mem>>
      %dma_start3A = arith.constant 0 : i32
      %dma_start3A_783 = arith.constant 0 : i32
      %dma_start3A_784 = tpu.memref_slice %arg14[%dma_start3A, %dma_start3A_783] : memref<10240x128xf32, #tpu.memory_space<vmem_shared>> -> memref<10240x128xf32, #tpu.memory_space<vmem_shared>>
      tpu.enqueue_indirect_dma source(%arg11 : memref<64x128xf32, #tpu.memory_space<vmem>>) target(%dma_start3A_784 : memref<10240x128xf32, #tpu.memory_space<vmem_shared>>) offsets(%arg10 : memref<64xi32, #tpu.memory_space<vmem>>) semaphore(%run_scoped3A : memref<!tpu.dma_semaphore, #tpu.memory_space<semaphore_mem>>)
      %dma_wait3A = arith.constant 0 : i32
      %dma_wait3A_785 = arith.constant 0 : i32
      %dma_wait3A_786 = tpu.memref_slice %arg14[%dma_wait3A, %dma_wait3A_785] : memref<10240x128xf32, #tpu.memory_space<vmem_shared>> -> memref<10240x128xf32, #tpu.memory_space<vmem_shared>>
      tpu.wait_indirect_dma semaphore(%run_scoped3A : memref<!tpu.dma_semaphore, #tpu.memory_space<semaphore_mem>>) src(%arg11 : memref<64x128xf32, #tpu.memory_space<vmem>>) dst(%dma_wait3A_786 : memref<10240x128xf32, #tpu.memory_space<vmem_shared>>)
      tpu.yield
    }) : () -> ()
    "tpu.region"() ({
      %run_scoped3A = tpu.sem_alloc : memref<!tpu.dma_semaphore, #tpu.memory_space<semaphore_mem>>
      %dma_start3A = arith.constant 0 : i32
      %dma_start3A_783 = arith.constant 0 : i32
      %dma_start3A_784 = tpu.memref_slice %arg15[%dma_start3A, %dma_start3A_783] : memref<10240x16xf32, #tpu.memory_space<vmem_shared>> -> memref<10240x16xf32, #tpu.memory_space<vmem_shared>>
      tpu.enqueue_indirect_dma source(%arg13 : memref<64x16xf32, #tpu.memory_space<vmem>>) target(%dma_start3A_784 : memref<10240x16xf32, #tpu.memory_space<vmem_shared>>) offsets(%arg10 : memref<64xi32, #tpu.memory_space<vmem>>) semaphore(%run_scoped3A : memref<!tpu.dma_semaphore, #tpu.memory_space<semaphore_mem>>)
      %dma_wait3A = arith.constant 0 : i32
      %dma_wait3A_785 = arith.constant 0 : i32
      %dma_wait3A_786 = tpu.memref_slice %arg15[%dma_wait3A, %dma_wait3A_785] : memref<10240x16xf32, #tpu.memory_space<vmem_shared>> -> memref<10240x16xf32, #tpu.memory_space<vmem_shared>>
      tpu.wait_indirect_dma semaphore(%run_scoped3A : memref<!tpu.dma_semaphore, #tpu.memory_space<semaphore_mem>>) src(%arg13 : memref<64x16xf32, #tpu.memory_space<vmem>>) dst(%dma_wait3A_786 : memref<10240x16xf32, #tpu.memory_space<vmem_shared>>)
      tpu.yield
    }) : () -> ()
    %add3A_106 = arith.constant 192 : i32
    %add3A_107 = arith.addi %mul3A_2, %add3A_106 : i32
    %add3A_108 = arith.constant 0 : i32
    %add3A_109 = arith.addi %add3A_107, %add3A_108 : i32
    %add3A_110 = vector.broadcast %add3A_109 : i32 to vector<16xi32>
    %add3A_111 = arith.addi %add3A_110, %iota3A : vector<16xi32>
    %swap3A_112 = arith.constant 0 : index
    %swap3A_113 = tpu.vector_load %arg10[%swap3A_112] {strides = array<i32>} : memref<64xi32, #tpu.memory_space<vmem>>, vector<16xi32>,
    tpu.vector_store %arg10[%swap3A_112], %add3A_111 {strides = array<i32>} : memref<64xi32, #tpu.memory_space<vmem>>, vector<16xi32>,
    %add3A_114 = arith.constant 192 : i32
    %add3A_115 = arith.addi %mul3A_2, %add3A_114 : i32
    %add3A_116 = arith.constant 16 : i32
    %add3A_117 = arith.addi %add3A_115, %add3A_116 : i32
    %add3A_118 = vector.broadcast %add3A_117 : i32 to vector<16xi32>
    %add3A_119 = arith.addi %add3A_118, %iota3A : vector<16xi32>
    %swap3A_120 = arith.constant 16 : index
    %swap3A_121 = tpu.vector_load %arg10[%swap3A_120] {strides = array<i32>} : memref<64xi32, #tpu.memory_space<vmem>>, vector<16xi32>,
    tpu.vector_store %arg10[%swap3A_120], %add3A_119 {strides = array<i32>} : memref<64xi32, #tpu.memory_space<vmem>>, vector<16xi32>,
    %add3A_122 = arith.constant 192 : i32
    %add3A_123 = arith.addi %mul3A_2, %add3A_122 : i32
    %add3A_124 = arith.constant 32 : i32
    %add3A_125 = arith.addi %add3A_123, %add3A_124 : i32
    %add3A_126 = vector.broadcast %add3A_125 : i32 to vector<16xi32>
    %add3A_127 = arith.addi %add3A_126, %iota3A : vector<16xi32>
    %swap3A_128 = arith.constant 32 : index
    %swap3A_129 = tpu.vector_load %arg10[%swap3A_128] {strides = array<i32>} : memref<64xi32, #tpu.memory_space<vmem>>, vector<16xi32>,
    tpu.vector_store %arg10[%swap3A_128], %add3A_127 {strides = array<i32>} : memref<64xi32, #tpu.memory_space<vmem>>, vector<16xi32>,
    %add3A_130 = arith.constant 192 : i32
    %add3A_131 = arith.addi %mul3A_2, %add3A_130 : i32
    %add3A_132 = arith.constant 48 : i32
    %add3A_133 = arith.addi %add3A_131, %add3A_132 : i32
    %add3A_134 = vector.broadcast %add3A_133 : i32 to vector<16xi32>
    %add3A_135 = arith.addi %add3A_134, %iota3A : vector<16xi32>
    %swap3A_136 = arith.constant 48 : index
    %swap3A_137 = tpu.vector_load %arg10[%swap3A_136] {strides = array<i32>} : memref<64xi32, #tpu.memory_space<vmem>>, vector<16xi32>,
    tpu.vector_store %arg10[%swap3A_136], %add3A_135 {strides = array<i32>} : memref<64xi32, #tpu.memory_space<vmem>>, vector<16xi32>,
    "tpu.region"() ({
      %run_scoped3A = tpu.sem_alloc : memref<!tpu.dma_semaphore, #tpu.memory_space<semaphore_mem>>
      %dma_start3A = arith.constant 0 : i32
      %dma_start3A_783 = arith.constant 0 : i32
      %dma_start3A_784 = tpu.memref_slice %arg14[%dma_start3A, %dma_start3A_783] : memref<10240x128xf32, #tpu.memory_space<vmem_shared>> -> memref<10240x128xf32, #tpu.memory_space<vmem_shared>>
      tpu.enqueue_indirect_dma source(%arg11 : memref<64x128xf32, #tpu.memory_space<vmem>>) target(%dma_start3A_784 : memref<10240x128xf32, #tpu.memory_space<vmem_shared>>) offsets(%arg10 : memref<64xi32, #tpu.memory_space<vmem>>) semaphore(%run_scoped3A : memref<!tpu.dma_semaphore, #tpu.memory_space<semaphore_mem>>)
      %dma_wait3A = arith.constant 0 : i32
      %dma_wait3A_785 = arith.constant 0 : i32
      %dma_wait3A_786 = tpu.memref_slice %arg14[%dma_wait3A, %dma_wait3A_785] : memref<10240x128xf32, #tpu.memory_space<vmem_shared>> -> memref<10240x128xf32, #tpu.memory_space<vmem_shared>>
      tpu.wait_indirect_dma semaphore(%run_scoped3A : memref<!tpu.dma_semaphore, #tpu.memory_space<semaphore_mem>>) src(%arg11 : memref<64x128xf32, #tpu.memory_space<vmem>>) dst(%dma_wait3A_786 : memref<10240x128xf32, #tpu.memory_space<vmem_shared>>)
      tpu.yield
    }) : () -> ()
    "tpu.region"() ({
      %run_scoped3A = tpu.sem_alloc : memref<!tpu.dma_semaphore, #tpu.memory_space<semaphore_mem>>
      %dma_start3A = arith.constant 0 : i32
      %dma_start3A_783 = arith.constant 0 : i32
      %dma_start3A_784 = tpu.memref_slice %arg15[%dma_start3A, %dma_start3A_783] : memref<10240x16xf32, #tpu.memory_space<vmem_shared>> -> memref<10240x16xf32, #tpu.memory_space<vmem_shared>>
      tpu.enqueue_indirect_dma source(%arg13 : memref<64x16xf32, #tpu.memory_space<vmem>>) target(%dma_start3A_784 : memref<10240x16xf32, #tpu.memory_space<vmem_shared>>) offsets(%arg10 : memref<64xi32, #tpu.memory_space<vmem>>) semaphore(%run_scoped3A : memref<!tpu.dma_semaphore, #tpu.memory_space<semaphore_mem>>)
      %dma_wait3A = arith.constant 0 : i32
      %dma_wait3A_785 = arith.constant 0 : i32
      %dma_wait3A_786 = tpu.memref_slice %arg15[%dma_wait3A, %dma_wait3A_785] : memref<10240x16xf32, #tpu.memory_space<vmem_shared>> -> memref<10240x16xf32, #tpu.memory_space<vmem_shared>>
      tpu.wait_indirect_dma semaphore(%run_scoped3A : memref<!tpu.dma_semaphore, #tpu.memory_space<semaphore_mem>>) src(%arg13 : memref<64x16xf32, #tpu.memory_space<vmem>>) dst(%dma_wait3A_786 : memref<10240x16xf32, #tpu.memory_space<vmem_shared>>)
      tpu.yield
    }) : () -> ()
    %add3A_138 = arith.constant 256 : i32
    %add3A_139 = arith.addi %mul3A_2, %add3A_138 : i32
    %add3A_140 = arith.constant 0 : i32
    %add3A_141 = arith.addi %add3A_139, %add3A_140 : i32
    %add3A_142 = vector.broadcast %add3A_141 : i32 to vector<16xi32>
    %add3A_143 = arith.addi %add3A_142, %iota3A : vector<16xi32>
    %swap3A_144 = arith.constant 0 : index
    %swap3A_145 = tpu.vector_load %arg10[%swap3A_144] {strides = array<i32>} : memref<64xi32, #tpu.memory_space<vmem>>, vector<16xi32>,
    tpu.vector_store %arg10[%swap3A_144], %add3A_143 {strides = array<i32>} : memref<64xi32, #tpu.memory_space<vmem>>, vector<16xi32>,
    %add3A_146 = arith.constant 256 : i32
    %add3A_147 = arith.addi %mul3A_2, %add3A_146 : i32
    %add3A_148 = arith.constant 16 : i32
    %add3A_149 = arith.addi %add3A_147, %add3A_148 : i32
    %add3A_150 = vector.broadcast %add3A_149 : i32 to vector<16xi32>
    %add3A_151 = arith.addi %add3A_150, %iota3A : vector<16xi32>
    %swap3A_152 = arith.constant 16 : index
    %swap3A_153 = tpu.vector_load %arg10[%swap3A_152] {strides = array<i32>} : memref<64xi32, #tpu.memory_space<vmem>>, vector<16xi32>,
    tpu.vector_store %arg10[%swap3A_152], %add3A_151 {strides = array<i32>} : memref<64xi32, #tpu.memory_space<vmem>>, vector<16xi32>,
    %add3A_154 = arith.constant 256 : i32
    %add3A_155 = arith.addi %mul3A_2, %add3A_154 : i32
    %add3A_156 = arith.constant 32 : i32
    %add3A_157 = arith.addi %add3A_155, %add3A_156 : i32
    %add3A_158 = vector.broadcast %add3A_157 : i32 to vector<16xi32>
    %add3A_159 = arith.addi %add3A_158, %iota3A : vector<16xi32>
    %swap3A_160 = arith.constant 32 : index
    %swap3A_161 = tpu.vector_load %arg10[%swap3A_160] {strides = array<i32>} : memref<64xi32, #tpu.memory_space<vmem>>, vector<16xi32>,
    tpu.vector_store %arg10[%swap3A_160], %add3A_159 {strides = array<i32>} : memref<64xi32, #tpu.memory_space<vmem>>, vector<16xi32>,
    %add3A_162 = arith.constant 256 : i32
    %add3A_163 = arith.addi %mul3A_2, %add3A_162 : i32
    %add3A_164 = arith.constant 48 : i32
    %add3A_165 = arith.addi %add3A_163, %add3A_164 : i32
    %add3A_166 = vector.broadcast %add3A_165 : i32 to vector<16xi32>
    %add3A_167 = arith.addi %add3A_166, %iota3A : vector<16xi32>
    %swap3A_168 = arith.constant 48 : index
    %swap3A_169 = tpu.vector_load %arg10[%swap3A_168] {strides = array<i32>} : memref<64xi32, #tpu.memory_space<vmem>>, vector<16xi32>,
    tpu.vector_store %arg10[%swap3A_168], %add3A_167 {strides = array<i32>} : memref<64xi32, #tpu.memory_space<vmem>>, vector<16xi32>,
    "tpu.region"() ({
      %run_scoped3A = tpu.sem_alloc : memref<!tpu.dma_semaphore, #tpu.memory_space<semaphore_mem>>
      %dma_start3A = arith.constant 0 : i32
      %dma_start3A_783 = arith.constant 0 : i32
      %dma_start3A_784 = tpu.memref_slice %arg14[%dma_start3A, %dma_start3A_783] : memref<10240x128xf32, #tpu.memory_space<vmem_shared>> -> memref<10240x128xf32, #tpu.memory_space<vmem_shared>>
      tpu.enqueue_indirect_dma source(%arg11 : memref<64x128xf32, #tpu.memory_space<vmem>>) target(%dma_start3A_784 : memref<10240x128xf32, #tpu.memory_space<vmem_shared>>) offsets(%arg10 : memref<64xi32, #tpu.memory_space<vmem>>) semaphore(%run_scoped3A : memref<!tpu.dma_semaphore, #tpu.memory_space<semaphore_mem>>)
      %dma_wait3A = arith.constant 0 : i32
      %dma_wait3A_785 = arith.constant 0 : i32
      %dma_wait3A_786 = tpu.memref_slice %arg14[%dma_wait3A, %dma_wait3A_785] : memref<10240x128xf32, #tpu.memory_space<vmem_shared>> -> memref<10240x128xf32, #tpu.memory_space<vmem_shared>>
      tpu.wait_indirect_dma semaphore(%run_scoped3A : memref<!tpu.dma_semaphore, #tpu.memory_space<semaphore_mem>>) src(%arg11 : memref<64x128xf32, #tpu.memory_space<vmem>>) dst(%dma_wait3A_786 : memref<10240x128xf32, #tpu.memory_space<vmem_shared>>)
      tpu.yield
    }) : () -> ()
    "tpu.region"() ({
      %run_scoped3A = tpu.sem_alloc : memref<!tpu.dma_semaphore, #tpu.memory_space<semaphore_mem>>
      %dma_start3A = arith.constant 0 : i32
      %dma_start3A_783 = arith.constant 0 : i32
      %dma_start3A_784 = tpu.memref_slice %arg15[%dma_start3A, %dma_start3A_783] : memref<10240x16xf32, #tpu.memory_space<vmem_shared>> -> memref<10240x16xf32, #tpu.memory_space<vmem_shared>>
      tpu.enqueue_indirect_dma source(%arg13 : memref<64x16xf32, #tpu.memory_space<vmem>>) target(%dma_start3A_784 : memref<10240x16xf32, #tpu.memory_space<vmem_shared>>) offsets(%arg10 : memref<64xi32, #tpu.memory_space<vmem>>) semaphore(%run_scoped3A : memref<!tpu.dma_semaphore, #tpu.memory_space<semaphore_mem>>)
      %dma_wait3A = arith.constant 0 : i32
      %dma_wait3A_785 = arith.constant 0 : i32
      %dma_wait3A_786 = tpu.memref_slice %arg15[%dma_wait3A, %dma_wait3A_785] : memref<10240x16xf32, #tpu.memory_space<vmem_shared>> -> memref<10240x16xf32, #tpu.memory_space<vmem_shared>>
      tpu.wait_indirect_dma semaphore(%run_scoped3A : memref<!tpu.dma_semaphore, #tpu.memory_space<semaphore_mem>>) src(%arg13 : memref<64x16xf32, #tpu.memory_space<vmem>>) dst(%dma_wait3A_786 : memref<10240x16xf32, #tpu.memory_space<vmem_shared>>)
      tpu.yield
    }) : () -> ()
    %add3A_170 = arith.constant 320 : i32
    %add3A_171 = arith.addi %mul3A_2, %add3A_170 : i32
    %add3A_172 = arith.constant 0 : i32
    %add3A_173 = arith.addi %add3A_171, %add3A_172 : i32
    %add3A_174 = vector.broadcast %add3A_173 : i32 to vector<16xi32>
    %add3A_175 = arith.addi %add3A_174, %iota3A : vector<16xi32>
    %swap3A_176 = arith.constant 0 : index
    %swap3A_177 = tpu.vector_load %arg10[%swap3A_176] {strides = array<i32>} : memref<64xi32, #tpu.memory_space<vmem>>, vector<16xi32>,
    tpu.vector_store %arg10[%swap3A_176], %add3A_175 {strides = array<i32>} : memref<64xi32, #tpu.memory_space<vmem>>, vector<16xi32>,
    %add3A_178 = arith.constant 320 : i32
    %add3A_179 = arith.addi %mul3A_2, %add3A_178 : i32
    %add3A_180 = arith.constant 16 : i32
    %add3A_181 = arith.addi %add3A_179, %add3A_180 : i32
    %add3A_182 = vector.broadcast %add3A_181 : i32 to vector<16xi32>
    %add3A_183 = arith.addi %add3A_182, %iota3A : vector<16xi32>
    %swap3A_184 = arith.constant 16 : index
    %swap3A_185 = tpu.vector_load %arg10[%swap3A_184] {strides = array<i32>} : memref<64xi32, #tpu.memory_space<vmem>>, vector<16xi32>,
    tpu.vector_store %arg10[%swap3A_184], %add3A_183 {strides = array<i32>} : memref<64xi32, #tpu.memory_space<vmem>>, vector<16xi32>,
    %add3A_186 = arith.constant 320 : i32
    %add3A_187 = arith.addi %mul3A_2, %add3A_186 : i32
    %add3A_188 = arith.constant 32 : i32
    %add3A_189 = arith.addi %add3A_187, %add3A_188 : i32
    %add3A_190 = vector.broadcast %add3A_189 : i32 to vector<16xi32>
    %add3A_191 = arith.addi %add3A_190, %iota3A : vector<16xi32>
    %swap3A_192 = arith.constant 32 : index
    %swap3A_193 = tpu.vector_load %arg10[%swap3A_192] {strides = array<i32>} : memref<64xi32, #tpu.memory_space<vmem>>, vector<16xi32>,
    tpu.vector_store %arg10[%swap3A_192], %add3A_191 {strides = array<i32>} : memref<64xi32, #tpu.memory_space<vmem>>, vector<16xi32>,
    %add3A_194 = arith.constant 320 : i32
    %add3A_195 = arith.addi %mul3A_2, %add3A_194 : i32
    %add3A_196 = arith.constant 48 : i32
    %add3A_197 = arith.addi %add3A_195, %add3A_196 : i32
    %add3A_198 = vector.broadcast %add3A_197 : i32 to vector<16xi32>
    %add3A_199 = arith.addi %add3A_198, %iota3A : vector<16xi32>
    %swap3A_200 = arith.constant 48 : index
    %swap3A_201 = tpu.vector_load %arg10[%swap3A_200] {strides = array<i32>} : memref<64xi32, #tpu.memory_space<vmem>>, vector<16xi32>,
    tpu.vector_store %arg10[%swap3A_200], %add3A_199 {strides = array<i32>} : memref<64xi32, #tpu.memory_space<vmem>>, vector<16xi32>,
    "tpu.region"() ({
      %run_scoped3A = tpu.sem_alloc : memref<!tpu.dma_semaphore, #tpu.memory_space<semaphore_mem>>
      %dma_start3A = arith.constant 0 : i32
      %dma_start3A_783 = arith.constant 0 : i32
      %dma_start3A_784 = tpu.memref_slice %arg14[%dma_start3A, %dma_start3A_783] : memref<10240x128xf32, #tpu.memory_space<vmem_shared>> -> memref<10240x128xf32, #tpu.memory_space<vmem_shared>>
      tpu.enqueue_indirect_dma source(%arg11 : memref<64x128xf32, #tpu.memory_space<vmem>>) target(%dma_start3A_784 : memref<10240x128xf32, #tpu.memory_space<vmem_shared>>) offsets(%arg10 : memref<64xi32, #tpu.memory_space<vmem>>) semaphore(%run_scoped3A : memref<!tpu.dma_semaphore, #tpu.memory_space<semaphore_mem>>)
      %dma_wait3A = arith.constant 0 : i32
      %dma_wait3A_785 = arith.constant 0 : i32
      %dma_wait3A_786 = tpu.memref_slice %arg14[%dma_wait3A, %dma_wait3A_785] : memref<10240x128xf32, #tpu.memory_space<vmem_shared>> -> memref<10240x128xf32, #tpu.memory_space<vmem_shared>>
      tpu.wait_indirect_dma semaphore(%run_scoped3A : memref<!tpu.dma_semaphore, #tpu.memory_space<semaphore_mem>>) src(%arg11 : memref<64x128xf32, #tpu.memory_space<vmem>>) dst(%dma_wait3A_786 : memref<10240x128xf32, #tpu.memory_space<vmem_shared>>)
      tpu.yield
    }) : () -> ()
    "tpu.region"() ({
      %run_scoped3A = tpu.sem_alloc : memref<!tpu.dma_semaphore, #tpu.memory_space<semaphore_mem>>
      %dma_start3A = arith.constant 0 : i32
      %dma_start3A_783 = arith.constant 0 : i32
      %dma_start3A_784 = tpu.memref_slice %arg15[%dma_start3A, %dma_start3A_783] : memref<10240x16xf32, #tpu.memory_space<vmem_shared>> -> memref<10240x16xf32, #tpu.memory_space<vmem_shared>>
      tpu.enqueue_indirect_dma source(%arg13 : memref<64x16xf32, #tpu.memory_space<vmem>>) target(%dma_start3A_784 : memref<10240x16xf32, #tpu.memory_space<vmem_shared>>) offsets(%arg10 : memref<64xi32, #tpu.memory_space<vmem>>) semaphore(%run_scoped3A : memref<!tpu.dma_semaphore, #tpu.memory_space<semaphore_mem>>)
      %dma_wait3A = arith.constant 0 : i32
      %dma_wait3A_785 = arith.constant 0 : i32
      %dma_wait3A_786 = tpu.memref_slice %arg15[%dma_wait3A, %dma_wait3A_785] : memref<10240x16xf32, #tpu.memory_space<vmem_shared>> -> memref<10240x16xf32, #tpu.memory_space<vmem_shared>>
      tpu.wait_indirect_dma semaphore(%run_scoped3A : memref<!tpu.dma_semaphore, #tpu.memory_space<semaphore_mem>>) src(%arg13 : memref<64x16xf32, #tpu.memory_space<vmem>>) dst(%dma_wait3A_786 : memref<10240x16xf32, #tpu.memory_space<vmem_shared>>)
      tpu.yield
    }) : () -> ()
    %add3A_202 = arith.constant 384 : i32
    %add3A_203 = arith.addi %mul3A_2, %add3A_202 : i32
    %add3A_204 = arith.constant 0 : i32
    %add3A_205 = arith.addi %add3A_203, %add3A_204 : i32
    %add3A_206 = vector.broadcast %add3A_205 : i32 to vector<16xi32>
    %add3A_207 = arith.addi %add3A_206, %iota3A : vector<16xi32>
    %swap3A_208 = arith.constant 0 : index
    %swap3A_209 = tpu.vector_load %arg10[%swap3A_208] {strides = array<i32>} : memref<64xi32, #tpu.memory_space<vmem>>, vector<16xi32>,
    tpu.vector_store %arg10[%swap3A_208], %add3A_207 {strides = array<i32>} : memref<64xi32, #tpu.memory_space<vmem>>, vector<16xi32>,
    %add3A_210 = arith.constant 384 : i32
    %add3A_211 = arith.addi %mul3A_2, %add3A_210 : i32
    %add3A_212 = arith.constant 16 : i32
    %add3A_213 = arith.addi %add3A_211, %add3A_212 : i32
    %add3A_214 = vector.broadcast %add3A_213 : i32 to vector<16xi32>
    %add3A_215 = arith.addi %add3A_214, %iota3A : vector<16xi32>
    %swap3A_216 = arith.constant 16 : index
    %swap3A_217 = tpu.vector_load %arg10[%swap3A_216] {strides = array<i32>} : memref<64xi32, #tpu.memory_space<vmem>>, vector<16xi32>,
    tpu.vector_store %arg10[%swap3A_216], %add3A_215 {strides = array<i32>} : memref<64xi32, #tpu.memory_space<vmem>>, vector<16xi32>,
    %add3A_218 = arith.constant 384 : i32
    %add3A_219 = arith.addi %mul3A_2, %add3A_218 : i32
    %add3A_220 = arith.constant 32 : i32
    %add3A_221 = arith.addi %add3A_219, %add3A_220 : i32
    %add3A_222 = vector.broadcast %add3A_221 : i32 to vector<16xi32>
    %add3A_223 = arith.addi %add3A_222, %iota3A : vector<16xi32>
    %swap3A_224 = arith.constant 32 : index
    %swap3A_225 = tpu.vector_load %arg10[%swap3A_224] {strides = array<i32>} : memref<64xi32, #tpu.memory_space<vmem>>, vector<16xi32>,
    tpu.vector_store %arg10[%swap3A_224], %add3A_223 {strides = array<i32>} : memref<64xi32, #tpu.memory_space<vmem>>, vector<16xi32>,
    %add3A_226 = arith.constant 384 : i32
    %add3A_227 = arith.addi %mul3A_2, %add3A_226 : i32
    %add3A_228 = arith.constant 48 : i32
    %add3A_229 = arith.addi %add3A_227, %add3A_228 : i32
    %add3A_230 = vector.broadcast %add3A_229 : i32 to vector<16xi32>
    %add3A_231 = arith.addi %add3A_230, %iota3A : vector<16xi32>
    %swap3A_232 = arith.constant 48 : index
    %swap3A_233 = tpu.vector_load %arg10[%swap3A_232] {strides = array<i32>} : memref<64xi32, #tpu.memory_space<vmem>>, vector<16xi32>,
    tpu.vector_store %arg10[%swap3A_232], %add3A_231 {strides = array<i32>} : memref<64xi32, #tpu.memory_space<vmem>>, vector<16xi32>,
    "tpu.region"() ({
      %run_scoped3A = tpu.sem_alloc : memref<!tpu.dma_semaphore, #tpu.memory_space<semaphore_mem>>
      %dma_start3A = arith.constant 0 : i32
      %dma_start3A_783 = arith.constant 0 : i32
      %dma_start3A_784 = tpu.memref_slice %arg14[%dma_start3A, %dma_start3A_783] : memref<10240x128xf32, #tpu.memory_space<vmem_shared>> -> memref<10240x128xf32, #tpu.memory_space<vmem_shared>>
      tpu.enqueue_indirect_dma source(%arg11 : memref<64x128xf32, #tpu.memory_space<vmem>>) target(%dma_start3A_784 : memref<10240x128xf32, #tpu.memory_space<vmem_shared>>) offsets(%arg10 : memref<64xi32, #tpu.memory_space<vmem>>) semaphore(%run_scoped3A : memref<!tpu.dma_semaphore, #tpu.memory_space<semaphore_mem>>)
      %dma_wait3A = arith.constant 0 : i32
      %dma_wait3A_785 = arith.constant 0 : i32
      %dma_wait3A_786 = tpu.memref_slice %arg14[%dma_wait3A, %dma_wait3A_785] : memref<10240x128xf32, #tpu.memory_space<vmem_shared>> -> memref<10240x128xf32, #tpu.memory_space<vmem_shared>>
      tpu.wait_indirect_dma semaphore(%run_scoped3A : memref<!tpu.dma_semaphore, #tpu.memory_space<semaphore_mem>>) src(%arg11 : memref<64x128xf32, #tpu.memory_space<vmem>>) dst(%dma_wait3A_786 : memref<10240x128xf32, #tpu.memory_space<vmem_shared>>)
      tpu.yield
    }) : () -> ()
    "tpu.region"() ({
      %run_scoped3A = tpu.sem_alloc : memref<!tpu.dma_semaphore, #tpu.memory_space<semaphore_mem>>
      %dma_start3A = arith.constant 0 : i32
      %dma_start3A_783 = arith.constant 0 : i32
      %dma_start3A_784 = tpu.memref_slice %arg15[%dma_start3A, %dma_start3A_783] : memref<10240x16xf32, #tpu.memory_space<vmem_shared>> -> memref<10240x16xf32, #tpu.memory_space<vmem_shared>>
      tpu.enqueue_indirect_dma source(%arg13 : memref<64x16xf32, #tpu.memory_space<vmem>>) target(%dma_start3A_784 : memref<10240x16xf32, #tpu.memory_space<vmem_shared>>) offsets(%arg10 : memref<64xi32, #tpu.memory_space<vmem>>) semaphore(%run_scoped3A : memref<!tpu.dma_semaphore, #tpu.memory_space<semaphore_mem>>)
      %dma_wait3A = arith.constant 0 : i32
      %dma_wait3A_785 = arith.constant 0 : i32
      %dma_wait3A_786 = tpu.memref_slice %arg15[%dma_wait3A, %dma_wait3A_785] : memref<10240x16xf32, #tpu.memory_space<vmem_shared>> -> memref<10240x16xf32, #tpu.memory_space<vmem_shared>>
      tpu.wait_indirect_dma semaphore(%run_scoped3A : memref<!tpu.dma_semaphore, #tpu.memory_space<semaphore_mem>>) src(%arg13 : memref<64x16xf32, #tpu.memory_space<vmem>>) dst(%dma_wait3A_786 : memref<10240x16xf32, #tpu.memory_space<vmem_shared>>)
      tpu.yield
    }) : () -> ()
    %add3A_234 = arith.constant 448 : i32
    %add3A_235 = arith.addi %mul3A_2, %add3A_234 : i32
    %add3A_236 = arith.constant 0 : i32
    %add3A_237 = arith.addi %add3A_235, %add3A_236 : i32
    %add3A_238 = vector.broadcast %add3A_237 : i32 to vector<16xi32>
    %add3A_239 = arith.addi %add3A_238, %iota3A : vector<16xi32>
    %swap3A_240 = arith.constant 0 : index
    %swap3A_241 = tpu.vector_load %arg10[%swap3A_240] {strides = array<i32>} : memref<64xi32, #tpu.memory_space<vmem>>, vector<16xi32>,
    tpu.vector_store %arg10[%swap3A_240], %add3A_239 {strides = array<i32>} : memref<64xi32, #tpu.memory_space<vmem>>, vector<16xi32>,
    %add3A_242 = arith.constant 448 : i32
    %add3A_243 = arith.addi %mul3A_2, %add3A_242 : i32
    %add3A_244 = arith.constant 16 : i32
    %add3A_245 = arith.addi %add3A_243, %add3A_244 : i32
    %add3A_246 = vector.broadcast %add3A_245 : i32 to vector<16xi32>
    %add3A_247 = arith.addi %add3A_246, %iota3A : vector<16xi32>
    %swap3A_248 = arith.constant 16 : index
    %swap3A_249 = tpu.vector_load %arg10[%swap3A_248] {strides = array<i32>} : memref<64xi32, #tpu.memory_space<vmem>>, vector<16xi32>,
    tpu.vector_store %arg10[%swap3A_248], %add3A_247 {strides = array<i32>} : memref<64xi32, #tpu.memory_space<vmem>>, vector<16xi32>,
    %add3A_250 = arith.constant 448 : i32
    %add3A_251 = arith.addi %mul3A_2, %add3A_250 : i32
    %add3A_252 = arith.constant 32 : i32
    %add3A_253 = arith.addi %add3A_251, %add3A_252 : i32
    %add3A_254 = vector.broadcast %add3A_253 : i32 to vector<16xi32>
    %add3A_255 = arith.addi %add3A_254, %iota3A : vector<16xi32>
    %swap3A_256 = arith.constant 32 : index
    %swap3A_257 = tpu.vector_load %arg10[%swap3A_256] {strides = array<i32>} : memref<64xi32, #tpu.memory_space<vmem>>, vector<16xi32>,
    tpu.vector_store %arg10[%swap3A_256], %add3A_255 {strides = array<i32>} : memref<64xi32, #tpu.memory_space<vmem>>, vector<16xi32>,
    %add3A_258 = arith.constant 448 : i32
    %add3A_259 = arith.addi %mul3A_2, %add3A_258 : i32
    %add3A_260 = arith.constant 48 : i32
    %add3A_261 = arith.addi %add3A_259, %add3A_260 : i32
    %add3A_262 = vector.broadcast %add3A_261 : i32 to vector<16xi32>
    %add3A_263 = arith.addi %add3A_262, %iota3A : vector<16xi32>
    %swap3A_264 = arith.constant 48 : index
    %swap3A_265 = tpu.vector_load %arg10[%swap3A_264] {strides = array<i32>} : memref<64xi32, #tpu.memory_space<vmem>>, vector<16xi32>,
    tpu.vector_store %arg10[%swap3A_264], %add3A_263 {strides = array<i32>} : memref<64xi32, #tpu.memory_space<vmem>>, vector<16xi32>,
    "tpu.region"() ({
      %run_scoped3A = tpu.sem_alloc : memref<!tpu.dma_semaphore, #tpu.memory_space<semaphore_mem>>
      %dma_start3A = arith.constant 0 : i32
      %dma_start3A_783 = arith.constant 0 : i32
      %dma_start3A_784 = tpu.memref_slice %arg14[%dma_start3A, %dma_start3A_783] : memref<10240x128xf32, #tpu.memory_space<vmem_shared>> -> memref<10240x128xf32, #tpu.memory_space<vmem_shared>>
      tpu.enqueue_indirect_dma source(%arg11 : memref<64x128xf32, #tpu.memory_space<vmem>>) target(%dma_start3A_784 : memref<10240x128xf32, #tpu.memory_space<vmem_shared>>) offsets(%arg10 : memref<64xi32, #tpu.memory_space<vmem>>) semaphore(%run_scoped3A : memref<!tpu.dma_semaphore, #tpu.memory_space<semaphore_mem>>)
      %dma_wait3A = arith.constant 0 : i32
      %dma_wait3A_785 = arith.constant 0 : i32
      %dma_wait3A_786 = tpu.memref_slice %arg14[%dma_wait3A, %dma_wait3A_785] : memref<10240x128xf32, #tpu.memory_space<vmem_shared>> -> memref<10240x128xf32, #tpu.memory_space<vmem_shared>>
      tpu.wait_indirect_dma semaphore(%run_scoped3A : memref<!tpu.dma_semaphore, #tpu.memory_space<semaphore_mem>>) src(%arg11 : memref<64x128xf32, #tpu.memory_space<vmem>>) dst(%dma_wait3A_786 : memref<10240x128xf32, #tpu.memory_space<vmem_shared>>)
      tpu.yield
    }) : () -> ()
    "tpu.region"() ({
      %run_scoped3A = tpu.sem_alloc : memref<!tpu.dma_semaphore, #tpu.memory_space<semaphore_mem>>
      %dma_start3A = arith.constant 0 : i32
      %dma_start3A_783 = arith.constant 0 : i32
      %dma_start3A_784 = tpu.memref_slice %arg15[%dma_start3A, %dma_start3A_783] : memref<10240x16xf32, #tpu.memory_space<vmem_shared>> -> memref<10240x16xf32, #tpu.memory_space<vmem_shared>>
      tpu.enqueue_indirect_dma source(%arg13 : memref<64x16xf32, #tpu.memory_space<vmem>>) target(%dma_start3A_784 : memref<10240x16xf32, #tpu.memory_space<vmem_shared>>) offsets(%arg10 : memref<64xi32, #tpu.memory_space<vmem>>) semaphore(%run_scoped3A : memref<!tpu.dma_semaphore, #tpu.memory_space<semaphore_mem>>)
      %dma_wait3A = arith.constant 0 : i32
      %dma_wait3A_785 = arith.constant 0 : i32
      %dma_wait3A_786 = tpu.memref_slice %arg15[%dma_wait3A, %dma_wait3A_785] : memref<10240x16xf32, #tpu.memory_space<vmem_shared>> -> memref<10240x16xf32, #tpu.memory_space<vmem_shared>>
      tpu.wait_indirect_dma semaphore(%run_scoped3A : memref<!tpu.dma_semaphore, #tpu.memory_space<semaphore_mem>>) src(%arg13 : memref<64x16xf32, #tpu.memory_space<vmem>>) dst(%dma_wait3A_786 : memref<10240x16xf32, #tpu.memory_space<vmem_shared>>)
      tpu.yield
    }) : () -> ()
    %add3A_266 = arith.constant 512 : i32
    %add3A_267 = arith.addi %mul3A_2, %add3A_266 : i32
    %add3A_268 = arith.constant 0 : i32
    %add3A_269 = arith.addi %add3A_267, %add3A_268 : i32
    %add3A_270 = vector.broadcast %add3A_269 : i32 to vector<16xi32>
    %add3A_271 = arith.addi %add3A_270, %iota3A : vector<16xi32>
    %swap3A_272 = arith.constant 0 : index
    %swap3A_273 = tpu.vector_load %arg10[%swap3A_272] {strides = array<i32>} : memref<64xi32, #tpu.memory_space<vmem>>, vector<16xi32>,
    tpu.vector_store %arg10[%swap3A_272], %add3A_271 {strides = array<i32>} : memref<64xi32, #tpu.memory_space<vmem>>, vector<16xi32>,
    %add3A_274 = arith.constant 512 : i32
    %add3A_275 = arith.addi %mul3A_2, %add3A_274 : i32
    %add3A_276 = arith.constant 16 : i32
    %add3A_277 = arith.addi %add3A_275, %add3A_276 : i32
    %add3A_278 = vector.broadcast %add3A_277 : i32 to vector<16xi32>
    %add3A_279 = arith.addi %add3A_278, %iota3A : vector<16xi32>
    %swap3A_280 = arith.constant 16 : index
    %swap3A_281 = tpu.vector_load %arg10[%swap3A_280] {strides = array<i32>} : memref<64xi32, #tpu.memory_space<vmem>>, vector<16xi32>,
    tpu.vector_store %arg10[%swap3A_280], %add3A_279 {strides = array<i32>} : memref<64xi32, #tpu.memory_space<vmem>>, vector<16xi32>,
    %add3A_282 = arith.constant 512 : i32
    %add3A_283 = arith.addi %mul3A_2, %add3A_282 : i32
    %add3A_284 = arith.constant 32 : i32
    %add3A_285 = arith.addi %add3A_283, %add3A_284 : i32
    %add3A_286 = vector.broadcast %add3A_285 : i32 to vector<16xi32>
    %add3A_287 = arith.addi %add3A_286, %iota3A : vector<16xi32>
    %swap3A_288 = arith.constant 32 : index
    %swap3A_289 = tpu.vector_load %arg10[%swap3A_288] {strides = array<i32>} : memref<64xi32, #tpu.memory_space<vmem>>, vector<16xi32>,
    tpu.vector_store %arg10[%swap3A_288], %add3A_287 {strides = array<i32>} : memref<64xi32, #tpu.memory_space<vmem>>, vector<16xi32>,
    %add3A_290 = arith.constant 512 : i32
    %add3A_291 = arith.addi %mul3A_2, %add3A_290 : i32
    %add3A_292 = arith.constant 48 : i32
    %add3A_293 = arith.addi %add3A_291, %add3A_292 : i32
    %add3A_294 = vector.broadcast %add3A_293 : i32 to vector<16xi32>
    %add3A_295 = arith.addi %add3A_294, %iota3A : vector<16xi32>
    %swap3A_296 = arith.constant 48 : index
    %swap3A_297 = tpu.vector_load %arg10[%swap3A_296] {strides = array<i32>} : memref<64xi32, #tpu.memory_space<vmem>>, vector<16xi32>,
    tpu.vector_store %arg10[%swap3A_296], %add3A_295 {strides = array<i32>} : memref<64xi32, #tpu.memory_space<vmem>>, vector<16xi32>,
    "tpu.region"() ({
      %run_scoped3A = tpu.sem_alloc : memref<!tpu.dma_semaphore, #tpu.memory_space<semaphore_mem>>
      %dma_start3A = arith.constant 0 : i32
      %dma_start3A_783 = arith.constant 0 : i32
      %dma_start3A_784 = tpu.memref_slice %arg14[%dma_start3A, %dma_start3A_783] : memref<10240x128xf32, #tpu.memory_space<vmem_shared>> -> memref<10240x128xf32, #tpu.memory_space<vmem_shared>>
      tpu.enqueue_indirect_dma source(%arg11 : memref<64x128xf32, #tpu.memory_space<vmem>>) target(%dma_start3A_784 : memref<10240x128xf32, #tpu.memory_space<vmem_shared>>) offsets(%arg10 : memref<64xi32, #tpu.memory_space<vmem>>) semaphore(%run_scoped3A : memref<!tpu.dma_semaphore, #tpu.memory_space<semaphore_mem>>)
      %dma_wait3A = arith.constant 0 : i32
      %dma_wait3A_785 = arith.constant 0 : i32
      %dma_wait3A_786 = tpu.memref_slice %arg14[%dma_wait3A, %dma_wait3A_785] : memref<10240x128xf32, #tpu.memory_space<vmem_shared>> -> memref<10240x128xf32, #tpu.memory_space<vmem_shared>>
      tpu.wait_indirect_dma semaphore(%run_scoped3A : memref<!tpu.dma_semaphore, #tpu.memory_space<semaphore_mem>>) src(%arg11 : memref<64x128xf32, #tpu.memory_space<vmem>>) dst(%dma_wait3A_786 : memref<10240x128xf32, #tpu.memory_space<vmem_shared>>)
      tpu.yield
    }) : () -> ()
    "tpu.region"() ({
      %run_scoped3A = tpu.sem_alloc : memref<!tpu.dma_semaphore, #tpu.memory_space<semaphore_mem>>
      %dma_start3A = arith.constant 0 : i32
      %dma_start3A_783 = arith.constant 0 : i32
      %dma_start3A_784 = tpu.memref_slice %arg15[%dma_start3A, %dma_start3A_783] : memref<10240x16xf32, #tpu.memory_space<vmem_shared>> -> memref<10240x16xf32, #tpu.memory_space<vmem_shared>>
      tpu.enqueue_indirect_dma source(%arg13 : memref<64x16xf32, #tpu.memory_space<vmem>>) target(%dma_start3A_784 : memref<10240x16xf32, #tpu.memory_space<vmem_shared>>) offsets(%arg10 : memref<64xi32, #tpu.memory_space<vmem>>) semaphore(%run_scoped3A : memref<!tpu.dma_semaphore, #tpu.memory_space<semaphore_mem>>)
      %dma_wait3A = arith.constant 0 : i32
      %dma_wait3A_785 = arith.constant 0 : i32
      %dma_wait3A_786 = tpu.memref_slice %arg15[%dma_wait3A, %dma_wait3A_785] : memref<10240x16xf32, #tpu.memory_space<vmem_shared>> -> memref<10240x16xf32, #tpu.memory_space<vmem_shared>>
      tpu.wait_indirect_dma semaphore(%run_scoped3A : memref<!tpu.dma_semaphore, #tpu.memory_space<semaphore_mem>>) src(%arg13 : memref<64x16xf32, #tpu.memory_space<vmem>>) dst(%dma_wait3A_786 : memref<10240x16xf32, #tpu.memory_space<vmem_shared>>)
      tpu.yield
    }) : () -> ()
    %add3A_298 = arith.constant 576 : i32
    %add3A_299 = arith.addi %mul3A_2, %add3A_298 : i32
    %add3A_300 = arith.constant 0 : i32
    %add3A_301 = arith.addi %add3A_299, %add3A_300 : i32
    %add3A_302 = vector.broadcast %add3A_301 : i32 to vector<16xi32>
    %add3A_303 = arith.addi %add3A_302, %iota3A : vector<16xi32>
    %swap3A_304 = arith.constant 0 : index
    %swap3A_305 = tpu.vector_load %arg10[%swap3A_304] {strides = array<i32>} : memref<64xi32, #tpu.memory_space<vmem>>, vector<16xi32>,
    tpu.vector_store %arg10[%swap3A_304], %add3A_303 {strides = array<i32>} : memref<64xi32, #tpu.memory_space<vmem>>, vector<16xi32>,
    %add3A_306 = arith.constant 576 : i32
    %add3A_307 = arith.addi %mul3A_2, %add3A_306 : i32
    %add3A_308 = arith.constant 16 : i32
    %add3A_309 = arith.addi %add3A_307, %add3A_308 : i32
    %add3A_310 = vector.broadcast %add3A_309 : i32 to vector<16xi32>
    %add3A_311 = arith.addi %add3A_310, %iota3A : vector<16xi32>
    %swap3A_312 = arith.constant 16 : index
    %swap3A_313 = tpu.vector_load %arg10[%swap3A_312] {strides = array<i32>} : memref<64xi32, #tpu.memory_space<vmem>>, vector<16xi32>,
    tpu.vector_store %arg10[%swap3A_312], %add3A_311 {strides = array<i32>} : memref<64xi32, #tpu.memory_space<vmem>>, vector<16xi32>,
    %add3A_314 = arith.constant 576 : i32
    %add3A_315 = arith.addi %mul3A_2, %add3A_314 : i32
    %add3A_316 = arith.constant 32 : i32
    %add3A_317 = arith.addi %add3A_315, %add3A_316 : i32
    %add3A_318 = vector.broadcast %add3A_317 : i32 to vector<16xi32>
    %add3A_319 = arith.addi %add3A_318, %iota3A : vector<16xi32>
    %swap3A_320 = arith.constant 32 : index
    %swap3A_321 = tpu.vector_load %arg10[%swap3A_320] {strides = array<i32>} : memref<64xi32, #tpu.memory_space<vmem>>, vector<16xi32>,
    tpu.vector_store %arg10[%swap3A_320], %add3A_319 {strides = array<i32>} : memref<64xi32, #tpu.memory_space<vmem>>, vector<16xi32>,
    %add3A_322 = arith.constant 576 : i32
    %add3A_323 = arith.addi %mul3A_2, %add3A_322 : i32
    %add3A_324 = arith.constant 48 : i32
    %add3A_325 = arith.addi %add3A_323, %add3A_324 : i32
    %add3A_326 = vector.broadcast %add3A_325 : i32 to vector<16xi32>
    %add3A_327 = arith.addi %add3A_326, %iota3A : vector<16xi32>
    %swap3A_328 = arith.constant 48 : index
    %swap3A_329 = tpu.vector_load %arg10[%swap3A_328] {strides = array<i32>} : memref<64xi32, #tpu.memory_space<vmem>>, vector<16xi32>,
    tpu.vector_store %arg10[%swap3A_328], %add3A_327 {strides = array<i32>} : memref<64xi32, #tpu.memory_space<vmem>>, vector<16xi32>,
    "tpu.region"() ({
      %run_scoped3A = tpu.sem_alloc : memref<!tpu.dma_semaphore, #tpu.memory_space<semaphore_mem>>
      %dma_start3A = arith.constant 0 : i32
      %dma_start3A_783 = arith.constant 0 : i32
      %dma_start3A_784 = tpu.memref_slice %arg14[%dma_start3A, %dma_start3A_783] : memref<10240x128xf32, #tpu.memory_space<vmem_shared>> -> memref<10240x128xf32, #tpu.memory_space<vmem_shared>>
      tpu.enqueue_indirect_dma source(%arg11 : memref<64x128xf32, #tpu.memory_space<vmem>>) target(%dma_start3A_784 : memref<10240x128xf32, #tpu.memory_space<vmem_shared>>) offsets(%arg10 : memref<64xi32, #tpu.memory_space<vmem>>) semaphore(%run_scoped3A : memref<!tpu.dma_semaphore, #tpu.memory_space<semaphore_mem>>)
      %dma_wait3A = arith.constant 0 : i32
      %dma_wait3A_785 = arith.constant 0 : i32
      %dma_wait3A_786 = tpu.memref_slice %arg14[%dma_wait3A, %dma_wait3A_785] : memref<10240x128xf32, #tpu.memory_space<vmem_shared>> -> memref<10240x128xf32, #tpu.memory_space<vmem_shared>>
      tpu.wait_indirect_dma semaphore(%run_scoped3A : memref<!tpu.dma_semaphore, #tpu.memory_space<semaphore_mem>>) src(%arg11 : memref<64x128xf32, #tpu.memory_space<vmem>>) dst(%dma_wait3A_786 : memref<10240x128xf32, #tpu.memory_space<vmem_shared>>)
      tpu.yield
    }) : () -> ()
    "tpu.region"() ({
      %run_scoped3A = tpu.sem_alloc : memref<!tpu.dma_semaphore, #tpu.memory_space<semaphore_mem>>
      %dma_start3A = arith.constant 0 : i32
      %dma_start3A_783 = arith.constant 0 : i32
      %dma_start3A_784 = tpu.memref_slice %arg15[%dma_start3A, %dma_start3A_783] : memref<10240x16xf32, #tpu.memory_space<vmem_shared>> -> memref<10240x16xf32, #tpu.memory_space<vmem_shared>>
      tpu.enqueue_indirect_dma source(%arg13 : memref<64x16xf32, #tpu.memory_space<vmem>>) target(%dma_start3A_784 : memref<10240x16xf32, #tpu.memory_space<vmem_shared>>) offsets(%arg10 : memref<64xi32, #tpu.memory_space<vmem>>) semaphore(%run_scoped3A : memref<!tpu.dma_semaphore, #tpu.memory_space<semaphore_mem>>)
      %dma_wait3A = arith.constant 0 : i32
      %dma_wait3A_785 = arith.constant 0 : i32
      %dma_wait3A_786 = tpu.memref_slice %arg15[%dma_wait3A, %dma_wait3A_785] : memref<10240x16xf32, #tpu.memory_space<vmem_shared>> -> memref<10240x16xf32, #tpu.memory_space<vmem_shared>>
      tpu.wait_indirect_dma semaphore(%run_scoped3A : memref<!tpu.dma_semaphore, #tpu.memory_space<semaphore_mem>>) src(%arg13 : memref<64x16xf32, #tpu.memory_space<vmem>>) dst(%dma_wait3A_786 : memref<10240x16xf32, #tpu.memory_space<vmem_shared>>)
      tpu.yield
    }) : () -> ()
    %barrier3A = arith.constant 0 : index
    tpu.barrier barrier_id(%barrier3A)
    %sub3A = arith.constant 5000 : i32
    %sub3A_330 = arith.subi %sub3A, %add3A : i32
    %add3A_331 = arith.constant 32 : i32
    %add3A_332 = arith.addi %sub3A_330, %add3A_331 : i32
    %sub3A_333 = arith.constant 1 : i32
    %sub3A_334 = arith.subi %add3A_332, %sub3A_333 : i32
    %jit3A = arith.constant 32 : i32
    %div3A = arith.divsi %sub3A_334, %jit3A : i32
    %sign3A = arith.constant 0 : i32
    %sign3A_335 = arith.cmpi sgt, %sub3A_334, %sign3A : i32
    %sign3A_336 = arith.extui %sign3A_335 : i1 to i32
    %sign3A_337 = arith.constant 0 : i32
    %sign3A_338 = arith.cmpi slt, %sub3A_334, %sign3A_337 : i32
    %sign3A_339 = arith.extui %sign3A_338 : i1 to i32
    %sign3A_340 = arith.subi %sign3A_336, %sign3A_339 : i32
    %sign3A_341 = arith.constant 0 : i32
    %sign3A_342 = arith.cmpi sgt, %jit3A, %sign3A_341 : i32
    %sign3A_343 = arith.extui %sign3A_342 : i1 to i32
    %sign3A_344 = arith.constant 0 : i32
    %sign3A_345 = arith.cmpi slt, %jit3A, %sign3A_344 : i32
    %sign3A_346 = arith.extui %sign3A_345 : i1 to i32
    %sign3A_347 = arith.subi %sign3A_343, %sign3A_346 : i32
    %ne3A = arith.cmpi ne, %sign3A_340, %sign3A_347 : i32
    %rem3A = arith.remsi %sub3A_334, %jit3A : i32
    %ne3A_348 = arith.constant 0 : i32
    %ne3A_349 = arith.cmpi ne, %rem3A, %ne3A_348 : i32
    %and3A = arith.andi %ne3A, %ne3A_349 : i1
    %sub3A_350 = arith.constant 1 : i32
    %sub3A_351 = arith.subi %div3A, %sub3A_350 : i32
    %select_n3A = arith.select %and3A, %sub3A_351, %div3A : i32
    %while3A = arith.constant 0 : i32
    %while3A_352 = arith.constant 0.0883883461 : f32
    %while3A_353 = arith.constant 0 : i32
    %while3A_354 = arith.subi %select_n3A, %while3A_353 : i32
    %while3A_355 = arith.addi %while3A_353, %while3A_354 : i32
    %while3A_356 = arith.constant 1 : i32
    %while3A_357 = arith.divsi %while3A_354, %while3A_356 : i32
    %while3A_358 = arith.muli %while3A_357, %while3A_356 : i32
    %while3A_359 = arith.addi %while3A_353, %while3A_358 : i32
    %while3A_360 = arith.constant 1 : i32
    scf.for %while3A_783 = %while3A_353 to %while3A_359 step %while3A_360  : i32 {
      %mul3A_784 = arith.constant 32 : i32
      %mul3A_785 = arith.muli %while3A_783, %mul3A_784 : i32
      %add3A_786 = arith.addi %add3A, %mul3A_785 : i32
      %mul3A_787 = arith.constant 64 : i32
      %mul3A_788 = arith.muli %add3A_786, %mul3A_787 : i32
      "tpu.region"() ({
        %run_scoped3A = tpu.sem_alloc : memref<!tpu.dma_semaphore, #tpu.memory_space<semaphore_mem>>
        %dma_start3A_805 = tpu.memref_slice %arg4[%mul3A_788] : memref<320000xi32, #tpu.memory_space<hbm>> -> memref<64xi32, #tpu.memory_space<hbm>>
        %dma_start3A_806 = tpu.memref_slice %arg4[%mul3A_788] : memref<320000xi32, #tpu.memory_space<hbm>> -> memref<64xi32, #tpu.memory_space<hbm>>
        tpu.enqueue_dma source(%dma_start3A_806 : memref<64xi32, #tpu.memory_space<hbm>>) target(%arg8 : memref<64xi32, #tpu.memory_space<vmem>>) target_semaphore(%run_scoped3A : memref<!tpu.dma_semaphore, #tpu.memory_space<semaphore_mem>>)
        %dma_wait3A_807 = tpu.memref_slice %arg4[%mul3A_788] : memref<320000xi32, #tpu.memory_space<hbm>> -> memref<64xi32, #tpu.memory_space<hbm>>
        %dma_wait3A_808 = tpu.memref_slice %arg4[%mul3A_788] : memref<320000xi32, #tpu.memory_space<hbm>> -> memref<64xi32, #tpu.memory_space<hbm>>
        tpu.wait_dma2 semaphore(%run_scoped3A : memref<!tpu.dma_semaphore, #tpu.memory_space<semaphore_mem>>) src(%dma_wait3A_808 : memref<64xi32, #tpu.memory_space<hbm>>) dst(%arg8 : memref<64xi32, #tpu.memory_space<vmem>>)
        tpu.yield
      }) : () -> ()
      "tpu.region"() ({
        %run_scoped3A = tpu.sem_alloc : memref<!tpu.dma_semaphore, #tpu.memory_space<semaphore_mem>>
        %dma_start3A_805 = tpu.memref_slice %arg5[%mul3A_788] : memref<320000xi32, #tpu.memory_space<hbm>> -> memref<64xi32, #tpu.memory_space<hbm>>
        %dma_start3A_806 = tpu.memref_slice %arg5[%mul3A_788] : memref<320000xi32, #tpu.memory_space<hbm>> -> memref<64xi32, #tpu.memory_space<hbm>>
        tpu.enqueue_dma source(%dma_start3A_806 : memref<64xi32, #tpu.memory_space<hbm>>) target(%arg9 : memref<64xi32, #tpu.memory_space<vmem>>) target_semaphore(%run_scoped3A : memref<!tpu.dma_semaphore, #tpu.memory_space<semaphore_mem>>)
        %dma_wait3A_807 = tpu.memref_slice %arg5[%mul3A_788] : memref<320000xi32, #tpu.memory_space<hbm>> -> memref<64xi32, #tpu.memory_space<hbm>>
        %dma_wait3A_808 = tpu.memref_slice %arg5[%mul3A_788] : memref<320000xi32, #tpu.memory_space<hbm>> -> memref<64xi32, #tpu.memory_space<hbm>>
        tpu.wait_dma2 semaphore(%run_scoped3A : memref<!tpu.dma_semaphore, #tpu.memory_space<semaphore_mem>>) src(%dma_wait3A_808 : memref<64xi32, #tpu.memory_space<hbm>>) dst(%arg9 : memref<64xi32, #tpu.memory_space<vmem>>)
        tpu.yield
      }) : () -> ()
      %dma_start3A = arith.constant 0 : i32
      %dma_start3A_789 = arith.constant 0 : i32
      %dma_start3A_790 = tpu.memref_slice %arg3[%dma_start3A, %dma_start3A_789] : memref<10000x256xf32, #tpu.memory_space<hbm>> -> memref<10000x256xf32, #tpu.memory_space<hbm>>
      tpu.enqueue_indirect_dma source(%dma_start3A_790 : memref<10000x256xf32, #tpu.memory_space<hbm>>) target(%arg12 : memref<64x256xf32, #tpu.memory_space<vmem>>) offsets(%arg8 : memref<64xi32, #tpu.memory_space<vmem>>) semaphore(%arg16 : memref<!tpu.dma_semaphore, #tpu.memory_space<semaphore_mem>>)
      %dma_start3A_791 = arith.constant 0 : i32
      %dma_start3A_792 = arith.constant 0 : i32
      %dma_start3A_793 = tpu.memref_slice %arg2[%dma_start3A_791, %dma_start3A_792] : memref<10000x128xf32, #tpu.memory_space<hbm>> -> memref<10000x128xf32, #tpu.memory_space<hbm>>
      tpu.enqueue_indirect_dma source(%dma_start3A_793 : memref<10000x128xf32, #tpu.memory_space<hbm>>) target(%arg11 : memref<64x128xf32, #tpu.memory_space<vmem>>) offsets(%arg9 : memref<64xi32, #tpu.memory_space<vmem>>) semaphore(%arg17 : memref<!tpu.dma_semaphore, #tpu.memory_space<semaphore_mem>>)
      %dma_wait3A = arith.constant 0 : i32
      %dma_wait3A_794 = arith.constant 0 : i32
      %dma_wait3A_795 = tpu.memref_slice %arg3[%dma_wait3A, %dma_wait3A_794] : memref<10000x256xf32, #tpu.memory_space<hbm>> -> memref<10000x256xf32, #tpu.memory_space<hbm>>
      tpu.wait_indirect_dma semaphore(%arg16 : memref<!tpu.dma_semaphore, #tpu.memory_space<semaphore_mem>>) src(%dma_wait3A_795 : memref<10000x256xf32, #tpu.memory_space<hbm>>) dst(%arg12 : memref<64x256xf32, #tpu.memory_space<vmem>>)
      %dma_wait3A_796 = arith.constant 0 : i32
      %dma_wait3A_797 = arith.constant 0 : i32
      %dma_wait3A_798 = tpu.memref_slice %arg2[%dma_wait3A_796, %dma_wait3A_797] : memref<10000x128xf32, #tpu.memory_space<hbm>> -> memref<10000x128xf32, #tpu.memory_space<hbm>>
      tpu.wait_indirect_dma semaphore(%arg17 : memref<!tpu.dma_semaphore, #tpu.memory_space<semaphore_mem>>) src(%dma_wait3A_798 : memref<10000x128xf32, #tpu.memory_space<hbm>>) dst(%arg11 : memref<64x128xf32, #tpu.memory_space<vmem>>)
      %scan3A_799 = arith.constant 0 : i32
      %scan3A_800 = arith.constant 0 : i32
      %scan3A_801 = arith.constant 64 : i32
      %scan3A_802 = arith.addi %scan3A_800, %scan3A_801 : i32
      %scan3A_803 = arith.constant 1 : i32
      scf.for %scan3A_805 = %scan3A_800 to %scan3A_802 step %scan3A_803  : i32 {
        %broadcast_in_dim3A_806 = arith.constant 0.000000e+00 : f32
        %broadcast_in_dim3A_807 = vector.broadcast %broadcast_in_dim3A_806 : f32 to vector<16xf32>
        %get3A = arith.index_cast %scan3A_805 : i32 to index
        %get3A_808 = arith.constant 0 : index
        %get3A_809 = tpu.vector_load %arg11[%get3A, %get3A_808] {strides = array<i32>} : memref<64x128xf32, #tpu.memory_space<vmem>>, vector<16xf32>,
        %get3A_810 = arith.index_cast %scan3A_805 : i32 to index
        %get3A_811 = arith.constant 0 : index
        %get3A_812 = tpu.vector_load %arg12[%get3A_810, %get3A_811] {strides = array<i32>} : memref<64x256xf32, #tpu.memory_space<vmem>>, vector<16xf32>,
        %mul3A_813 = arith.mulf %get3A_809, %get3A_812 : vector<16xf32>
        %add3A_814 = arith.addf %broadcast_in_dim3A_807, %mul3A_813 : vector<16xf32>
        %get3A_815 = arith.index_cast %scan3A_805 : i32 to index
        %get3A_816 = arith.constant 16 : index
        %get3A_817 = tpu.vector_load %arg11[%get3A_815, %get3A_816] {strides = array<i32>} : memref<64x128xf32, #tpu.memory_space<vmem>>, vector<16xf32>,
        %get3A_818 = arith.index_cast %scan3A_805 : i32 to index
        %get3A_819 = arith.constant 16 : index
        %get3A_820 = tpu.vector_load %arg12[%get3A_818, %get3A_819] {strides = array<i32>} : memref<64x256xf32, #tpu.memory_space<vmem>>, vector<16xf32>,
        %mul3A_821 = arith.mulf %get3A_817, %get3A_820 : vector<16xf32>
        %add3A_822 = arith.addf %add3A_814, %mul3A_821 : vector<16xf32>
        %get3A_823 = arith.index_cast %scan3A_805 : i32 to index
        %get3A_824 = arith.constant 32 : index
        %get3A_825 = tpu.vector_load %arg11[%get3A_823, %get3A_824] {strides = array<i32>} : memref<64x128xf32, #tpu.memory_space<vmem>>, vector<16xf32>,
        %get3A_826 = arith.index_cast %scan3A_805 : i32 to index
        %get3A_827 = arith.constant 32 : index
        %get3A_828 = tpu.vector_load %arg12[%get3A_826, %get3A_827] {strides = array<i32>} : memref<64x256xf32, #tpu.memory_space<vmem>>, vector<16xf32>,
        %mul3A_829 = arith.mulf %get3A_825, %get3A_828 : vector<16xf32>
        %add3A_830 = arith.addf %add3A_822, %mul3A_829 : vector<16xf32>
        %get3A_831 = arith.index_cast %scan3A_805 : i32 to index
        %get3A_832 = arith.constant 48 : index
        %get3A_833 = tpu.vector_load %arg11[%get3A_831, %get3A_832] {strides = array<i32>} : memref<64x128xf32, #tpu.memory_space<vmem>>, vector<16xf32>,
        %get3A_834 = arith.index_cast %scan3A_805 : i32 to index
        %get3A_835 = arith.constant 48 : index
        %get3A_836 = tpu.vector_load %arg12[%get3A_834, %get3A_835] {strides = array<i32>} : memref<64x256xf32, #tpu.memory_space<vmem>>, vector<16xf32>,
        %mul3A_837 = arith.mulf %get3A_833, %get3A_836 : vector<16xf32>
        %add3A_838 = arith.addf %add3A_830, %mul3A_837 : vector<16xf32>
        %get3A_839 = arith.index_cast %scan3A_805 : i32 to index
        %get3A_840 = arith.constant 64 : index
        %get3A_841 = tpu.vector_load %arg11[%get3A_839, %get3A_840] {strides = array<i32>} : memref<64x128xf32, #tpu.memory_space<vmem>>, vector<16xf32>,
        %get3A_842 = arith.index_cast %scan3A_805 : i32 to index
        %get3A_843 = arith.constant 64 : index
        %get3A_844 = tpu.vector_load %arg12[%get3A_842, %get3A_843] {strides = array<i32>} : memref<64x256xf32, #tpu.memory_space<vmem>>, vector<16xf32>,
        %mul3A_845 = arith.mulf %get3A_841, %get3A_844 : vector<16xf32>
        %add3A_846 = arith.addf %add3A_838, %mul3A_845 : vector<16xf32>
        %get3A_847 = arith.index_cast %scan3A_805 : i32 to index
        %get3A_848 = arith.constant 80 : index
        %get3A_849 = tpu.vector_load %arg11[%get3A_847, %get3A_848] {strides = array<i32>} : memref<64x128xf32, #tpu.memory_space<vmem>>, vector<16xf32>,
        %get3A_850 = arith.index_cast %scan3A_805 : i32 to index
        %get3A_851 = arith.constant 80 : index
        %get3A_852 = tpu.vector_load %arg12[%get3A_850, %get3A_851] {strides = array<i32>} : memref<64x256xf32, #tpu.memory_space<vmem>>, vector<16xf32>,
        %mul3A_853 = arith.mulf %get3A_849, %get3A_852 : vector<16xf32>
        %add3A_854 = arith.addf %add3A_846, %mul3A_853 : vector<16xf32>
        %get3A_855 = arith.index_cast %scan3A_805 : i32 to index
        %get3A_856 = arith.constant 96 : index
        %get3A_857 = tpu.vector_load %arg11[%get3A_855, %get3A_856] {strides = array<i32>} : memref<64x128xf32, #tpu.memory_space<vmem>>, vector<16xf32>,
        %get3A_858 = arith.index_cast %scan3A_805 : i32 to index
        %get3A_859 = arith.constant 96 : index
        %get3A_860 = tpu.vector_load %arg12[%get3A_858, %get3A_859] {strides = array<i32>} : memref<64x256xf32, #tpu.memory_space<vmem>>, vector<16xf32>,
        %mul3A_861 = arith.mulf %get3A_857, %get3A_860 : vector<16xf32>
        %add3A_862 = arith.addf %add3A_854, %mul3A_861 : vector<16xf32>
        %get3A_863 = arith.index_cast %scan3A_805 : i32 to index
        %get3A_864 = arith.constant 112 : index
        %get3A_865 = tpu.vector_load %arg11[%get3A_863, %get3A_864] {strides = array<i32>} : memref<64x128xf32, #tpu.memory_space<vmem>>, vector<16xf32>,
        %get3A_866 = arith.index_cast %scan3A_805 : i32 to index
        %get3A_867 = arith.constant 112 : index
        %get3A_868 = tpu.vector_load %arg12[%get3A_866, %get3A_867] {strides = array<i32>} : memref<64x256xf32, #tpu.memory_space<vmem>>, vector<16xf32>,
        %mul3A_869 = arith.mulf %get3A_865, %get3A_868 : vector<16xf32>
        %add3A_870 = arith.addf %add3A_862, %mul3A_869 : vector<16xf32>
        %reduce_sum3A = arith.constant true
        %reduce_sum3A_871 = vector.broadcast %reduce_sum3A : i1 to vector<16xi1>
        %reduce_sum3A_872 = tpu.scan <sum>, %add3A_870 masked %reduce_sum3A_871 : vector<16xf32>, vector<16xi1> -> vector<16xf32>
        %reduce_sum3A_873 = vector.extract %reduce_sum3A_872[15] : f32 from vector<16xf32>
        %mul3A_874 = arith.mulf %reduce_sum3A_873, %while3A_352 : f32
        %broadcast_in_dim3A_875 = vector.broadcast %mul3A_874 : f32 to vector<16xf32>
        %exp3A = math.exp %broadcast_in_dim3A_875 : vector<16xf32>
        %jit3A_876 = arith.constant 0.000000e+00 : f32
        %broadcast_in_dim3A_877 = vector.broadcast %jit3A_876 : f32 to vector<16xf32>
        %select_n3A_878 = arith.select %eq3A_4, %exp3A, %broadcast_in_dim3A_877 : vector<16xi1>, vector<16xf32>
        %swap3A_879 = arith.index_cast %scan3A_805 : i32 to index
        %swap3A_880 = arith.constant 0 : index
        %swap3A_881 = tpu.vector_load %arg13[%swap3A_879, %swap3A_880] {strides = array<i32>} : memref<64x16xf32, #tpu.memory_space<vmem>>, vector<16xf32>,
        tpu.vector_store %arg13[%swap3A_879, %swap3A_880], %select_n3A_878 {strides = array<i32>} : memref<64x16xf32, #tpu.memory_space<vmem>>, vector<16xf32>,
        %get3A_882 = arith.index_cast %scan3A_805 : i32 to index
        %get3A_883 = arith.constant 128 : index
        %get3A_884 = tpu.vector_load %arg12[%get3A_882, %get3A_883] {strides = array<i32>} : memref<64x256xf32, #tpu.memory_space<vmem>>, vector<16xf32>,
        %mul3A_885 = arith.mulf %get3A_884, %exp3A : vector<16xf32>
        %swap3A_886 = arith.index_cast %scan3A_805 : i32 to index
        %swap3A_887 = arith.constant 0 : index
        %swap3A_888 = tpu.vector_load %arg11[%swap3A_886, %swap3A_887] {strides = array<i32>} : memref<64x128xf32, #tpu.memory_space<vmem>>, vector<16xf32>,
        tpu.vector_store %arg11[%swap3A_886, %swap3A_887], %mul3A_885 {strides = array<i32>} : memref<64x128xf32, #tpu.memory_space<vmem>>, vector<16xf32>,
        %get3A_889 = arith.index_cast %scan3A_805 : i32 to index
        %get3A_890 = arith.constant 144 : index
        %get3A_891 = tpu.vector_load %arg12[%get3A_889, %get3A_890] {strides = array<i32>} : memref<64x256xf32, #tpu.memory_space<vmem>>, vector<16xf32>,
        %mul3A_892 = arith.mulf %get3A_891, %exp3A : vector<16xf32>
        %swap3A_893 = arith.index_cast %scan3A_805 : i32 to index
        %swap3A_894 = arith.constant 16 : index
        %swap3A_895 = tpu.vector_load %arg11[%swap3A_893, %swap3A_894] {strides = array<i32>} : memref<64x128xf32, #tpu.memory_space<vmem>>, vector<16xf32>,
        tpu.vector_store %arg11[%swap3A_893, %swap3A_894], %mul3A_892 {strides = array<i32>} : memref<64x128xf32, #tpu.memory_space<vmem>>, vector<16xf32>,
        %get3A_896 = arith.index_cast %scan3A_805 : i32 to index
        %get3A_897 = arith.constant 160 : index
        %get3A_898 = tpu.vector_load %arg12[%get3A_896, %get3A_897] {strides = array<i32>} : memref<64x256xf32, #tpu.memory_space<vmem>>, vector<16xf32>,
        %mul3A_899 = arith.mulf %get3A_898, %exp3A : vector<16xf32>
        %swap3A_900 = arith.index_cast %scan3A_805 : i32 to index
        %swap3A_901 = arith.constant 32 : index
        %swap3A_902 = tpu.vector_load %arg11[%swap3A_900, %swap3A_901] {strides = array<i32>} : memref<64x128xf32, #tpu.memory_space<vmem>>, vector<16xf32>,
        tpu.vector_store %arg11[%swap3A_900, %swap3A_901], %mul3A_899 {strides = array<i32>} : memref<64x128xf32, #tpu.memory_space<vmem>>, vector<16xf32>,
        %get3A_903 = arith.index_cast %scan3A_805 : i32 to index
        %get3A_904 = arith.constant 176 : index
        %get3A_905 = tpu.vector_load %arg12[%get3A_903, %get3A_904] {strides = array<i32>} : memref<64x256xf32, #tpu.memory_space<vmem>>, vector<16xf32>,
        %mul3A_906 = arith.mulf %get3A_905, %exp3A : vector<16xf32>
        %swap3A_907 = arith.index_cast %scan3A_805 : i32 to index
        %swap3A_908 = arith.constant 48 : index
        %swap3A_909 = tpu.vector_load %arg11[%swap3A_907, %swap3A_908] {strides = array<i32>} : memref<64x128xf32, #tpu.memory_space<vmem>>, vector<16xf32>,
        tpu.vector_store %arg11[%swap3A_907, %swap3A_908], %mul3A_906 {strides = array<i32>} : memref<64x128xf32, #tpu.memory_space<vmem>>, vector<16xf32>,
        %get3A_910 = arith.index_cast %scan3A_805 : i32 to index
        %get3A_911 = arith.constant 192 : index
        %get3A_912 = tpu.vector_load %arg12[%get3A_910, %get3A_911] {strides = array<i32>} : memref<64x256xf32, #tpu.memory_space<vmem>>, vector<16xf32>,
        %mul3A_913 = arith.mulf %get3A_912, %exp3A : vector<16xf32>
        %swap3A_914 = arith.index_cast %scan3A_805 : i32 to index
        %swap3A_915 = arith.constant 64 : index
        %swap3A_916 = tpu.vector_load %arg11[%swap3A_914, %swap3A_915] {strides = array<i32>} : memref<64x128xf32, #tpu.memory_space<vmem>>, vector<16xf32>,
        tpu.vector_store %arg11[%swap3A_914, %swap3A_915], %mul3A_913 {strides = array<i32>} : memref<64x128xf32, #tpu.memory_space<vmem>>, vector<16xf32>,
        %get3A_917 = arith.index_cast %scan3A_805 : i32 to index
        %get3A_918 = arith.constant 208 : index
        %get3A_919 = tpu.vector_load %arg12[%get3A_917, %get3A_918] {strides = array<i32>} : memref<64x256xf32, #tpu.memory_space<vmem>>, vector<16xf32>,
        %mul3A_920 = arith.mulf %get3A_919, %exp3A : vector<16xf32>
        %swap3A_921 = arith.index_cast %scan3A_805 : i32 to index
        %swap3A_922 = arith.constant 80 : index
        %swap3A_923 = tpu.vector_load %arg11[%swap3A_921, %swap3A_922] {strides = array<i32>} : memref<64x128xf32, #tpu.memory_space<vmem>>, vector<16xf32>,
        tpu.vector_store %arg11[%swap3A_921, %swap3A_922], %mul3A_920 {strides = array<i32>} : memref<64x128xf32, #tpu.memory_space<vmem>>, vector<16xf32>,
        %get3A_924 = arith.index_cast %scan3A_805 : i32 to index
        %get3A_925 = arith.constant 224 : index
        %get3A_926 = tpu.vector_load %arg12[%get3A_924, %get3A_925] {strides = array<i32>} : memref<64x256xf32, #tpu.memory_space<vmem>>, vector<16xf32>,
        %mul3A_927 = arith.mulf %get3A_926, %exp3A : vector<16xf32>
        %swap3A_928 = arith.index_cast %scan3A_805 : i32 to index
        %swap3A_929 = arith.constant 96 : index
        %swap3A_930 = tpu.vector_load %arg11[%swap3A_928, %swap3A_929] {strides = array<i32>} : memref<64x128xf32, #tpu.memory_space<vmem>>, vector<16xf32>,
        tpu.vector_store %arg11[%swap3A_928, %swap3A_929], %mul3A_927 {strides = array<i32>} : memref<64x128xf32, #tpu.memory_space<vmem>>, vector<16xf32>,
        %get3A_931 = arith.index_cast %scan3A_805 : i32 to index
        %get3A_932 = arith.constant 240 : index
        %get3A_933 = tpu.vector_load %arg12[%get3A_931, %get3A_932] {strides = array<i32>} : memref<64x256xf32, #tpu.memory_space<vmem>>, vector<16xf32>,
        %mul3A_934 = arith.mulf %get3A_933, %exp3A : vector<16xf32>
        %swap3A_935 = arith.index_cast %scan3A_805 : i32 to index
        %swap3A_936 = arith.constant 112 : index
        %swap3A_937 = tpu.vector_load %arg11[%swap3A_935, %swap3A_936] {strides = array<i32>} : memref<64x128xf32, #tpu.memory_space<vmem>>, vector<16xf32>,
        tpu.vector_store %arg11[%swap3A_935, %swap3A_936], %mul3A_934 {strides = array<i32>} : memref<64x128xf32, #tpu.memory_space<vmem>>, vector<16xf32>,
      }
      %scan3A_804 = arith.constant 64 : i32
      "tpu.region"() ({
        %run_scoped3A = tpu.sem_alloc : memref<!tpu.dma_semaphore, #tpu.memory_space<semaphore_mem>>
        %dma_start3A_805 = arith.constant 0 : i32
        %dma_start3A_806 = arith.constant 0 : i32
        %dma_start3A_807 = tpu.memref_slice %arg14[%dma_start3A_805, %dma_start3A_806] : memref<10240x128xf32, #tpu.memory_space<vmem_shared>> -> memref<10240x128xf32, #tpu.memory_space<vmem_shared>>
        tpu.enqueue_indirect_dma source(%arg11 : memref<64x128xf32, #tpu.memory_space<vmem>>) target(%dma_start3A_807 : memref<10240x128xf32, #tpu.memory_space<vmem_shared>>) offsets(%arg9 : memref<64xi32, #tpu.memory_space<vmem>>) semaphore(%run_scoped3A : memref<!tpu.dma_semaphore, #tpu.memory_space<semaphore_mem>>) {add = true}
        %dma_wait3A_808 = arith.constant 0 : i32
        %dma_wait3A_809 = arith.constant 0 : i32
        %dma_wait3A_810 = tpu.memref_slice %arg14[%dma_wait3A_808, %dma_wait3A_809] : memref<10240x128xf32, #tpu.memory_space<vmem_shared>> -> memref<10240x128xf32, #tpu.memory_space<vmem_shared>>
        tpu.wait_indirect_dma semaphore(%run_scoped3A : memref<!tpu.dma_semaphore, #tpu.memory_space<semaphore_mem>>) src(%arg11 : memref<64x128xf32, #tpu.memory_space<vmem>>) dst(%dma_wait3A_810 : memref<10240x128xf32, #tpu.memory_space<vmem_shared>>)
        tpu.yield
      }) : () -> ()
      "tpu.region"() ({
        %run_scoped3A = tpu.sem_alloc : memref<!tpu.dma_semaphore, #tpu.memory_space<semaphore_mem>>
        %dma_start3A_805 = arith.constant 0 : i32
        %dma_start3A_806 = arith.constant 0 : i32
        %dma_start3A_807 = tpu.memref_slice %arg15[%dma_start3A_805, %dma_start3A_806] : memref<10240x16xf32, #tpu.memory_space<vmem_shared>> -> memref<10240x16xf32, #tpu.memory_space<vmem_shared>>
        tpu.enqueue_indirect_dma source(%arg13 : memref<64x16xf32, #tpu.memory_space<vmem>>) target(%dma_start3A_807 : memref<10240x16xf32, #tpu.memory_space<vmem_shared>>) offsets(%arg9 : memref<64xi32, #tpu.memory_space<vmem>>) semaphore(%run_scoped3A : memref<!tpu.dma_semaphore, #tpu.memory_space<semaphore_mem>>) {add = true}
        %dma_wait3A_808 = arith.constant 0 : i32
        %dma_wait3A_809 = arith.constant 0 : i32
        %dma_wait3A_810 = tpu.memref_slice %arg15[%dma_wait3A_808, %dma_wait3A_809] : memref<10240x16xf32, #tpu.memory_space<vmem_shared>> -> memref<10240x16xf32, #tpu.memory_space<vmem_shared>>
        tpu.wait_indirect_dma semaphore(%run_scoped3A : memref<!tpu.dma_semaphore, #tpu.memory_space<semaphore_mem>>) src(%arg13 : memref<64x16xf32, #tpu.memory_space<vmem>>) dst(%dma_wait3A_810 : memref<10240x16xf32, #tpu.memory_space<vmem_shared>>)
        tpu.yield
      }) : () -> ()
    }
    %while3A_361 = arith.constant 1 : i32
    scf.for %while3A_783 = %while3A_359 to %while3A_355 step %while3A_361  : i32 {
      %mul3A_784 = arith.constant 32 : i32
      %mul3A_785 = arith.muli %while3A_783, %mul3A_784 : i32
      %add3A_786 = arith.addi %add3A, %mul3A_785 : i32
      %mul3A_787 = arith.constant 64 : i32
      %mul3A_788 = arith.muli %add3A_786, %mul3A_787 : i32
      "tpu.region"() ({
        %run_scoped3A = tpu.sem_alloc : memref<!tpu.dma_semaphore, #tpu.memory_space<semaphore_mem>>
        %dma_start3A_805 = tpu.memref_slice %arg4[%mul3A_788] : memref<320000xi32, #tpu.memory_space<hbm>> -> memref<64xi32, #tpu.memory_space<hbm>>
        %dma_start3A_806 = tpu.memref_slice %arg4[%mul3A_788] : memref<320000xi32, #tpu.memory_space<hbm>> -> memref<64xi32, #tpu.memory_space<hbm>>
        tpu.enqueue_dma source(%dma_start3A_806 : memref<64xi32, #tpu.memory_space<hbm>>) target(%arg8 : memref<64xi32, #tpu.memory_space<vmem>>) target_semaphore(%run_scoped3A : memref<!tpu.dma_semaphore, #tpu.memory_space<semaphore_mem>>)
        %dma_wait3A_807 = tpu.memref_slice %arg4[%mul3A_788] : memref<320000xi32, #tpu.memory_space<hbm>> -> memref<64xi32, #tpu.memory_space<hbm>>
        %dma_wait3A_808 = tpu.memref_slice %arg4[%mul3A_788] : memref<320000xi32, #tpu.memory_space<hbm>> -> memref<64xi32, #tpu.memory_space<hbm>>
        tpu.wait_dma2 semaphore(%run_scoped3A : memref<!tpu.dma_semaphore, #tpu.memory_space<semaphore_mem>>) src(%dma_wait3A_808 : memref<64xi32, #tpu.memory_space<hbm>>) dst(%arg8 : memref<64xi32, #tpu.memory_space<vmem>>)
        tpu.yield
      }) : () -> ()
      "tpu.region"() ({
        %run_scoped3A = tpu.sem_alloc : memref<!tpu.dma_semaphore, #tpu.memory_space<semaphore_mem>>
        %dma_start3A_805 = tpu.memref_slice %arg5[%mul3A_788] : memref<320000xi32, #tpu.memory_space<hbm>> -> memref<64xi32, #tpu.memory_space<hbm>>
        %dma_start3A_806 = tpu.memref_slice %arg5[%mul3A_788] : memref<320000xi32, #tpu.memory_space<hbm>> -> memref<64xi32, #tpu.memory_space<hbm>>
        tpu.enqueue_dma source(%dma_start3A_806 : memref<64xi32, #tpu.memory_space<hbm>>) target(%arg9 : memref<64xi32, #tpu.memory_space<vmem>>) target_semaphore(%run_scoped3A : memref<!tpu.dma_semaphore, #tpu.memory_space<semaphore_mem>>)
        %dma_wait3A_807 = tpu.memref_slice %arg5[%mul3A_788] : memref<320000xi32, #tpu.memory_space<hbm>> -> memref<64xi32, #tpu.memory_space<hbm>>
        %dma_wait3A_808 = tpu.memref_slice %arg5[%mul3A_788] : memref<320000xi32, #tpu.memory_space<hbm>> -> memref<64xi32, #tpu.memory_space<hbm>>
        tpu.wait_dma2 semaphore(%run_scoped3A : memref<!tpu.dma_semaphore, #tpu.memory_space<semaphore_mem>>) src(%dma_wait3A_808 : memref<64xi32, #tpu.memory_space<hbm>>) dst(%arg9 : memref<64xi32, #tpu.memory_space<vmem>>)
        tpu.yield
      }) : () -> ()
      %dma_start3A = arith.constant 0 : i32
      %dma_start3A_789 = arith.constant 0 : i32
      %dma_start3A_790 = tpu.memref_slice %arg3[%dma_start3A, %dma_start3A_789] : memref<10000x256xf32, #tpu.memory_space<hbm>> -> memref<10000x256xf32, #tpu.memory_space<hbm>>
      tpu.enqueue_indirect_dma source(%dma_start3A_790 : memref<10000x256xf32, #tpu.memory_space<hbm>>) target(%arg12 : memref<64x256xf32, #tpu.memory_space<vmem>>) offsets(%arg8 : memref<64xi32, #tpu.memory_space<vmem>>) semaphore(%arg16 : memref<!tpu.dma_semaphore, #tpu.memory_space<semaphore_mem>>)
      %dma_start3A_791 = arith.constant 0 : i32
      %dma_start3A_792 = arith.constant 0 : i32
      %dma_start3A_793 = tpu.memref_slice %arg2[%dma_start3A_791, %dma_start3A_792] : memref<10000x128xf32, #tpu.memory_space<hbm>> -> memref<10000x128xf32, #tpu.memory_space<hbm>>
      tpu.enqueue_indirect_dma source(%dma_start3A_793 : memref<10000x128xf32, #tpu.memory_space<hbm>>) target(%arg11 : memref<64x128xf32, #tpu.memory_space<vmem>>) offsets(%arg9 : memref<64xi32, #tpu.memory_space<vmem>>) semaphore(%arg17 : memref<!tpu.dma_semaphore, #tpu.memory_space<semaphore_mem>>)
      %dma_wait3A = arith.constant 0 : i32
      %dma_wait3A_794 = arith.constant 0 : i32
      %dma_wait3A_795 = tpu.memref_slice %arg3[%dma_wait3A, %dma_wait3A_794] : memref<10000x256xf32, #tpu.memory_space<hbm>> -> memref<10000x256xf32, #tpu.memory_space<hbm>>
      tpu.wait_indirect_dma semaphore(%arg16 : memref<!tpu.dma_semaphore, #tpu.memory_space<semaphore_mem>>) src(%dma_wait3A_795 : memref<10000x256xf32, #tpu.memory_space<hbm>>) dst(%arg12 : memref<64x256xf32, #tpu.memory_space<vmem>>)
      %dma_wait3A_796 = arith.constant 0 : i32
      %dma_wait3A_797 = arith.constant 0 : i32
      %dma_wait3A_798 = tpu.memref_slice %arg2[%dma_wait3A_796, %dma_wait3A_797] : memref<10000x128xf32, #tpu.memory_space<hbm>> -> memref<10000x128xf32, #tpu.memory_space<hbm>>
      tpu.wait_indirect_dma semaphore(%arg17 : memref<!tpu.dma_semaphore, #tpu.memory_space<semaphore_mem>>) src(%dma_wait3A_798 : memref<10000x128xf32, #tpu.memory_space<hbm>>) dst(%arg11 : memref<64x128xf32, #tpu.memory_space<vmem>>)
      %scan3A_799 = arith.constant 0 : i32
      %scan3A_800 = arith.constant 0 : i32
      %scan3A_801 = arith.constant 64 : i32
      %scan3A_802 = arith.addi %scan3A_800, %scan3A_801 : i32
      %scan3A_803 = arith.constant 1 : i32
      scf.for %scan3A_805 = %scan3A_800 to %scan3A_802 step %scan3A_803  : i32 {
        %broadcast_in_dim3A_806 = arith.constant 0.000000e+00 : f32
        %broadcast_in_dim3A_807 = vector.broadcast %broadcast_in_dim3A_806 : f32 to vector<16xf32>
        %get3A = arith.index_cast %scan3A_805 : i32 to index
        %get3A_808 = arith.constant 0 : index
        %get3A_809 = tpu.vector_load %arg11[%get3A, %get3A_808] {strides = array<i32>} : memref<64x128xf32, #tpu.memory_space<vmem>>, vector<16xf32>,
        %get3A_810 = arith.index_cast %scan3A_805 : i32 to index
        %get3A_811 = arith.constant 0 : index
        %get3A_812 = tpu.vector_load %arg12[%get3A_810, %get3A_811] {strides = array<i32>} : memref<64x256xf32, #tpu.memory_space<vmem>>, vector<16xf32>,
        %mul3A_813 = arith.mulf %get3A_809, %get3A_812 : vector<16xf32>
        %add3A_814 = arith.addf %broadcast_in_dim3A_807, %mul3A_813 : vector<16xf32>
        %get3A_815 = arith.index_cast %scan3A_805 : i32 to index
        %get3A_816 = arith.constant 16 : index
        %get3A_817 = tpu.vector_load %arg11[%get3A_815, %get3A_816] {strides = array<i32>} : memref<64x128xf32, #tpu.memory_space<vmem>>, vector<16xf32>,
        %get3A_818 = arith.index_cast %scan3A_805 : i32 to index
        %get3A_819 = arith.constant 16 : index
        %get3A_820 = tpu.vector_load %arg12[%get3A_818, %get3A_819] {strides = array<i32>} : memref<64x256xf32, #tpu.memory_space<vmem>>, vector<16xf32>,
        %mul3A_821 = arith.mulf %get3A_817, %get3A_820 : vector<16xf32>
        %add3A_822 = arith.addf %add3A_814, %mul3A_821 : vector<16xf32>
        %get3A_823 = arith.index_cast %scan3A_805 : i32 to index
        %get3A_824 = arith.constant 32 : index
        %get3A_825 = tpu.vector_load %arg11[%get3A_823, %get3A_824] {strides = array<i32>} : memref<64x128xf32, #tpu.memory_space<vmem>>, vector<16xf32>,
        %get3A_826 = arith.index_cast %scan3A_805 : i32 to index
        %get3A_827 = arith.constant 32 : index
        %get3A_828 = tpu.vector_load %arg12[%get3A_826, %get3A_827] {strides = array<i32>} : memref<64x256xf32, #tpu.memory_space<vmem>>, vector<16xf32>,
        %mul3A_829 = arith.mulf %get3A_825, %get3A_828 : vector<16xf32>
        %add3A_830 = arith.addf %add3A_822, %mul3A_829 : vector<16xf32>
        %get3A_831 = arith.index_cast %scan3A_805 : i32 to index
        %get3A_832 = arith.constant 48 : index
        %get3A_833 = tpu.vector_load %arg11[%get3A_831, %get3A_832] {strides = array<i32>} : memref<64x128xf32, #tpu.memory_space<vmem>>, vector<16xf32>,
        %get3A_834 = arith.index_cast %scan3A_805 : i32 to index
        %get3A_835 = arith.constant 48 : index
        %get3A_836 = tpu.vector_load %arg12[%get3A_834, %get3A_835] {strides = array<i32>} : memref<64x256xf32, #tpu.memory_space<vmem>>, vector<16xf32>,
        %mul3A_837 = arith.mulf %get3A_833, %get3A_836 : vector<16xf32>
        %add3A_838 = arith.addf %add3A_830, %mul3A_837 : vector<16xf32>
        %get3A_839 = arith.index_cast %scan3A_805 : i32 to index
        %get3A_840 = arith.constant 64 : index
        %get3A_841 = tpu.vector_load %arg11[%get3A_839, %get3A_840] {strides = array<i32>} : memref<64x128xf32, #tpu.memory_space<vmem>>, vector<16xf32>,
        %get3A_842 = arith.index_cast %scan3A_805 : i32 to index
        %get3A_843 = arith.constant 64 : index
        %get3A_844 = tpu.vector_load %arg12[%get3A_842, %get3A_843] {strides = array<i32>} : memref<64x256xf32, #tpu.memory_space<vmem>>, vector<16xf32>,
        %mul3A_845 = arith.mulf %get3A_841, %get3A_844 : vector<16xf32>
        %add3A_846 = arith.addf %add3A_838, %mul3A_845 : vector<16xf32>
        %get3A_847 = arith.index_cast %scan3A_805 : i32 to index
        %get3A_848 = arith.constant 80 : index
        %get3A_849 = tpu.vector_load %arg11[%get3A_847, %get3A_848] {strides = array<i32>} : memref<64x128xf32, #tpu.memory_space<vmem>>, vector<16xf32>,
        %get3A_850 = arith.index_cast %scan3A_805 : i32 to index
        %get3A_851 = arith.constant 80 : index
        %get3A_852 = tpu.vector_load %arg12[%get3A_850, %get3A_851] {strides = array<i32>} : memref<64x256xf32, #tpu.memory_space<vmem>>, vector<16xf32>,
        %mul3A_853 = arith.mulf %get3A_849, %get3A_852 : vector<16xf32>
        %add3A_854 = arith.addf %add3A_846, %mul3A_853 : vector<16xf32>
        %get3A_855 = arith.index_cast %scan3A_805 : i32 to index
        %get3A_856 = arith.constant 96 : index
        %get3A_857 = tpu.vector_load %arg11[%get3A_855, %get3A_856] {strides = array<i32>} : memref<64x128xf32, #tpu.memory_space<vmem>>, vector<16xf32>,
        %get3A_858 = arith.index_cast %scan3A_805 : i32 to index
        %get3A_859 = arith.constant 96 : index
        %get3A_860 = tpu.vector_load %arg12[%get3A_858, %get3A_859] {strides = array<i32>} : memref<64x256xf32, #tpu.memory_space<vmem>>, vector<16xf32>,
        %mul3A_861 = arith.mulf %get3A_857, %get3A_860 : vector<16xf32>
        %add3A_862 = arith.addf %add3A_854, %mul3A_861 : vector<16xf32>
        %get3A_863 = arith.index_cast %scan3A_805 : i32 to index
        %get3A_864 = arith.constant 112 : index
        %get3A_865 = tpu.vector_load %arg11[%get3A_863, %get3A_864] {strides = array<i32>} : memref<64x128xf32, #tpu.memory_space<vmem>>, vector<16xf32>,
        %get3A_866 = arith.index_cast %scan3A_805 : i32 to index
        %get3A_867 = arith.constant 112 : index
        %get3A_868 = tpu.vector_load %arg12[%get3A_866, %get3A_867] {strides = array<i32>} : memref<64x256xf32, #tpu.memory_space<vmem>>, vector<16xf32>,
        %mul3A_869 = arith.mulf %get3A_865, %get3A_868 : vector<16xf32>
        %add3A_870 = arith.addf %add3A_862, %mul3A_869 : vector<16xf32>
        %reduce_sum3A = arith.constant true
        %reduce_sum3A_871 = vector.broadcast %reduce_sum3A : i1 to vector<16xi1>
        %reduce_sum3A_872 = tpu.scan <sum>, %add3A_870 masked %reduce_sum3A_871 : vector<16xf32>, vector<16xi1> -> vector<16xf32>
        %reduce_sum3A_873 = vector.extract %reduce_sum3A_872[15] : f32 from vector<16xf32>
        %mul3A_874 = arith.mulf %reduce_sum3A_873, %while3A_352 : f32
        %broadcast_in_dim3A_875 = vector.broadcast %mul3A_874 : f32 to vector<16xf32>
        %exp3A = math.exp %broadcast_in_dim3A_875 : vector<16xf32>
        %jit3A_876 = arith.constant 0.000000e+00 : f32
        %broadcast_in_dim3A_877 = vector.broadcast %jit3A_876 : f32 to vector<16xf32>
        %select_n3A_878 = arith.select %eq3A_4, %exp3A, %broadcast_in_dim3A_877 : vector<16xi1>, vector<16xf32>
        %swap3A_879 = arith.index_cast %scan3A_805 : i32 to index
        %swap3A_880 = arith.constant 0 : index
        %swap3A_881 = tpu.vector_load %arg13[%swap3A_879, %swap3A_880] {strides = array<i32>} : memref<64x16xf32, #tpu.memory_space<vmem>>, vector<16xf32>,
        tpu.vector_store %arg13[%swap3A_879, %swap3A_880], %select_n3A_878 {strides = array<i32>} : memref<64x16xf32, #tpu.memory_space<vmem>>, vector<16xf32>,
        %get3A_882 = arith.index_cast %scan3A_805 : i32 to index
        %get3A_883 = arith.constant 128 : index
        %get3A_884 = tpu.vector_load %arg12[%get3A_882, %get3A_883] {strides = array<i32>} : memref<64x256xf32, #tpu.memory_space<vmem>>, vector<16xf32>,
        %mul3A_885 = arith.mulf %get3A_884, %exp3A : vector<16xf32>
        %swap3A_886 = arith.index_cast %scan3A_805 : i32 to index
        %swap3A_887 = arith.constant 0 : index
        %swap3A_888 = tpu.vector_load %arg11[%swap3A_886, %swap3A_887] {strides = array<i32>} : memref<64x128xf32, #tpu.memory_space<vmem>>, vector<16xf32>,
        tpu.vector_store %arg11[%swap3A_886, %swap3A_887], %mul3A_885 {strides = array<i32>} : memref<64x128xf32, #tpu.memory_space<vmem>>, vector<16xf32>,
        %get3A_889 = arith.index_cast %scan3A_805 : i32 to index
        %get3A_890 = arith.constant 144 : index
        %get3A_891 = tpu.vector_load %arg12[%get3A_889, %get3A_890] {strides = array<i32>} : memref<64x256xf32, #tpu.memory_space<vmem>>, vector<16xf32>,
        %mul3A_892 = arith.mulf %get3A_891, %exp3A : vector<16xf32>
        %swap3A_893 = arith.index_cast %scan3A_805 : i32 to index
        %swap3A_894 = arith.constant 16 : index
        %swap3A_895 = tpu.vector_load %arg11[%swap3A_893, %swap3A_894] {strides = array<i32>} : memref<64x128xf32, #tpu.memory_space<vmem>>, vector<16xf32>,
        tpu.vector_store %arg11[%swap3A_893, %swap3A_894], %mul3A_892 {strides = array<i32>} : memref<64x128xf32, #tpu.memory_space<vmem>>, vector<16xf32>,
        %get3A_896 = arith.index_cast %scan3A_805 : i32 to index
        %get3A_897 = arith.constant 160 : index
        %get3A_898 = tpu.vector_load %arg12[%get3A_896, %get3A_897] {strides = array<i32>} : memref<64x256xf32, #tpu.memory_space<vmem>>, vector<16xf32>,
        %mul3A_899 = arith.mulf %get3A_898, %exp3A : vector<16xf32>
        %swap3A_900 = arith.index_cast %scan3A_805 : i32 to index
        %swap3A_901 = arith.constant 32 : index
        %swap3A_902 = tpu.vector_load %arg11[%swap3A_900, %swap3A_901] {strides = array<i32>} : memref<64x128xf32, #tpu.memory_space<vmem>>, vector<16xf32>,
        tpu.vector_store %arg11[%swap3A_900, %swap3A_901], %mul3A_899 {strides = array<i32>} : memref<64x128xf32, #tpu.memory_space<vmem>>, vector<16xf32>,
        %get3A_903 = arith.index_cast %scan3A_805 : i32 to index
        %get3A_904 = arith.constant 176 : index
        %get3A_905 = tpu.vector_load %arg12[%get3A_903, %get3A_904] {strides = array<i32>} : memref<64x256xf32, #tpu.memory_space<vmem>>, vector<16xf32>,
        %mul3A_906 = arith.mulf %get3A_905, %exp3A : vector<16xf32>
        %swap3A_907 = arith.index_cast %scan3A_805 : i32 to index
        %swap3A_908 = arith.constant 48 : index
        %swap3A_909 = tpu.vector_load %arg11[%swap3A_907, %swap3A_908] {strides = array<i32>} : memref<64x128xf32, #tpu.memory_space<vmem>>, vector<16xf32>,
        tpu.vector_store %arg11[%swap3A_907, %swap3A_908], %mul3A_906 {strides = array<i32>} : memref<64x128xf32, #tpu.memory_space<vmem>>, vector<16xf32>,
        %get3A_910 = arith.index_cast %scan3A_805 : i32 to index
        %get3A_911 = arith.constant 192 : index
        %get3A_912 = tpu.vector_load %arg12[%get3A_910, %get3A_911] {strides = array<i32>} : memref<64x256xf32, #tpu.memory_space<vmem>>, vector<16xf32>,
        %mul3A_913 = arith.mulf %get3A_912, %exp3A : vector<16xf32>
        %swap3A_914 = arith.index_cast %scan3A_805 : i32 to index
        %swap3A_915 = arith.constant 64 : index
        %swap3A_916 = tpu.vector_load %arg11[%swap3A_914, %swap3A_915] {strides = array<i32>} : memref<64x128xf32, #tpu.memory_space<vmem>>, vector<16xf32>,
        tpu.vector_store %arg11[%swap3A_914, %swap3A_915], %mul3A_913 {strides = array<i32>} : memref<64x128xf32, #tpu.memory_space<vmem>>, vector<16xf32>,
        %get3A_917 = arith.index_cast %scan3A_805 : i32 to index
        %get3A_918 = arith.constant 208 : index
        %get3A_919 = tpu.vector_load %arg12[%get3A_917, %get3A_918] {strides = array<i32>} : memref<64x256xf32, #tpu.memory_space<vmem>>, vector<16xf32>,
        %mul3A_920 = arith.mulf %get3A_919, %exp3A : vector<16xf32>
        %swap3A_921 = arith.index_cast %scan3A_805 : i32 to index
        %swap3A_922 = arith.constant 80 : index
        %swap3A_923 = tpu.vector_load %arg11[%swap3A_921, %swap3A_922] {strides = array<i32>} : memref<64x128xf32, #tpu.memory_space<vmem>>, vector<16xf32>,
        tpu.vector_store %arg11[%swap3A_921, %swap3A_922], %mul3A_920 {strides = array<i32>} : memref<64x128xf32, #tpu.memory_space<vmem>>, vector<16xf32>,
        %get3A_924 = arith.index_cast %scan3A_805 : i32 to index
        %get3A_925 = arith.constant 224 : index
        %get3A_926 = tpu.vector_load %arg12[%get3A_924, %get3A_925] {strides = array<i32>} : memref<64x256xf32, #tpu.memory_space<vmem>>, vector<16xf32>,
        %mul3A_927 = arith.mulf %get3A_926, %exp3A : vector<16xf32>
        %swap3A_928 = arith.index_cast %scan3A_805 : i32 to index
        %swap3A_929 = arith.constant 96 : index
        %swap3A_930 = tpu.vector_load %arg11[%swap3A_928, %swap3A_929] {strides = array<i32>} : memref<64x128xf32, #tpu.memory_space<vmem>>, vector<16xf32>,
        tpu.vector_store %arg11[%swap3A_928, %swap3A_929], %mul3A_927 {strides = array<i32>} : memref<64x128xf32, #tpu.memory_space<vmem>>, vector<16xf32>,
        %get3A_931 = arith.index_cast %scan3A_805 : i32 to index
        %get3A_932 = arith.constant 240 : index
        %get3A_933 = tpu.vector_load %arg12[%get3A_931, %get3A_932] {strides = array<i32>} : memref<64x256xf32, #tpu.memory_space<vmem>>, vector<16xf32>,
        %mul3A_934 = arith.mulf %get3A_933, %exp3A : vector<16xf32>
        %swap3A_935 = arith.index_cast %scan3A_805 : i32 to index
        %swap3A_936 = arith.constant 112 : index
        %swap3A_937 = tpu.vector_load %arg11[%swap3A_935, %swap3A_936] {strides = array<i32>} : memref<64x128xf32, #tpu.memory_space<vmem>>, vector<16xf32>,
        tpu.vector_store %arg11[%swap3A_935, %swap3A_936], %mul3A_934 {strides = array<i32>} : memref<64x128xf32, #tpu.memory_space<vmem>>, vector<16xf32>,
      }
      %scan3A_804 = arith.constant 64 : i32
      "tpu.region"() ({
        %run_scoped3A = tpu.sem_alloc : memref<!tpu.dma_semaphore, #tpu.memory_space<semaphore_mem>>
        %dma_start3A_805 = arith.constant 0 : i32
        %dma_start3A_806 = arith.constant 0 : i32
        %dma_start3A_807 = tpu.memref_slice %arg14[%dma_start3A_805, %dma_start3A_806] : memref<10240x128xf32, #tpu.memory_space<vmem_shared>> -> memref<10240x128xf32, #tpu.memory_space<vmem_shared>>
        tpu.enqueue_indirect_dma source(%arg11 : memref<64x128xf32, #tpu.memory_space<vmem>>) target(%dma_start3A_807 : memref<10240x128xf32, #tpu.memory_space<vmem_shared>>) offsets(%arg9 : memref<64xi32, #tpu.memory_space<vmem>>) semaphore(%run_scoped3A : memref<!tpu.dma_semaphore, #tpu.memory_space<semaphore_mem>>) {add = true}
        %dma_wait3A_808 = arith.constant 0 : i32
        %dma_wait3A_809 = arith.constant 0 : i32
        %dma_wait3A_810 = tpu.memref_slice %arg14[%dma_wait3A_808, %dma_wait3A_809] : memref<10240x128xf32, #tpu.memory_space<vmem_shared>> -> memref<10240x128xf32, #tpu.memory_space<vmem_shared>>
        tpu.wait_indirect_dma semaphore(%run_scoped3A : memref<!tpu.dma_semaphore, #tpu.memory_space<semaphore_mem>>) src(%arg11 : memref<64x128xf32, #tpu.memory_space<vmem>>) dst(%dma_wait3A_810 : memref<10240x128xf32, #tpu.memory_space<vmem_shared>>)
        tpu.yield
      }) : () -> ()
      "tpu.region"() ({
        %run_scoped3A = tpu.sem_alloc : memref<!tpu.dma_semaphore, #tpu.memory_space<semaphore_mem>>
        %dma_start3A_805 = arith.constant 0 : i32
        %dma_start3A_806 = arith.constant 0 : i32
        %dma_start3A_807 = tpu.memref_slice %arg15[%dma_start3A_805, %dma_start3A_806] : memref<10240x16xf32, #tpu.memory_space<vmem_shared>> -> memref<10240x16xf32, #tpu.memory_space<vmem_shared>>
        tpu.enqueue_indirect_dma source(%arg13 : memref<64x16xf32, #tpu.memory_space<vmem>>) target(%dma_start3A_807 : memref<10240x16xf32, #tpu.memory_space<vmem_shared>>) offsets(%arg9 : memref<64xi32, #tpu.memory_space<vmem>>) semaphore(%run_scoped3A : memref<!tpu.dma_semaphore, #tpu.memory_space<semaphore_mem>>) {add = true}
        %dma_wait3A_808 = arith.constant 0 : i32
        %dma_wait3A_809 = arith.constant 0 : i32
        %dma_wait3A_810 = tpu.memref_slice %arg15[%dma_wait3A_808, %dma_wait3A_809] : memref<10240x16xf32, #tpu.memory_space<vmem_shared>> -> memref<10240x16xf32, #tpu.memory_space<vmem_shared>>
        tpu.wait_indirect_dma semaphore(%run_scoped3A : memref<!tpu.dma_semaphore, #tpu.memory_space<semaphore_mem>>) src(%arg13 : memref<64x16xf32, #tpu.memory_space<vmem>>) dst(%dma_wait3A_810 : memref<10240x16xf32, #tpu.memory_space<vmem_shared>>)
        tpu.yield
      }) : () -> ()
    }
    %barrier3A_362 = arith.constant 0 : index
    tpu.barrier barrier_id(%barrier3A_362)
    %add3A_363 = arith.constant 0 : i32
    %add3A_364 = arith.addi %mul3A_2, %add3A_363 : i32
    %add3A_365 = arith.constant 0 : i32
    %add3A_366 = arith.addi %add3A_364, %add3A_365 : i32
    %add3A_367 = vector.broadcast %add3A_366 : i32 to vector<16xi32>
    %add3A_368 = arith.addi %add3A_367, %iota3A : vector<16xi32>
    %swap3A_369 = arith.constant 0 : index
    %swap3A_370 = tpu.vector_load %arg10[%swap3A_369] {strides = array<i32>} : memref<64xi32, #tpu.memory_space<vmem>>, vector<16xi32>,
    tpu.vector_store %arg10[%swap3A_369], %add3A_368 {strides = array<i32>} : memref<64xi32, #tpu.memory_space<vmem>>, vector<16xi32>,
    %add3A_371 = arith.constant 0 : i32
    %add3A_372 = arith.addi %mul3A_2, %add3A_371 : i32
    %add3A_373 = arith.constant 16 : i32
    %add3A_374 = arith.addi %add3A_372, %add3A_373 : i32
    %add3A_375 = vector.broadcast %add3A_374 : i32 to vector<16xi32>
    %add3A_376 = arith.addi %add3A_375, %iota3A : vector<16xi32>
    %swap3A_377 = arith.constant 16 : index
    %swap3A_378 = tpu.vector_load %arg10[%swap3A_377] {strides = array<i32>} : memref<64xi32, #tpu.memory_space<vmem>>, vector<16xi32>,
    tpu.vector_store %arg10[%swap3A_377], %add3A_376 {strides = array<i32>} : memref<64xi32, #tpu.memory_space<vmem>>, vector<16xi32>,
    %add3A_379 = arith.constant 0 : i32
    %add3A_380 = arith.addi %mul3A_2, %add3A_379 : i32
    %add3A_381 = arith.constant 32 : i32
    %add3A_382 = arith.addi %add3A_380, %add3A_381 : i32
    %add3A_383 = vector.broadcast %add3A_382 : i32 to vector<16xi32>
    %add3A_384 = arith.addi %add3A_383, %iota3A : vector<16xi32>
    %swap3A_385 = arith.constant 32 : index
    %swap3A_386 = tpu.vector_load %arg10[%swap3A_385] {strides = array<i32>} : memref<64xi32, #tpu.memory_space<vmem>>, vector<16xi32>,
    tpu.vector_store %arg10[%swap3A_385], %add3A_384 {strides = array<i32>} : memref<64xi32, #tpu.memory_space<vmem>>, vector<16xi32>,
    %add3A_387 = arith.constant 0 : i32
    %add3A_388 = arith.addi %mul3A_2, %add3A_387 : i32
    %add3A_389 = arith.constant 48 : i32
    %add3A_390 = arith.addi %add3A_388, %add3A_389 : i32
    %add3A_391 = vector.broadcast %add3A_390 : i32 to vector<16xi32>
    %add3A_392 = arith.addi %add3A_391, %iota3A : vector<16xi32>
    %swap3A_393 = arith.constant 48 : index
    %swap3A_394 = tpu.vector_load %arg10[%swap3A_393] {strides = array<i32>} : memref<64xi32, #tpu.memory_space<vmem>>, vector<16xi32>,
    tpu.vector_store %arg10[%swap3A_393], %add3A_392 {strides = array<i32>} : memref<64xi32, #tpu.memory_space<vmem>>, vector<16xi32>,
    "tpu.region"() ({
      %run_scoped3A = tpu.sem_alloc : memref<!tpu.dma_semaphore, #tpu.memory_space<semaphore_mem>>
      %dma_start3A = arith.constant 0 : i32
      %dma_start3A_783 = arith.constant 0 : i32
      %dma_start3A_784 = tpu.memref_slice %arg14[%dma_start3A, %dma_start3A_783] : memref<10240x128xf32, #tpu.memory_space<vmem_shared>> -> memref<10240x128xf32, #tpu.memory_space<vmem_shared>>
      tpu.enqueue_indirect_dma source(%dma_start3A_784 : memref<10240x128xf32, #tpu.memory_space<vmem_shared>>) target(%arg11 : memref<64x128xf32, #tpu.memory_space<vmem>>) offsets(%arg10 : memref<64xi32, #tpu.memory_space<vmem>>) semaphore(%run_scoped3A : memref<!tpu.dma_semaphore, #tpu.memory_space<semaphore_mem>>)
      %dma_wait3A = arith.constant 0 : i32
      %dma_wait3A_785 = arith.constant 0 : i32
      %dma_wait3A_786 = tpu.memref_slice %arg14[%dma_wait3A, %dma_wait3A_785] : memref<10240x128xf32, #tpu.memory_space<vmem_shared>> -> memref<10240x128xf32, #tpu.memory_space<vmem_shared>>
      tpu.wait_indirect_dma semaphore(%run_scoped3A : memref<!tpu.dma_semaphore, #tpu.memory_space<semaphore_mem>>) src(%dma_wait3A_786 : memref<10240x128xf32, #tpu.memory_space<vmem_shared>>) dst(%arg11 : memref<64x128xf32, #tpu.memory_space<vmem>>)
      tpu.yield
    }) : () -> ()
    %mul3A_395 = arith.constant 10240 : i32
    %mul3A_396 = arith.muli %arg0, %mul3A_395 : i32
    %add3A_397 = arith.addi %mul3A_396, %mul3A_2 : i32
    %add3A_398 = arith.constant 0 : i32
    %add3A_399 = arith.addi %add3A_397, %add3A_398 : i32
    "tpu.region"() ({
      %run_scoped3A = tpu.sem_alloc : memref<!tpu.dma_semaphore, #tpu.memory_space<semaphore_mem>>
      %dma_start3A = arith.constant 0 : i32
      %dma_start3A_783 = tpu.memref_slice %arg6[%add3A_399, %dma_start3A] : memref<20480x128xf32, #tpu.memory_space<hbm>> -> memref<64x128xf32, #tpu.memory_space<hbm>>
      %dma_start3A_784 = arith.constant 0 : i32
      %dma_start3A_785 = tpu.memref_slice %arg6[%add3A_399, %dma_start3A_784] : memref<20480x128xf32, #tpu.memory_space<hbm>> -> memref<64x128xf32, #tpu.memory_space<hbm>>
      tpu.enqueue_dma source(%arg11 : memref<64x128xf32, #tpu.memory_space<vmem>>) target(%dma_start3A_785 : memref<64x128xf32, #tpu.memory_space<hbm>>) target_semaphore(%run_scoped3A : memref<!tpu.dma_semaphore, #tpu.memory_space<semaphore_mem>>)
      %dma_wait3A = arith.constant 0 : i32
      %dma_wait3A_786 = tpu.memref_slice %arg6[%add3A_399, %dma_wait3A] : memref<20480x128xf32, #tpu.memory_space<hbm>> -> memref<64x128xf32, #tpu.memory_space<hbm>>
      %dma_wait3A_787 = arith.constant 0 : i32
      %dma_wait3A_788 = tpu.memref_slice %arg6[%add3A_399, %dma_wait3A_787] : memref<20480x128xf32, #tpu.memory_space<hbm>> -> memref<64x128xf32, #tpu.memory_space<hbm>>
      tpu.wait_dma2 semaphore(%run_scoped3A : memref<!tpu.dma_semaphore, #tpu.memory_space<semaphore_mem>>) src(%arg11 : memref<64x128xf32, #tpu.memory_space<vmem>>) dst(%dma_wait3A_788 : memref<64x128xf32, #tpu.memory_space<hbm>>)
      tpu.yield
    }) : () -> ()
    "tpu.region"() ({
      %run_scoped3A = tpu.sem_alloc : memref<!tpu.dma_semaphore, #tpu.memory_space<semaphore_mem>>
      %dma_start3A = arith.constant 0 : i32
      %dma_start3A_783 = arith.constant 0 : i32
      %dma_start3A_784 = tpu.memref_slice %arg15[%dma_start3A, %dma_start3A_783] : memref<10240x16xf32, #tpu.memory_space<vmem_shared>> -> memref<10240x16xf32, #tpu.memory_space<vmem_shared>>
      tpu.enqueue_indirect_dma source(%dma_start3A_784 : memref<10240x16xf32, #tpu.memory_space<vmem_shared>>) target(%arg13 : memref<64x16xf32, #tpu.memory_space<vmem>>) offsets(%arg10 : memref<64xi32, #tpu.memory_space<vmem>>) semaphore(%run_scoped3A : memref<!tpu.dma_semaphore, #tpu.memory_space<semaphore_mem>>)
      %dma_wait3A = arith.constant 0 : i32
      %dma_wait3A_785 = arith.constant 0 : i32
      %dma_wait3A_786 = tpu.memref_slice %arg15[%dma_wait3A, %dma_wait3A_785] : memref<10240x16xf32, #tpu.memory_space<vmem_shared>> -> memref<10240x16xf32, #tpu.memory_space<vmem_shared>>
      tpu.wait_indirect_dma semaphore(%run_scoped3A : memref<!tpu.dma_semaphore, #tpu.memory_space<semaphore_mem>>) src(%dma_wait3A_786 : memref<10240x16xf32, #tpu.memory_space<vmem_shared>>) dst(%arg13 : memref<64x16xf32, #tpu.memory_space<vmem>>)
      tpu.yield
    }) : () -> ()
    %mul3A_400 = arith.constant 10240 : i32
    %mul3A_401 = arith.muli %arg0, %mul3A_400 : i32
    %add3A_402 = arith.addi %mul3A_401, %mul3A_2 : i32
    %add3A_403 = arith.constant 0 : i32
    %add3A_404 = arith.addi %add3A_402, %add3A_403 : i32
    "tpu.region"() ({
      %run_scoped3A = tpu.sem_alloc : memref<!tpu.dma_semaphore, #tpu.memory_space<semaphore_mem>>
      %dma_start3A = arith.constant 0 : i32
      %dma_start3A_783 = tpu.memref_slice %arg7[%add3A_404, %dma_start3A] : memref<20480x16xf32, #tpu.memory_space<hbm>> -> memref<64x16xf32, #tpu.memory_space<hbm>>
      %dma_start3A_784 = arith.constant 0 : i32
      %dma_start3A_785 = tpu.memref_slice %arg7[%add3A_404, %dma_start3A_784] : memref<20480x16xf32, #tpu.memory_space<hbm>> -> memref<64x16xf32, #tpu.memory_space<hbm>>
      tpu.enqueue_dma source(%arg13 : memref<64x16xf32, #tpu.memory_space<vmem>>) target(%dma_start3A_785 : memref<64x16xf32, #tpu.memory_space<hbm>>) target_semaphore(%run_scoped3A : memref<!tpu.dma_semaphore, #tpu.memory_space<semaphore_mem>>)
      %dma_wait3A = arith.constant 0 : i32
      %dma_wait3A_786 = tpu.memref_slice %arg7[%add3A_404, %dma_wait3A] : memref<20480x16xf32, #tpu.memory_space<hbm>> -> memref<64x16xf32, #tpu.memory_space<hbm>>
      %dma_wait3A_787 = arith.constant 0 : i32
      %dma_wait3A_788 = tpu.memref_slice %arg7[%add3A_404, %dma_wait3A_787] : memref<20480x16xf32, #tpu.memory_space<hbm>> -> memref<64x16xf32, #tpu.memory_space<hbm>>
      tpu.wait_dma2 semaphore(%run_scoped3A : memref<!tpu.dma_semaphore, #tpu.memory_space<semaphore_mem>>) src(%arg13 : memref<64x16xf32, #tpu.memory_space<vmem>>) dst(%dma_wait3A_788 : memref<64x16xf32, #tpu.memory_space<hbm>>)
      tpu.yield
    }) : () -> ()
    %add3A_405 = arith.constant 64 : i32
    %add3A_406 = arith.addi %mul3A_2, %add3A_405 : i32
    %add3A_407 = arith.constant 0 : i32
    %add3A_408 = arith.addi %add3A_406, %add3A_407 : i32
    %add3A_409 = vector.broadcast %add3A_408 : i32 to vector<16xi32>
    %add3A_410 = arith.addi %add3A_409, %iota3A : vector<16xi32>
    %swap3A_411 = arith.constant 0 : index
    %swap3A_412 = tpu.vector_load %arg10[%swap3A_411] {strides = array<i32>} : memref<64xi32, #tpu.memory_space<vmem>>, vector<16xi32>,
    tpu.vector_store %arg10[%swap3A_411], %add3A_410 {strides = array<i32>} : memref<64xi32, #tpu.memory_space<vmem>>, vector<16xi32>,
    %add3A_413 = arith.constant 64 : i32
    %add3A_414 = arith.addi %mul3A_2, %add3A_413 : i32
    %add3A_415 = arith.constant 16 : i32
    %add3A_416 = arith.addi %add3A_414, %add3A_415 : i32
    %add3A_417 = vector.broadcast %add3A_416 : i32 to vector<16xi32>
    %add3A_418 = arith.addi %add3A_417, %iota3A : vector<16xi32>
    %swap3A_419 = arith.constant 16 : index
    %swap3A_420 = tpu.vector_load %arg10[%swap3A_419] {strides = array<i32>} : memref<64xi32, #tpu.memory_space<vmem>>, vector<16xi32>,
    tpu.vector_store %arg10[%swap3A_419], %add3A_418 {strides = array<i32>} : memref<64xi32, #tpu.memory_space<vmem>>, vector<16xi32>,
    %add3A_421 = arith.constant 64 : i32
    %add3A_422 = arith.addi %mul3A_2, %add3A_421 : i32
    %add3A_423 = arith.constant 32 : i32
    %add3A_424 = arith.addi %add3A_422, %add3A_423 : i32
    %add3A_425 = vector.broadcast %add3A_424 : i32 to vector<16xi32>
    %add3A_426 = arith.addi %add3A_425, %iota3A : vector<16xi32>
    %swap3A_427 = arith.constant 32 : index
    %swap3A_428 = tpu.vector_load %arg10[%swap3A_427] {strides = array<i32>} : memref<64xi32, #tpu.memory_space<vmem>>, vector<16xi32>,
    tpu.vector_store %arg10[%swap3A_427], %add3A_426 {strides = array<i32>} : memref<64xi32, #tpu.memory_space<vmem>>, vector<16xi32>,
    %add3A_429 = arith.constant 64 : i32
    %add3A_430 = arith.addi %mul3A_2, %add3A_429 : i32
    %add3A_431 = arith.constant 48 : i32
    %add3A_432 = arith.addi %add3A_430, %add3A_431 : i32
    %add3A_433 = vector.broadcast %add3A_432 : i32 to vector<16xi32>
    %add3A_434 = arith.addi %add3A_433, %iota3A : vector<16xi32>
    %swap3A_435 = arith.constant 48 : index
    %swap3A_436 = tpu.vector_load %arg10[%swap3A_435] {strides = array<i32>} : memref<64xi32, #tpu.memory_space<vmem>>, vector<16xi32>,
    tpu.vector_store %arg10[%swap3A_435], %add3A_434 {strides = array<i32>} : memref<64xi32, #tpu.memory_space<vmem>>, vector<16xi32>,
    "tpu.region"() ({
      %run_scoped3A = tpu.sem_alloc : memref<!tpu.dma_semaphore, #tpu.memory_space<semaphore_mem>>
      %dma_start3A = arith.constant 0 : i32
      %dma_start3A_783 = arith.constant 0 : i32
      %dma_start3A_784 = tpu.memref_slice %arg14[%dma_start3A, %dma_start3A_783] : memref<10240x128xf32, #tpu.memory_space<vmem_shared>> -> memref<10240x128xf32, #tpu.memory_space<vmem_shared>>
      tpu.enqueue_indirect_dma source(%dma_start3A_784 : memref<10240x128xf32, #tpu.memory_space<vmem_shared>>) target(%arg11 : memref<64x128xf32, #tpu.memory_space<vmem>>) offsets(%arg10 : memref<64xi32, #tpu.memory_space<vmem>>) semaphore(%run_scoped3A : memref<!tpu.dma_semaphore, #tpu.memory_space<semaphore_mem>>)
      %dma_wait3A = arith.constant 0 : i32
      %dma_wait3A_785 = arith.constant 0 : i32
      %dma_wait3A_786 = tpu.memref_slice %arg14[%dma_wait3A, %dma_wait3A_785] : memref<10240x128xf32, #tpu.memory_space<vmem_shared>> -> memref<10240x128xf32, #tpu.memory_space<vmem_shared>>
      tpu.wait_indirect_dma semaphore(%run_scoped3A : memref<!tpu.dma_semaphore, #tpu.memory_space<semaphore_mem>>) src(%dma_wait3A_786 : memref<10240x128xf32, #tpu.memory_space<vmem_shared>>) dst(%arg11 : memref<64x128xf32, #tpu.memory_space<vmem>>)
      tpu.yield
    }) : () -> ()
    %mul3A_437 = arith.constant 10240 : i32
    %mul3A_438 = arith.muli %arg0, %mul3A_437 : i32
    %add3A_439 = arith.addi %mul3A_438, %mul3A_2 : i32
    %add3A_440 = arith.constant 64 : i32
    %add3A_441 = arith.addi %add3A_439, %add3A_440 : i32
    "tpu.region"() ({
      %run_scoped3A = tpu.sem_alloc : memref<!tpu.dma_semaphore, #tpu.memory_space<semaphore_mem>>
      %dma_start3A = arith.constant 0 : i32
      %dma_start3A_783 = tpu.memref_slice %arg6[%add3A_441, %dma_start3A] : memref<20480x128xf32, #tpu.memory_space<hbm>> -> memref<64x128xf32, #tpu.memory_space<hbm>>
      %dma_start3A_784 = arith.constant 0 : i32
      %dma_start3A_785 = tpu.memref_slice %arg6[%add3A_441, %dma_start3A_784] : memref<20480x128xf32, #tpu.memory_space<hbm>> -> memref<64x128xf32, #tpu.memory_space<hbm>>
      tpu.enqueue_dma source(%arg11 : memref<64x128xf32, #tpu.memory_space<vmem>>) target(%dma_start3A_785 : memref<64x128xf32, #tpu.memory_space<hbm>>) target_semaphore(%run_scoped3A : memref<!tpu.dma_semaphore, #tpu.memory_space<semaphore_mem>>)
      %dma_wait3A = arith.constant 0 : i32
      %dma_wait3A_786 = tpu.memref_slice %arg6[%add3A_441, %dma_wait3A] : memref<20480x128xf32, #tpu.memory_space<hbm>> -> memref<64x128xf32, #tpu.memory_space<hbm>>
      %dma_wait3A_787 = arith.constant 0 : i32
      %dma_wait3A_788 = tpu.memref_slice %arg6[%add3A_441, %dma_wait3A_787] : memref<20480x128xf32, #tpu.memory_space<hbm>> -> memref<64x128xf32, #tpu.memory_space<hbm>>
      tpu.wait_dma2 semaphore(%run_scoped3A : memref<!tpu.dma_semaphore, #tpu.memory_space<semaphore_mem>>) src(%arg11 : memref<64x128xf32, #tpu.memory_space<vmem>>) dst(%dma_wait3A_788 : memref<64x128xf32, #tpu.memory_space<hbm>>)
      tpu.yield
    }) : () -> ()
    "tpu.region"() ({
      %run_scoped3A = tpu.sem_alloc : memref<!tpu.dma_semaphore, #tpu.memory_space<semaphore_mem>>
      %dma_start3A = arith.constant 0 : i32
      %dma_start3A_783 = arith.constant 0 : i32
      %dma_start3A_784 = tpu.memref_slice %arg15[%dma_start3A, %dma_start3A_783] : memref<10240x16xf32, #tpu.memory_space<vmem_shared>> -> memref<10240x16xf32, #tpu.memory_space<vmem_shared>>
      tpu.enqueue_indirect_dma source(%dma_start3A_784 : memref<10240x16xf32, #tpu.memory_space<vmem_shared>>) target(%arg13 : memref<64x16xf32, #tpu.memory_space<vmem>>) offsets(%arg10 : memref<64xi32, #tpu.memory_space<vmem>>) semaphore(%run_scoped3A : memref<!tpu.dma_semaphore, #tpu.memory_space<semaphore_mem>>)
      %dma_wait3A = arith.constant 0 : i32
      %dma_wait3A_785 = arith.constant 0 : i32
      %dma_wait3A_786 = tpu.memref_slice %arg15[%dma_wait3A, %dma_wait3A_785] : memref<10240x16xf32, #tpu.memory_space<vmem_shared>> -> memref<10240x16xf32, #tpu.memory_space<vmem_shared>>
      tpu.wait_indirect_dma semaphore(%run_scoped3A : memref<!tpu.dma_semaphore, #tpu.memory_space<semaphore_mem>>) src(%dma_wait3A_786 : memref<10240x16xf32, #tpu.memory_space<vmem_shared>>) dst(%arg13 : memref<64x16xf32, #tpu.memory_space<vmem>>)
      tpu.yield
    }) : () -> ()
    %mul3A_442 = arith.constant 10240 : i32
    %mul3A_443 = arith.muli %arg0, %mul3A_442 : i32
    %add3A_444 = arith.addi %mul3A_443, %mul3A_2 : i32
    %add3A_445 = arith.constant 64 : i32
    %add3A_446 = arith.addi %add3A_444, %add3A_445 : i32
    "tpu.region"() ({
      %run_scoped3A = tpu.sem_alloc : memref<!tpu.dma_semaphore, #tpu.memory_space<semaphore_mem>>
      %dma_start3A = arith.constant 0 : i32
      %dma_start3A_783 = tpu.memref_slice %arg7[%add3A_446, %dma_start3A] : memref<20480x16xf32, #tpu.memory_space<hbm>> -> memref<64x16xf32, #tpu.memory_space<hbm>>
      %dma_start3A_784 = arith.constant 0 : i32
      %dma_start3A_785 = tpu.memref_slice %arg7[%add3A_446, %dma_start3A_784] : memref<20480x16xf32, #tpu.memory_space<hbm>> -> memref<64x16xf32, #tpu.memory_space<hbm>>
      tpu.enqueue_dma source(%arg13 : memref<64x16xf32, #tpu.memory_space<vmem>>) target(%dma_start3A_785 : memref<64x16xf32, #tpu.memory_space<hbm>>) target_semaphore(%run_scoped3A : memref<!tpu.dma_semaphore, #tpu.memory_space<semaphore_mem>>)
      %dma_wait3A = arith.constant 0 : i32
      %dma_wait3A_786 = tpu.memref_slice %arg7[%add3A_446, %dma_wait3A] : memref<20480x16xf32, #tpu.memory_space<hbm>> -> memref<64x16xf32, #tpu.memory_space<hbm>>
      %dma_wait3A_787 = arith.constant 0 : i32
      %dma_wait3A_788 = tpu.memref_slice %arg7[%add3A_446, %dma_wait3A_787] : memref<20480x16xf32, #tpu.memory_space<hbm>> -> memref<64x16xf32, #tpu.memory_space<hbm>>
      tpu.wait_dma2 semaphore(%run_scoped3A : memref<!tpu.dma_semaphore, #tpu.memory_space<semaphore_mem>>) src(%arg13 : memref<64x16xf32, #tpu.memory_space<vmem>>) dst(%dma_wait3A_788 : memref<64x16xf32, #tpu.memory_space<hbm>>)
      tpu.yield
    }) : () -> ()
    %add3A_447 = arith.constant 128 : i32
    %add3A_448 = arith.addi %mul3A_2, %add3A_447 : i32
    %add3A_449 = arith.constant 0 : i32
    %add3A_450 = arith.addi %add3A_448, %add3A_449 : i32
    %add3A_451 = vector.broadcast %add3A_450 : i32 to vector<16xi32>
    %add3A_452 = arith.addi %add3A_451, %iota3A : vector<16xi32>
    %swap3A_453 = arith.constant 0 : index
    %swap3A_454 = tpu.vector_load %arg10[%swap3A_453] {strides = array<i32>} : memref<64xi32, #tpu.memory_space<vmem>>, vector<16xi32>,
    tpu.vector_store %arg10[%swap3A_453], %add3A_452 {strides = array<i32>} : memref<64xi32, #tpu.memory_space<vmem>>, vector<16xi32>,
    %add3A_455 = arith.constant 128 : i32
    %add3A_456 = arith.addi %mul3A_2, %add3A_455 : i32
    %add3A_457 = arith.constant 16 : i32
    %add3A_458 = arith.addi %add3A_456, %add3A_457 : i32
    %add3A_459 = vector.broadcast %add3A_458 : i32 to vector<16xi32>
    %add3A_460 = arith.addi %add3A_459, %iota3A : vector<16xi32>
    %swap3A_461 = arith.constant 16 : index
    %swap3A_462 = tpu.vector_load %arg10[%swap3A_461] {strides = array<i32>} : memref<64xi32, #tpu.memory_space<vmem>>, vector<16xi32>,
    tpu.vector_store %arg10[%swap3A_461], %add3A_460 {strides = array<i32>} : memref<64xi32, #tpu.memory_space<vmem>>, vector<16xi32>,
    %add3A_463 = arith.constant 128 : i32
    %add3A_464 = arith.addi %mul3A_2, %add3A_463 : i32
    %add3A_465 = arith.constant 32 : i32
    %add3A_466 = arith.addi %add3A_464, %add3A_465 : i32
    %add3A_467 = vector.broadcast %add3A_466 : i32 to vector<16xi32>
    %add3A_468 = arith.addi %add3A_467, %iota3A : vector<16xi32>
    %swap3A_469 = arith.constant 32 : index
    %swap3A_470 = tpu.vector_load %arg10[%swap3A_469] {strides = array<i32>} : memref<64xi32, #tpu.memory_space<vmem>>, vector<16xi32>,
    tpu.vector_store %arg10[%swap3A_469], %add3A_468 {strides = array<i32>} : memref<64xi32, #tpu.memory_space<vmem>>, vector<16xi32>,
    %add3A_471 = arith.constant 128 : i32
    %add3A_472 = arith.addi %mul3A_2, %add3A_471 : i32
    %add3A_473 = arith.constant 48 : i32
    %add3A_474 = arith.addi %add3A_472, %add3A_473 : i32
    %add3A_475 = vector.broadcast %add3A_474 : i32 to vector<16xi32>
    %add3A_476 = arith.addi %add3A_475, %iota3A : vector<16xi32>
    %swap3A_477 = arith.constant 48 : index
    %swap3A_478 = tpu.vector_load %arg10[%swap3A_477] {strides = array<i32>} : memref<64xi32, #tpu.memory_space<vmem>>, vector<16xi32>,
    tpu.vector_store %arg10[%swap3A_477], %add3A_476 {strides = array<i32>} : memref<64xi32, #tpu.memory_space<vmem>>, vector<16xi32>,
    "tpu.region"() ({
      %run_scoped3A = tpu.sem_alloc : memref<!tpu.dma_semaphore, #tpu.memory_space<semaphore_mem>>
      %dma_start3A = arith.constant 0 : i32
      %dma_start3A_783 = arith.constant 0 : i32
      %dma_start3A_784 = tpu.memref_slice %arg14[%dma_start3A, %dma_start3A_783] : memref<10240x128xf32, #tpu.memory_space<vmem_shared>> -> memref<10240x128xf32, #tpu.memory_space<vmem_shared>>
      tpu.enqueue_indirect_dma source(%dma_start3A_784 : memref<10240x128xf32, #tpu.memory_space<vmem_shared>>) target(%arg11 : memref<64x128xf32, #tpu.memory_space<vmem>>) offsets(%arg10 : memref<64xi32, #tpu.memory_space<vmem>>) semaphore(%run_scoped3A : memref<!tpu.dma_semaphore, #tpu.memory_space<semaphore_mem>>)
      %dma_wait3A = arith.constant 0 : i32
      %dma_wait3A_785 = arith.constant 0 : i32
      %dma_wait3A_786 = tpu.memref_slice %arg14[%dma_wait3A, %dma_wait3A_785] : memref<10240x128xf32, #tpu.memory_space<vmem_shared>> -> memref<10240x128xf32, #tpu.memory_space<vmem_shared>>
      tpu.wait_indirect_dma semaphore(%run_scoped3A : memref<!tpu.dma_semaphore, #tpu.memory_space<semaphore_mem>>) src(%dma_wait3A_786 : memref<10240x128xf32, #tpu.memory_space<vmem_shared>>) dst(%arg11 : memref<64x128xf32, #tpu.memory_space<vmem>>)
      tpu.yield
    }) : () -> ()
    %mul3A_479 = arith.constant 10240 : i32
    %mul3A_480 = arith.muli %arg0, %mul3A_479 : i32
    %add3A_481 = arith.addi %mul3A_480, %mul3A_2 : i32
    %add3A_482 = arith.constant 128 : i32
    %add3A_483 = arith.addi %add3A_481, %add3A_482 : i32
    "tpu.region"() ({
      %run_scoped3A = tpu.sem_alloc : memref<!tpu.dma_semaphore, #tpu.memory_space<semaphore_mem>>
      %dma_start3A = arith.constant 0 : i32
      %dma_start3A_783 = tpu.memref_slice %arg6[%add3A_483, %dma_start3A] : memref<20480x128xf32, #tpu.memory_space<hbm>> -> memref<64x128xf32, #tpu.memory_space<hbm>>
      %dma_start3A_784 = arith.constant 0 : i32
      %dma_start3A_785 = tpu.memref_slice %arg6[%add3A_483, %dma_start3A_784] : memref<20480x128xf32, #tpu.memory_space<hbm>> -> memref<64x128xf32, #tpu.memory_space<hbm>>
      tpu.enqueue_dma source(%arg11 : memref<64x128xf32, #tpu.memory_space<vmem>>) target(%dma_start3A_785 : memref<64x128xf32, #tpu.memory_space<hbm>>) target_semaphore(%run_scoped3A : memref<!tpu.dma_semaphore, #tpu.memory_space<semaphore_mem>>)
      %dma_wait3A = arith.constant 0 : i32
      %dma_wait3A_786 = tpu.memref_slice %arg6[%add3A_483, %dma_wait3A] : memref<20480x128xf32, #tpu.memory_space<hbm>> -> memref<64x128xf32, #tpu.memory_space<hbm>>
      %dma_wait3A_787 = arith.constant 0 : i32
      %dma_wait3A_788 = tpu.memref_slice %arg6[%add3A_483, %dma_wait3A_787] : memref<20480x128xf32, #tpu.memory_space<hbm>> -> memref<64x128xf32, #tpu.memory_space<hbm>>
      tpu.wait_dma2 semaphore(%run_scoped3A : memref<!tpu.dma_semaphore, #tpu.memory_space<semaphore_mem>>) src(%arg11 : memref<64x128xf32, #tpu.memory_space<vmem>>) dst(%dma_wait3A_788 : memref<64x128xf32, #tpu.memory_space<hbm>>)
      tpu.yield
    }) : () -> ()
    "tpu.region"() ({
      %run_scoped3A = tpu.sem_alloc : memref<!tpu.dma_semaphore, #tpu.memory_space<semaphore_mem>>
      %dma_start3A = arith.constant 0 : i32
      %dma_start3A_783 = arith.constant 0 : i32
      %dma_start3A_784 = tpu.memref_slice %arg15[%dma_start3A, %dma_start3A_783] : memref<10240x16xf32, #tpu.memory_space<vmem_shared>> -> memref<10240x16xf32, #tpu.memory_space<vmem_shared>>
      tpu.enqueue_indirect_dma source(%dma_start3A_784 : memref<10240x16xf32, #tpu.memory_space<vmem_shared>>) target(%arg13 : memref<64x16xf32, #tpu.memory_space<vmem>>) offsets(%arg10 : memref<64xi32, #tpu.memory_space<vmem>>) semaphore(%run_scoped3A : memref<!tpu.dma_semaphore, #tpu.memory_space<semaphore_mem>>)
      %dma_wait3A = arith.constant 0 : i32
      %dma_wait3A_785 = arith.constant 0 : i32
      %dma_wait3A_786 = tpu.memref_slice %arg15[%dma_wait3A, %dma_wait3A_785] : memref<10240x16xf32, #tpu.memory_space<vmem_shared>> -> memref<10240x16xf32, #tpu.memory_space<vmem_shared>>
      tpu.wait_indirect_dma semaphore(%run_scoped3A : memref<!tpu.dma_semaphore, #tpu.memory_space<semaphore_mem>>) src(%dma_wait3A_786 : memref<10240x16xf32, #tpu.memory_space<vmem_shared>>) dst(%arg13 : memref<64x16xf32, #tpu.memory_space<vmem>>)
      tpu.yield
    }) : () -> ()
    %mul3A_484 = arith.constant 10240 : i32
    %mul3A_485 = arith.muli %arg0, %mul3A_484 : i32
    %add3A_486 = arith.addi %mul3A_485, %mul3A_2 : i32
    %add3A_487 = arith.constant 128 : i32
    %add3A_488 = arith.addi %add3A_486, %add3A_487 : i32
    "tpu.region"() ({
      %run_scoped3A = tpu.sem_alloc : memref<!tpu.dma_semaphore, #tpu.memory_space<semaphore_mem>>
      %dma_start3A = arith.constant 0 : i32
      %dma_start3A_783 = tpu.memref_slice %arg7[%add3A_488, %dma_start3A] : memref<20480x16xf32, #tpu.memory_space<hbm>> -> memref<64x16xf32, #tpu.memory_space<hbm>>
      %dma_start3A_784 = arith.constant 0 : i32
      %dma_start3A_785 = tpu.memref_slice %arg7[%add3A_488, %dma_start3A_784] : memref<20480x16xf32, #tpu.memory_space<hbm>> -> memref<64x16xf32, #tpu.memory_space<hbm>>
      tpu.enqueue_dma source(%arg13 : memref<64x16xf32, #tpu.memory_space<vmem>>) target(%dma_start3A_785 : memref<64x16xf32, #tpu.memory_space<hbm>>) target_semaphore(%run_scoped3A : memref<!tpu.dma_semaphore, #tpu.memory_space<semaphore_mem>>)
      %dma_wait3A = arith.constant 0 : i32
      %dma_wait3A_786 = tpu.memref_slice %arg7[%add3A_488, %dma_wait3A] : memref<20480x16xf32, #tpu.memory_space<hbm>> -> memref<64x16xf32, #tpu.memory_space<hbm>>
      %dma_wait3A_787 = arith.constant 0 : i32
      %dma_wait3A_788 = tpu.memref_slice %arg7[%add3A_488, %dma_wait3A_787] : memref<20480x16xf32, #tpu.memory_space<hbm>> -> memref<64x16xf32, #tpu.memory_space<hbm>>
      tpu.wait_dma2 semaphore(%run_scoped3A : memref<!tpu.dma_semaphore, #tpu.memory_space<semaphore_mem>>) src(%arg13 : memref<64x16xf32, #tpu.memory_space<vmem>>) dst(%dma_wait3A_788 : memref<64x16xf32, #tpu.memory_space<hbm>>)
      tpu.yield
    }) : () -> ()
    %add3A_489 = arith.constant 192 : i32
    %add3A_490 = arith.addi %mul3A_2, %add3A_489 : i32
    %add3A_491 = arith.constant 0 : i32
    %add3A_492 = arith.addi %add3A_490, %add3A_491 : i32
    %add3A_493 = vector.broadcast %add3A_492 : i32 to vector<16xi32>
    %add3A_494 = arith.addi %add3A_493, %iota3A : vector<16xi32>
    %swap3A_495 = arith.constant 0 : index
    %swap3A_496 = tpu.vector_load %arg10[%swap3A_495] {strides = array<i32>} : memref<64xi32, #tpu.memory_space<vmem>>, vector<16xi32>,
    tpu.vector_store %arg10[%swap3A_495], %add3A_494 {strides = array<i32>} : memref<64xi32, #tpu.memory_space<vmem>>, vector<16xi32>,
    %add3A_497 = arith.constant 192 : i32
    %add3A_498 = arith.addi %mul3A_2, %add3A_497 : i32
    %add3A_499 = arith.constant 16 : i32
    %add3A_500 = arith.addi %add3A_498, %add3A_499 : i32
    %add3A_501 = vector.broadcast %add3A_500 : i32 to vector<16xi32>
    %add3A_502 = arith.addi %add3A_501, %iota3A : vector<16xi32>
    %swap3A_503 = arith.constant 16 : index
    %swap3A_504 = tpu.vector_load %arg10[%swap3A_503] {strides = array<i32>} : memref<64xi32, #tpu.memory_space<vmem>>, vector<16xi32>,
    tpu.vector_store %arg10[%swap3A_503], %add3A_502 {strides = array<i32>} : memref<64xi32, #tpu.memory_space<vmem>>, vector<16xi32>,
    %add3A_505 = arith.constant 192 : i32
    %add3A_506 = arith.addi %mul3A_2, %add3A_505 : i32
    %add3A_507 = arith.constant 32 : i32
    %add3A_508 = arith.addi %add3A_506, %add3A_507 : i32
    %add3A_509 = vector.broadcast %add3A_508 : i32 to vector<16xi32>
    %add3A_510 = arith.addi %add3A_509, %iota3A : vector<16xi32>
    %swap3A_511 = arith.constant 32 : index
    %swap3A_512 = tpu.vector_load %arg10[%swap3A_511] {strides = array<i32>} : memref<64xi32, #tpu.memory_space<vmem>>, vector<16xi32>,
    tpu.vector_store %arg10[%swap3A_511], %add3A_510 {strides = array<i32>} : memref<64xi32, #tpu.memory_space<vmem>>, vector<16xi32>,
    %add3A_513 = arith.constant 192 : i32
    %add3A_514 = arith.addi %mul3A_2, %add3A_513 : i32
    %add3A_515 = arith.constant 48 : i32
    %add3A_516 = arith.addi %add3A_514, %add3A_515 : i32
    %add3A_517 = vector.broadcast %add3A_516 : i32 to vector<16xi32>
    %add3A_518 = arith.addi %add3A_517, %iota3A : vector<16xi32>
    %swap3A_519 = arith.constant 48 : index
    %swap3A_520 = tpu.vector_load %arg10[%swap3A_519] {strides = array<i32>} : memref<64xi32, #tpu.memory_space<vmem>>, vector<16xi32>,
    tpu.vector_store %arg10[%swap3A_519], %add3A_518 {strides = array<i32>} : memref<64xi32, #tpu.memory_space<vmem>>, vector<16xi32>,
    "tpu.region"() ({
      %run_scoped3A = tpu.sem_alloc : memref<!tpu.dma_semaphore, #tpu.memory_space<semaphore_mem>>
      %dma_start3A = arith.constant 0 : i32
      %dma_start3A_783 = arith.constant 0 : i32
      %dma_start3A_784 = tpu.memref_slice %arg14[%dma_start3A, %dma_start3A_783] : memref<10240x128xf32, #tpu.memory_space<vmem_shared>> -> memref<10240x128xf32, #tpu.memory_space<vmem_shared>>
      tpu.enqueue_indirect_dma source(%dma_start3A_784 : memref<10240x128xf32, #tpu.memory_space<vmem_shared>>) target(%arg11 : memref<64x128xf32, #tpu.memory_space<vmem>>) offsets(%arg10 : memref<64xi32, #tpu.memory_space<vmem>>) semaphore(%run_scoped3A : memref<!tpu.dma_semaphore, #tpu.memory_space<semaphore_mem>>)
      %dma_wait3A = arith.constant 0 : i32
      %dma_wait3A_785 = arith.constant 0 : i32
      %dma_wait3A_786 = tpu.memref_slice %arg14[%dma_wait3A, %dma_wait3A_785] : memref<10240x128xf32, #tpu.memory_space<vmem_shared>> -> memref<10240x128xf32, #tpu.memory_space<vmem_shared>>
      tpu.wait_indirect_dma semaphore(%run_scoped3A : memref<!tpu.dma_semaphore, #tpu.memory_space<semaphore_mem>>) src(%dma_wait3A_786 : memref<10240x128xf32, #tpu.memory_space<vmem_shared>>) dst(%arg11 : memref<64x128xf32, #tpu.memory_space<vmem>>)
      tpu.yield
    }) : () -> ()
    %mul3A_521 = arith.constant 10240 : i32
    %mul3A_522 = arith.muli %arg0, %mul3A_521 : i32
    %add3A_523 = arith.addi %mul3A_522, %mul3A_2 : i32
    %add3A_524 = arith.constant 192 : i32
    %add3A_525 = arith.addi %add3A_523, %add3A_524 : i32
    "tpu.region"() ({
      %run_scoped3A = tpu.sem_alloc : memref<!tpu.dma_semaphore, #tpu.memory_space<semaphore_mem>>
      %dma_start3A = arith.constant 0 : i32
      %dma_start3A_783 = tpu.memref_slice %arg6[%add3A_525, %dma_start3A] : memref<20480x128xf32, #tpu.memory_space<hbm>> -> memref<64x128xf32, #tpu.memory_space<hbm>>
      %dma_start3A_784 = arith.constant 0 : i32
      %dma_start3A_785 = tpu.memref_slice %arg6[%add3A_525, %dma_start3A_784] : memref<20480x128xf32, #tpu.memory_space<hbm>> -> memref<64x128xf32, #tpu.memory_space<hbm>>
      tpu.enqueue_dma source(%arg11 : memref<64x128xf32, #tpu.memory_space<vmem>>) target(%dma_start3A_785 : memref<64x128xf32, #tpu.memory_space<hbm>>) target_semaphore(%run_scoped3A : memref<!tpu.dma_semaphore, #tpu.memory_space<semaphore_mem>>)
      %dma_wait3A = arith.constant 0 : i32
      %dma_wait3A_786 = tpu.memref_slice %arg6[%add3A_525, %dma_wait3A] : memref<20480x128xf32, #tpu.memory_space<hbm>> -> memref<64x128xf32, #tpu.memory_space<hbm>>
      %dma_wait3A_787 = arith.constant 0 : i32
      %dma_wait3A_788 = tpu.memref_slice %arg6[%add3A_525, %dma_wait3A_787] : memref<20480x128xf32, #tpu.memory_space<hbm>> -> memref<64x128xf32, #tpu.memory_space<hbm>>
      tpu.wait_dma2 semaphore(%run_scoped3A : memref<!tpu.dma_semaphore, #tpu.memory_space<semaphore_mem>>) src(%arg11 : memref<64x128xf32, #tpu.memory_space<vmem>>) dst(%dma_wait3A_788 : memref<64x128xf32, #tpu.memory_space<hbm>>)
      tpu.yield
    }) : () -> ()
    "tpu.region"() ({
      %run_scoped3A = tpu.sem_alloc : memref<!tpu.dma_semaphore, #tpu.memory_space<semaphore_mem>>
      %dma_start3A = arith.constant 0 : i32
      %dma_start3A_783 = arith.constant 0 : i32
      %dma_start3A_784 = tpu.memref_slice %arg15[%dma_start3A, %dma_start3A_783] : memref<10240x16xf32, #tpu.memory_space<vmem_shared>> -> memref<10240x16xf32, #tpu.memory_space<vmem_shared>>
      tpu.enqueue_indirect_dma source(%dma_start3A_784 : memref<10240x16xf32, #tpu.memory_space<vmem_shared>>) target(%arg13 : memref<64x16xf32, #tpu.memory_space<vmem>>) offsets(%arg10 : memref<64xi32, #tpu.memory_space<vmem>>) semaphore(%run_scoped3A : memref<!tpu.dma_semaphore, #tpu.memory_space<semaphore_mem>>)
      %dma_wait3A = arith.constant 0 : i32
      %dma_wait3A_785 = arith.constant 0 : i32
      %dma_wait3A_786 = tpu.memref_slice %arg15[%dma_wait3A, %dma_wait3A_785] : memref<10240x16xf32, #tpu.memory_space<vmem_shared>> -> memref<10240x16xf32, #tpu.memory_space<vmem_shared>>
      tpu.wait_indirect_dma semaphore(%run_scoped3A : memref<!tpu.dma_semaphore, #tpu.memory_space<semaphore_mem>>) src(%dma_wait3A_786 : memref<10240x16xf32, #tpu.memory_space<vmem_shared>>) dst(%arg13 : memref<64x16xf32, #tpu.memory_space<vmem>>)
      tpu.yield
    }) : () -> ()
    %mul3A_526 = arith.constant 10240 : i32
    %mul3A_527 = arith.muli %arg0, %mul3A_526 : i32
    %add3A_528 = arith.addi %mul3A_527, %mul3A_2 : i32
    %add3A_529 = arith.constant 192 : i32
    %add3A_530 = arith.addi %add3A_528, %add3A_529 : i32
    "tpu.region"() ({
      %run_scoped3A = tpu.sem_alloc : memref<!tpu.dma_semaphore, #tpu.memory_space<semaphore_mem>>
      %dma_start3A = arith.constant 0 : i32
      %dma_start3A_783 = tpu.memref_slice %arg7[%add3A_530, %dma_start3A] : memref<20480x16xf32, #tpu.memory_space<hbm>> -> memref<64x16xf32, #tpu.memory_space<hbm>>
      %dma_start3A_784 = arith.constant 0 : i32
      %dma_start3A_785 = tpu.memref_slice %arg7[%add3A_530, %dma_start3A_784] : memref<20480x16xf32, #tpu.memory_space<hbm>> -> memref<64x16xf32, #tpu.memory_space<hbm>>
      tpu.enqueue_dma source(%arg13 : memref<64x16xf32, #tpu.memory_space<vmem>>) target(%dma_start3A_785 : memref<64x16xf32, #tpu.memory_space<hbm>>) target_semaphore(%run_scoped3A : memref<!tpu.dma_semaphore, #tpu.memory_space<semaphore_mem>>)
      %dma_wait3A = arith.constant 0 : i32
      %dma_wait3A_786 = tpu.memref_slice %arg7[%add3A_530, %dma_wait3A] : memref<20480x16xf32, #tpu.memory_space<hbm>> -> memref<64x16xf32, #tpu.memory_space<hbm>>
      %dma_wait3A_787 = arith.constant 0 : i32
      %dma_wait3A_788 = tpu.memref_slice %arg7[%add3A_530, %dma_wait3A_787] : memref<20480x16xf32, #tpu.memory_space<hbm>> -> memref<64x16xf32, #tpu.memory_space<hbm>>
      tpu.wait_dma2 semaphore(%run_scoped3A : memref<!tpu.dma_semaphore, #tpu.memory_space<semaphore_mem>>) src(%arg13 : memref<64x16xf32, #tpu.memory_space<vmem>>) dst(%dma_wait3A_788 : memref<64x16xf32, #tpu.memory_space<hbm>>)
      tpu.yield
    }) : () -> ()
    %add3A_531 = arith.constant 256 : i32
    %add3A_532 = arith.addi %mul3A_2, %add3A_531 : i32
    %add3A_533 = arith.constant 0 : i32
    %add3A_534 = arith.addi %add3A_532, %add3A_533 : i32
    %add3A_535 = vector.broadcast %add3A_534 : i32 to vector<16xi32>
    %add3A_536 = arith.addi %add3A_535, %iota3A : vector<16xi32>
    %swap3A_537 = arith.constant 0 : index
    %swap3A_538 = tpu.vector_load %arg10[%swap3A_537] {strides = array<i32>} : memref<64xi32, #tpu.memory_space<vmem>>, vector<16xi32>,
    tpu.vector_store %arg10[%swap3A_537], %add3A_536 {strides = array<i32>} : memref<64xi32, #tpu.memory_space<vmem>>, vector<16xi32>,
    %add3A_539 = arith.constant 256 : i32
    %add3A_540 = arith.addi %mul3A_2, %add3A_539 : i32
    %add3A_541 = arith.constant 16 : i32
    %add3A_542 = arith.addi %add3A_540, %add3A_541 : i32
    %add3A_543 = vector.broadcast %add3A_542 : i32 to vector<16xi32>
    %add3A_544 = arith.addi %add3A_543, %iota3A : vector<16xi32>
    %swap3A_545 = arith.constant 16 : index
    %swap3A_546 = tpu.vector_load %arg10[%swap3A_545] {strides = array<i32>} : memref<64xi32, #tpu.memory_space<vmem>>, vector<16xi32>,
    tpu.vector_store %arg10[%swap3A_545], %add3A_544 {strides = array<i32>} : memref<64xi32, #tpu.memory_space<vmem>>, vector<16xi32>,
    %add3A_547 = arith.constant 256 : i32
    %add3A_548 = arith.addi %mul3A_2, %add3A_547 : i32
    %add3A_549 = arith.constant 32 : i32
    %add3A_550 = arith.addi %add3A_548, %add3A_549 : i32
    %add3A_551 = vector.broadcast %add3A_550 : i32 to vector<16xi32>
    %add3A_552 = arith.addi %add3A_551, %iota3A : vector<16xi32>
    %swap3A_553 = arith.constant 32 : index
    %swap3A_554 = tpu.vector_load %arg10[%swap3A_553] {strides = array<i32>} : memref<64xi32, #tpu.memory_space<vmem>>, vector<16xi32>,
    tpu.vector_store %arg10[%swap3A_553], %add3A_552 {strides = array<i32>} : memref<64xi32, #tpu.memory_space<vmem>>, vector<16xi32>,
    %add3A_555 = arith.constant 256 : i32
    %add3A_556 = arith.addi %mul3A_2, %add3A_555 : i32
    %add3A_557 = arith.constant 48 : i32
    %add3A_558 = arith.addi %add3A_556, %add3A_557 : i32
    %add3A_559 = vector.broadcast %add3A_558 : i32 to vector<16xi32>
    %add3A_560 = arith.addi %add3A_559, %iota3A : vector<16xi32>
    %swap3A_561 = arith.constant 48 : index
    %swap3A_562 = tpu.vector_load %arg10[%swap3A_561] {strides = array<i32>} : memref<64xi32, #tpu.memory_space<vmem>>, vector<16xi32>,
    tpu.vector_store %arg10[%swap3A_561], %add3A_560 {strides = array<i32>} : memref<64xi32, #tpu.memory_space<vmem>>, vector<16xi32>,
    "tpu.region"() ({
      %run_scoped3A = tpu.sem_alloc : memref<!tpu.dma_semaphore, #tpu.memory_space<semaphore_mem>>
      %dma_start3A = arith.constant 0 : i32
      %dma_start3A_783 = arith.constant 0 : i32
      %dma_start3A_784 = tpu.memref_slice %arg14[%dma_start3A, %dma_start3A_783] : memref<10240x128xf32, #tpu.memory_space<vmem_shared>> -> memref<10240x128xf32, #tpu.memory_space<vmem_shared>>
      tpu.enqueue_indirect_dma source(%dma_start3A_784 : memref<10240x128xf32, #tpu.memory_space<vmem_shared>>) target(%arg11 : memref<64x128xf32, #tpu.memory_space<vmem>>) offsets(%arg10 : memref<64xi32, #tpu.memory_space<vmem>>) semaphore(%run_scoped3A : memref<!tpu.dma_semaphore, #tpu.memory_space<semaphore_mem>>)
      %dma_wait3A = arith.constant 0 : i32
      %dma_wait3A_785 = arith.constant 0 : i32
      %dma_wait3A_786 = tpu.memref_slice %arg14[%dma_wait3A, %dma_wait3A_785] : memref<10240x128xf32, #tpu.memory_space<vmem_shared>> -> memref<10240x128xf32, #tpu.memory_space<vmem_shared>>
      tpu.wait_indirect_dma semaphore(%run_scoped3A : memref<!tpu.dma_semaphore, #tpu.memory_space<semaphore_mem>>) src(%dma_wait3A_786 : memref<10240x128xf32, #tpu.memory_space<vmem_shared>>) dst(%arg11 : memref<64x128xf32, #tpu.memory_space<vmem>>)
      tpu.yield
    }) : () -> ()
    %mul3A_563 = arith.constant 10240 : i32
    %mul3A_564 = arith.muli %arg0, %mul3A_563 : i32
    %add3A_565 = arith.addi %mul3A_564, %mul3A_2 : i32
    %add3A_566 = arith.constant 256 : i32
    %add3A_567 = arith.addi %add3A_565, %add3A_566 : i32
    "tpu.region"() ({
      %run_scoped3A = tpu.sem_alloc : memref<!tpu.dma_semaphore, #tpu.memory_space<semaphore_mem>>
      %dma_start3A = arith.constant 0 : i32
      %dma_start3A_783 = tpu.memref_slice %arg6[%add3A_567, %dma_start3A] : memref<20480x128xf32, #tpu.memory_space<hbm>> -> memref<64x128xf32, #tpu.memory_space<hbm>>
      %dma_start3A_784 = arith.constant 0 : i32
      %dma_start3A_785 = tpu.memref_slice %arg6[%add3A_567, %dma_start3A_784] : memref<20480x128xf32, #tpu.memory_space<hbm>> -> memref<64x128xf32, #tpu.memory_space<hbm>>
      tpu.enqueue_dma source(%arg11 : memref<64x128xf32, #tpu.memory_space<vmem>>) target(%dma_start3A_785 : memref<64x128xf32, #tpu.memory_space<hbm>>) target_semaphore(%run_scoped3A : memref<!tpu.dma_semaphore, #tpu.memory_space<semaphore_mem>>)
      %dma_wait3A = arith.constant 0 : i32
      %dma_wait3A_786 = tpu.memref_slice %arg6[%add3A_567, %dma_wait3A] : memref<20480x128xf32, #tpu.memory_space<hbm>> -> memref<64x128xf32, #tpu.memory_space<hbm>>
      %dma_wait3A_787 = arith.constant 0 : i32
      %dma_wait3A_788 = tpu.memref_slice %arg6[%add3A_567, %dma_wait3A_787] : memref<20480x128xf32, #tpu.memory_space<hbm>> -> memref<64x128xf32, #tpu.memory_space<hbm>>
      tpu.wait_dma2 semaphore(%run_scoped3A : memref<!tpu.dma_semaphore, #tpu.memory_space<semaphore_mem>>) src(%arg11 : memref<64x128xf32, #tpu.memory_space<vmem>>) dst(%dma_wait3A_788 : memref<64x128xf32, #tpu.memory_space<hbm>>)
      tpu.yield
    }) : () -> ()
    "tpu.region"() ({
      %run_scoped3A = tpu.sem_alloc : memref<!tpu.dma_semaphore, #tpu.memory_space<semaphore_mem>>
      %dma_start3A = arith.constant 0 : i32
      %dma_start3A_783 = arith.constant 0 : i32
      %dma_start3A_784 = tpu.memref_slice %arg15[%dma_start3A, %dma_start3A_783] : memref<10240x16xf32, #tpu.memory_space<vmem_shared>> -> memref<10240x16xf32, #tpu.memory_space<vmem_shared>>
      tpu.enqueue_indirect_dma source(%dma_start3A_784 : memref<10240x16xf32, #tpu.memory_space<vmem_shared>>) target(%arg13 : memref<64x16xf32, #tpu.memory_space<vmem>>) offsets(%arg10 : memref<64xi32, #tpu.memory_space<vmem>>) semaphore(%run_scoped3A : memref<!tpu.dma_semaphore, #tpu.memory_space<semaphore_mem>>)
      %dma_wait3A = arith.constant 0 : i32
      %dma_wait3A_785 = arith.constant 0 : i32
      %dma_wait3A_786 = tpu.memref_slice %arg15[%dma_wait3A, %dma_wait3A_785] : memref<10240x16xf32, #tpu.memory_space<vmem_shared>> -> memref<10240x16xf32, #tpu.memory_space<vmem_shared>>
      tpu.wait_indirect_dma semaphore(%run_scoped3A : memref<!tpu.dma_semaphore, #tpu.memory_space<semaphore_mem>>) src(%dma_wait3A_786 : memref<10240x16xf32, #tpu.memory_space<vmem_shared>>) dst(%arg13 : memref<64x16xf32, #tpu.memory_space<vmem>>)
      tpu.yield
    }) : () -> ()
    %mul3A_568 = arith.constant 10240 : i32
    %mul3A_569 = arith.muli %arg0, %mul3A_568 : i32
    %add3A_570 = arith.addi %mul3A_569, %mul3A_2 : i32
    %add3A_571 = arith.constant 256 : i32
    %add3A_572 = arith.addi %add3A_570, %add3A_571 : i32
    "tpu.region"() ({
      %run_scoped3A = tpu.sem_alloc : memref<!tpu.dma_semaphore, #tpu.memory_space<semaphore_mem>>
      %dma_start3A = arith.constant 0 : i32
      %dma_start3A_783 = tpu.memref_slice %arg7[%add3A_572, %dma_start3A] : memref<20480x16xf32, #tpu.memory_space<hbm>> -> memref<64x16xf32, #tpu.memory_space<hbm>>
      %dma_start3A_784 = arith.constant 0 : i32
      %dma_start3A_785 = tpu.memref_slice %arg7[%add3A_572, %dma_start3A_784] : memref<20480x16xf32, #tpu.memory_space<hbm>> -> memref<64x16xf32, #tpu.memory_space<hbm>>
      tpu.enqueue_dma source(%arg13 : memref<64x16xf32, #tpu.memory_space<vmem>>) target(%dma_start3A_785 : memref<64x16xf32, #tpu.memory_space<hbm>>) target_semaphore(%run_scoped3A : memref<!tpu.dma_semaphore, #tpu.memory_space<semaphore_mem>>)
      %dma_wait3A = arith.constant 0 : i32
      %dma_wait3A_786 = tpu.memref_slice %arg7[%add3A_572, %dma_wait3A] : memref<20480x16xf32, #tpu.memory_space<hbm>> -> memref<64x16xf32, #tpu.memory_space<hbm>>
      %dma_wait3A_787 = arith.constant 0 : i32
      %dma_wait3A_788 = tpu.memref_slice %arg7[%add3A_572, %dma_wait3A_787] : memref<20480x16xf32, #tpu.memory_space<hbm>> -> memref<64x16xf32, #tpu.memory_space<hbm>>
      tpu.wait_dma2 semaphore(%run_scoped3A : memref<!tpu.dma_semaphore, #tpu.memory_space<semaphore_mem>>) src(%arg13 : memref<64x16xf32, #tpu.memory_space<vmem>>) dst(%dma_wait3A_788 : memref<64x16xf32, #tpu.memory_space<hbm>>)
      tpu.yield
    }) : () -> ()
    %add3A_573 = arith.constant 320 : i32
    %add3A_574 = arith.addi %mul3A_2, %add3A_573 : i32
    %add3A_575 = arith.constant 0 : i32
    %add3A_576 = arith.addi %add3A_574, %add3A_575 : i32
    %add3A_577 = vector.broadcast %add3A_576 : i32 to vector<16xi32>
    %add3A_578 = arith.addi %add3A_577, %iota3A : vector<16xi32>
    %swap3A_579 = arith.constant 0 : index
    %swap3A_580 = tpu.vector_load %arg10[%swap3A_579] {strides = array<i32>} : memref<64xi32, #tpu.memory_space<vmem>>, vector<16xi32>,
    tpu.vector_store %arg10[%swap3A_579], %add3A_578 {strides = array<i32>} : memref<64xi32, #tpu.memory_space<vmem>>, vector<16xi32>,
    %add3A_581 = arith.constant 320 : i32
    %add3A_582 = arith.addi %mul3A_2, %add3A_581 : i32
    %add3A_583 = arith.constant 16 : i32
    %add3A_584 = arith.addi %add3A_582, %add3A_583 : i32
    %add3A_585 = vector.broadcast %add3A_584 : i32 to vector<16xi32>
    %add3A_586 = arith.addi %add3A_585, %iota3A : vector<16xi32>
    %swap3A_587 = arith.constant 16 : index
    %swap3A_588 = tpu.vector_load %arg10[%swap3A_587] {strides = array<i32>} : memref<64xi32, #tpu.memory_space<vmem>>, vector<16xi32>,
    tpu.vector_store %arg10[%swap3A_587], %add3A_586 {strides = array<i32>} : memref<64xi32, #tpu.memory_space<vmem>>, vector<16xi32>,
    %add3A_589 = arith.constant 320 : i32
    %add3A_590 = arith.addi %mul3A_2, %add3A_589 : i32
    %add3A_591 = arith.constant 32 : i32
    %add3A_592 = arith.addi %add3A_590, %add3A_591 : i32
    %add3A_593 = vector.broadcast %add3A_592 : i32 to vector<16xi32>
    %add3A_594 = arith.addi %add3A_593, %iota3A : vector<16xi32>
    %swap3A_595 = arith.constant 32 : index
    %swap3A_596 = tpu.vector_load %arg10[%swap3A_595] {strides = array<i32>} : memref<64xi32, #tpu.memory_space<vmem>>, vector<16xi32>,
    tpu.vector_store %arg10[%swap3A_595], %add3A_594 {strides = array<i32>} : memref<64xi32, #tpu.memory_space<vmem>>, vector<16xi32>,
    %add3A_597 = arith.constant 320 : i32
    %add3A_598 = arith.addi %mul3A_2, %add3A_597 : i32
    %add3A_599 = arith.constant 48 : i32
    %add3A_600 = arith.addi %add3A_598, %add3A_599 : i32
    %add3A_601 = vector.broadcast %add3A_600 : i32 to vector<16xi32>
    %add3A_602 = arith.addi %add3A_601, %iota3A : vector<16xi32>
    %swap3A_603 = arith.constant 48 : index
    %swap3A_604 = tpu.vector_load %arg10[%swap3A_603] {strides = array<i32>} : memref<64xi32, #tpu.memory_space<vmem>>, vector<16xi32>,
    tpu.vector_store %arg10[%swap3A_603], %add3A_602 {strides = array<i32>} : memref<64xi32, #tpu.memory_space<vmem>>, vector<16xi32>,
    "tpu.region"() ({
      %run_scoped3A = tpu.sem_alloc : memref<!tpu.dma_semaphore, #tpu.memory_space<semaphore_mem>>
      %dma_start3A = arith.constant 0 : i32
      %dma_start3A_783 = arith.constant 0 : i32
      %dma_start3A_784 = tpu.memref_slice %arg14[%dma_start3A, %dma_start3A_783] : memref<10240x128xf32, #tpu.memory_space<vmem_shared>> -> memref<10240x128xf32, #tpu.memory_space<vmem_shared>>
      tpu.enqueue_indirect_dma source(%dma_start3A_784 : memref<10240x128xf32, #tpu.memory_space<vmem_shared>>) target(%arg11 : memref<64x128xf32, #tpu.memory_space<vmem>>) offsets(%arg10 : memref<64xi32, #tpu.memory_space<vmem>>) semaphore(%run_scoped3A : memref<!tpu.dma_semaphore, #tpu.memory_space<semaphore_mem>>)
      %dma_wait3A = arith.constant 0 : i32
      %dma_wait3A_785 = arith.constant 0 : i32
      %dma_wait3A_786 = tpu.memref_slice %arg14[%dma_wait3A, %dma_wait3A_785] : memref<10240x128xf32, #tpu.memory_space<vmem_shared>> -> memref<10240x128xf32, #tpu.memory_space<vmem_shared>>
      tpu.wait_indirect_dma semaphore(%run_scoped3A : memref<!tpu.dma_semaphore, #tpu.memory_space<semaphore_mem>>) src(%dma_wait3A_786 : memref<10240x128xf32, #tpu.memory_space<vmem_shared>>) dst(%arg11 : memref<64x128xf32, #tpu.memory_space<vmem>>)
      tpu.yield
    }) : () -> ()
    %mul3A_605 = arith.constant 10240 : i32
    %mul3A_606 = arith.muli %arg0, %mul3A_605 : i32
    %add3A_607 = arith.addi %mul3A_606, %mul3A_2 : i32
    %add3A_608 = arith.constant 320 : i32
    %add3A_609 = arith.addi %add3A_607, %add3A_608 : i32
    "tpu.region"() ({
      %run_scoped3A = tpu.sem_alloc : memref<!tpu.dma_semaphore, #tpu.memory_space<semaphore_mem>>
      %dma_start3A = arith.constant 0 : i32
      %dma_start3A_783 = tpu.memref_slice %arg6[%add3A_609, %dma_start3A] : memref<20480x128xf32, #tpu.memory_space<hbm>> -> memref<64x128xf32, #tpu.memory_space<hbm>>
      %dma_start3A_784 = arith.constant 0 : i32
      %dma_start3A_785 = tpu.memref_slice %arg6[%add3A_609, %dma_start3A_784] : memref<20480x128xf32, #tpu.memory_space<hbm>> -> memref<64x128xf32, #tpu.memory_space<hbm>>
      tpu.enqueue_dma source(%arg11 : memref<64x128xf32, #tpu.memory_space<vmem>>) target(%dma_start3A_785 : memref<64x128xf32, #tpu.memory_space<hbm>>) target_semaphore(%run_scoped3A : memref<!tpu.dma_semaphore, #tpu.memory_space<semaphore_mem>>)
      %dma_wait3A = arith.constant 0 : i32
      %dma_wait3A_786 = tpu.memref_slice %arg6[%add3A_609, %dma_wait3A] : memref<20480x128xf32, #tpu.memory_space<hbm>> -> memref<64x128xf32, #tpu.memory_space<hbm>>
      %dma_wait3A_787 = arith.constant 0 : i32
      %dma_wait3A_788 = tpu.memref_slice %arg6[%add3A_609, %dma_wait3A_787] : memref<20480x128xf32, #tpu.memory_space<hbm>> -> memref<64x128xf32, #tpu.memory_space<hbm>>
      tpu.wait_dma2 semaphore(%run_scoped3A : memref<!tpu.dma_semaphore, #tpu.memory_space<semaphore_mem>>) src(%arg11 : memref<64x128xf32, #tpu.memory_space<vmem>>) dst(%dma_wait3A_788 : memref<64x128xf32, #tpu.memory_space<hbm>>)
      tpu.yield
    }) : () -> ()
    "tpu.region"() ({
      %run_scoped3A = tpu.sem_alloc : memref<!tpu.dma_semaphore, #tpu.memory_space<semaphore_mem>>
      %dma_start3A = arith.constant 0 : i32
      %dma_start3A_783 = arith.constant 0 : i32
      %dma_start3A_784 = tpu.memref_slice %arg15[%dma_start3A, %dma_start3A_783] : memref<10240x16xf32, #tpu.memory_space<vmem_shared>> -> memref<10240x16xf32, #tpu.memory_space<vmem_shared>>
      tpu.enqueue_indirect_dma source(%dma_start3A_784 : memref<10240x16xf32, #tpu.memory_space<vmem_shared>>) target(%arg13 : memref<64x16xf32, #tpu.memory_space<vmem>>) offsets(%arg10 : memref<64xi32, #tpu.memory_space<vmem>>) semaphore(%run_scoped3A : memref<!tpu.dma_semaphore, #tpu.memory_space<semaphore_mem>>)
      %dma_wait3A = arith.constant 0 : i32
      %dma_wait3A_785 = arith.constant 0 : i32
      %dma_wait3A_786 = tpu.memref_slice %arg15[%dma_wait3A, %dma_wait3A_785] : memref<10240x16xf32, #tpu.memory_space<vmem_shared>> -> memref<10240x16xf32, #tpu.memory_space<vmem_shared>>
      tpu.wait_indirect_dma semaphore(%run_scoped3A : memref<!tpu.dma_semaphore, #tpu.memory_space<semaphore_mem>>) src(%dma_wait3A_786 : memref<10240x16xf32, #tpu.memory_space<vmem_shared>>) dst(%arg13 : memref<64x16xf32, #tpu.memory_space<vmem>>)
      tpu.yield
    }) : () -> ()
    %mul3A_610 = arith.constant 10240 : i32
    %mul3A_611 = arith.muli %arg0, %mul3A_610 : i32
    %add3A_612 = arith.addi %mul3A_611, %mul3A_2 : i32
    %add3A_613 = arith.constant 320 : i32
    %add3A_614 = arith.addi %add3A_612, %add3A_613 : i32
    "tpu.region"() ({
      %run_scoped3A = tpu.sem_alloc : memref<!tpu.dma_semaphore, #tpu.memory_space<semaphore_mem>>
      %dma_start3A = arith.constant 0 : i32
      %dma_start3A_783 = tpu.memref_slice %arg7[%add3A_614, %dma_start3A] : memref<20480x16xf32, #tpu.memory_space<hbm>> -> memref<64x16xf32, #tpu.memory_space<hbm>>
      %dma_start3A_784 = arith.constant 0 : i32
      %dma_start3A_785 = tpu.memref_slice %arg7[%add3A_614, %dma_start3A_784] : memref<20480x16xf32, #tpu.memory_space<hbm>> -> memref<64x16xf32, #tpu.memory_space<hbm>>
      tpu.enqueue_dma source(%arg13 : memref<64x16xf32, #tpu.memory_space<vmem>>) target(%dma_start3A_785 : memref<64x16xf32, #tpu.memory_space<hbm>>) target_semaphore(%run_scoped3A : memref<!tpu.dma_semaphore, #tpu.memory_space<semaphore_mem>>)
      %dma_wait3A = arith.constant 0 : i32
      %dma_wait3A_786 = tpu.memref_slice %arg7[%add3A_614, %dma_wait3A] : memref<20480x16xf32, #tpu.memory_space<hbm>> -> memref<64x16xf32, #tpu.memory_space<hbm>>
      %dma_wait3A_787 = arith.constant 0 : i32
      %dma_wait3A_788 = tpu.memref_slice %arg7[%add3A_614, %dma_wait3A_787] : memref<20480x16xf32, #tpu.memory_space<hbm>> -> memref<64x16xf32, #tpu.memory_space<hbm>>
      tpu.wait_dma2 semaphore(%run_scoped3A : memref<!tpu.dma_semaphore, #tpu.memory_space<semaphore_mem>>) src(%arg13 : memref<64x16xf32, #tpu.memory_space<vmem>>) dst(%dma_wait3A_788 : memref<64x16xf32, #tpu.memory_space<hbm>>)
      tpu.yield
    }) : () -> ()
    %add3A_615 = arith.constant 384 : i32
    %add3A_616 = arith.addi %mul3A_2, %add3A_615 : i32
    %add3A_617 = arith.constant 0 : i32
    %add3A_618 = arith.addi %add3A_616, %add3A_617 : i32
    %add3A_619 = vector.broadcast %add3A_618 : i32 to vector<16xi32>
    %add3A_620 = arith.addi %add3A_619, %iota3A : vector<16xi32>
    %swap3A_621 = arith.constant 0 : index
    %swap3A_622 = tpu.vector_load %arg10[%swap3A_621] {strides = array<i32>} : memref<64xi32, #tpu.memory_space<vmem>>, vector<16xi32>,
    tpu.vector_store %arg10[%swap3A_621], %add3A_620 {strides = array<i32>} : memref<64xi32, #tpu.memory_space<vmem>>, vector<16xi32>,
    %add3A_623 = arith.constant 384 : i32
    %add3A_624 = arith.addi %mul3A_2, %add3A_623 : i32
    %add3A_625 = arith.constant 16 : i32
    %add3A_626 = arith.addi %add3A_624, %add3A_625 : i32
    %add3A_627 = vector.broadcast %add3A_626 : i32 to vector<16xi32>
    %add3A_628 = arith.addi %add3A_627, %iota3A : vector<16xi32>
    %swap3A_629 = arith.constant 16 : index
    %swap3A_630 = tpu.vector_load %arg10[%swap3A_629] {strides = array<i32>} : memref<64xi32, #tpu.memory_space<vmem>>, vector<16xi32>,
    tpu.vector_store %arg10[%swap3A_629], %add3A_628 {strides = array<i32>} : memref<64xi32, #tpu.memory_space<vmem>>, vector<16xi32>,
    %add3A_631 = arith.constant 384 : i32
    %add3A_632 = arith.addi %mul3A_2, %add3A_631 : i32
    %add3A_633 = arith.constant 32 : i32
    %add3A_634 = arith.addi %add3A_632, %add3A_633 : i32
    %add3A_635 = vector.broadcast %add3A_634 : i32 to vector<16xi32>
    %add3A_636 = arith.addi %add3A_635, %iota3A : vector<16xi32>
    %swap3A_637 = arith.constant 32 : index
    %swap3A_638 = tpu.vector_load %arg10[%swap3A_637] {strides = array<i32>} : memref<64xi32, #tpu.memory_space<vmem>>, vector<16xi32>,
    tpu.vector_store %arg10[%swap3A_637], %add3A_636 {strides = array<i32>} : memref<64xi32, #tpu.memory_space<vmem>>, vector<16xi32>,
    %add3A_639 = arith.constant 384 : i32
    %add3A_640 = arith.addi %mul3A_2, %add3A_639 : i32
    %add3A_641 = arith.constant 48 : i32
    %add3A_642 = arith.addi %add3A_640, %add3A_641 : i32
    %add3A_643 = vector.broadcast %add3A_642 : i32 to vector<16xi32>
    %add3A_644 = arith.addi %add3A_643, %iota3A : vector<16xi32>
    %swap3A_645 = arith.constant 48 : index
    %swap3A_646 = tpu.vector_load %arg10[%swap3A_645] {strides = array<i32>} : memref<64xi32, #tpu.memory_space<vmem>>, vector<16xi32>,
    tpu.vector_store %arg10[%swap3A_645], %add3A_644 {strides = array<i32>} : memref<64xi32, #tpu.memory_space<vmem>>, vector<16xi32>,
    "tpu.region"() ({
      %run_scoped3A = tpu.sem_alloc : memref<!tpu.dma_semaphore, #tpu.memory_space<semaphore_mem>>
      %dma_start3A = arith.constant 0 : i32
      %dma_start3A_783 = arith.constant 0 : i32
      %dma_start3A_784 = tpu.memref_slice %arg14[%dma_start3A, %dma_start3A_783] : memref<10240x128xf32, #tpu.memory_space<vmem_shared>> -> memref<10240x128xf32, #tpu.memory_space<vmem_shared>>
      tpu.enqueue_indirect_dma source(%dma_start3A_784 : memref<10240x128xf32, #tpu.memory_space<vmem_shared>>) target(%arg11 : memref<64x128xf32, #tpu.memory_space<vmem>>) offsets(%arg10 : memref<64xi32, #tpu.memory_space<vmem>>) semaphore(%run_scoped3A : memref<!tpu.dma_semaphore, #tpu.memory_space<semaphore_mem>>)
      %dma_wait3A = arith.constant 0 : i32
      %dma_wait3A_785 = arith.constant 0 : i32
      %dma_wait3A_786 = tpu.memref_slice %arg14[%dma_wait3A, %dma_wait3A_785] : memref<10240x128xf32, #tpu.memory_space<vmem_shared>> -> memref<10240x128xf32, #tpu.memory_space<vmem_shared>>
      tpu.wait_indirect_dma semaphore(%run_scoped3A : memref<!tpu.dma_semaphore, #tpu.memory_space<semaphore_mem>>) src(%dma_wait3A_786 : memref<10240x128xf32, #tpu.memory_space<vmem_shared>>) dst(%arg11 : memref<64x128xf32, #tpu.memory_space<vmem>>)
      tpu.yield
    }) : () -> ()
    %mul3A_647 = arith.constant 10240 : i32
    %mul3A_648 = arith.muli %arg0, %mul3A_647 : i32
    %add3A_649 = arith.addi %mul3A_648, %mul3A_2 : i32
    %add3A_650 = arith.constant 384 : i32
    %add3A_651 = arith.addi %add3A_649, %add3A_650 : i32
    "tpu.region"() ({
      %run_scoped3A = tpu.sem_alloc : memref<!tpu.dma_semaphore, #tpu.memory_space<semaphore_mem>>
      %dma_start3A = arith.constant 0 : i32
      %dma_start3A_783 = tpu.memref_slice %arg6[%add3A_651, %dma_start3A] : memref<20480x128xf32, #tpu.memory_space<hbm>> -> memref<64x128xf32, #tpu.memory_space<hbm>>
      %dma_start3A_784 = arith.constant 0 : i32
      %dma_start3A_785 = tpu.memref_slice %arg6[%add3A_651, %dma_start3A_784] : memref<20480x128xf32, #tpu.memory_space<hbm>> -> memref<64x128xf32, #tpu.memory_space<hbm>>
      tpu.enqueue_dma source(%arg11 : memref<64x128xf32, #tpu.memory_space<vmem>>) target(%dma_start3A_785 : memref<64x128xf32, #tpu.memory_space<hbm>>) target_semaphore(%run_scoped3A : memref<!tpu.dma_semaphore, #tpu.memory_space<semaphore_mem>>)
      %dma_wait3A = arith.constant 0 : i32
      %dma_wait3A_786 = tpu.memref_slice %arg6[%add3A_651, %dma_wait3A] : memref<20480x128xf32, #tpu.memory_space<hbm>> -> memref<64x128xf32, #tpu.memory_space<hbm>>
      %dma_wait3A_787 = arith.constant 0 : i32
      %dma_wait3A_788 = tpu.memref_slice %arg6[%add3A_651, %dma_wait3A_787] : memref<20480x128xf32, #tpu.memory_space<hbm>> -> memref<64x128xf32, #tpu.memory_space<hbm>>
      tpu.wait_dma2 semaphore(%run_scoped3A : memref<!tpu.dma_semaphore, #tpu.memory_space<semaphore_mem>>) src(%arg11 : memref<64x128xf32, #tpu.memory_space<vmem>>) dst(%dma_wait3A_788 : memref<64x128xf32, #tpu.memory_space<hbm>>)
      tpu.yield
    }) : () -> ()
    "tpu.region"() ({
      %run_scoped3A = tpu.sem_alloc : memref<!tpu.dma_semaphore, #tpu.memory_space<semaphore_mem>>
      %dma_start3A = arith.constant 0 : i32
      %dma_start3A_783 = arith.constant 0 : i32
      %dma_start3A_784 = tpu.memref_slice %arg15[%dma_start3A, %dma_start3A_783] : memref<10240x16xf32, #tpu.memory_space<vmem_shared>> -> memref<10240x16xf32, #tpu.memory_space<vmem_shared>>
      tpu.enqueue_indirect_dma source(%dma_start3A_784 : memref<10240x16xf32, #tpu.memory_space<vmem_shared>>) target(%arg13 : memref<64x16xf32, #tpu.memory_space<vmem>>) offsets(%arg10 : memref<64xi32, #tpu.memory_space<vmem>>) semaphore(%run_scoped3A : memref<!tpu.dma_semaphore, #tpu.memory_space<semaphore_mem>>)
      %dma_wait3A = arith.constant 0 : i32
      %dma_wait3A_785 = arith.constant 0 : i32
      %dma_wait3A_786 = tpu.memref_slice %arg15[%dma_wait3A, %dma_wait3A_785] : memref<10240x16xf32, #tpu.memory_space<vmem_shared>> -> memref<10240x16xf32, #tpu.memory_space<vmem_shared>>
      tpu.wait_indirect_dma semaphore(%run_scoped3A : memref<!tpu.dma_semaphore, #tpu.memory_space<semaphore_mem>>) src(%dma_wait3A_786 : memref<10240x16xf32, #tpu.memory_space<vmem_shared>>) dst(%arg13 : memref<64x16xf32, #tpu.memory_space<vmem>>)
      tpu.yield
    }) : () -> ()
    %mul3A_652 = arith.constant 10240 : i32
    %mul3A_653 = arith.muli %arg0, %mul3A_652 : i32
    %add3A_654 = arith.addi %mul3A_653, %mul3A_2 : i32
    %add3A_655 = arith.constant 384 : i32
    %add3A_656 = arith.addi %add3A_654, %add3A_655 : i32
    "tpu.region"() ({
      %run_scoped3A = tpu.sem_alloc : memref<!tpu.dma_semaphore, #tpu.memory_space<semaphore_mem>>
      %dma_start3A = arith.constant 0 : i32
      %dma_start3A_783 = tpu.memref_slice %arg7[%add3A_656, %dma_start3A] : memref<20480x16xf32, #tpu.memory_space<hbm>> -> memref<64x16xf32, #tpu.memory_space<hbm>>
      %dma_start3A_784 = arith.constant 0 : i32
      %dma_start3A_785 = tpu.memref_slice %arg7[%add3A_656, %dma_start3A_784] : memref<20480x16xf32, #tpu.memory_space<hbm>> -> memref<64x16xf32, #tpu.memory_space<hbm>>
      tpu.enqueue_dma source(%arg13 : memref<64x16xf32, #tpu.memory_space<vmem>>) target(%dma_start3A_785 : memref<64x16xf32, #tpu.memory_space<hbm>>) target_semaphore(%run_scoped3A : memref<!tpu.dma_semaphore, #tpu.memory_space<semaphore_mem>>)
      %dma_wait3A = arith.constant 0 : i32
      %dma_wait3A_786 = tpu.memref_slice %arg7[%add3A_656, %dma_wait3A] : memref<20480x16xf32, #tpu.memory_space<hbm>> -> memref<64x16xf32, #tpu.memory_space<hbm>>
      %dma_wait3A_787 = arith.constant 0 : i32
      %dma_wait3A_788 = tpu.memref_slice %arg7[%add3A_656, %dma_wait3A_787] : memref<20480x16xf32, #tpu.memory_space<hbm>> -> memref<64x16xf32, #tpu.memory_space<hbm>>
      tpu.wait_dma2 semaphore(%run_scoped3A : memref<!tpu.dma_semaphore, #tpu.memory_space<semaphore_mem>>) src(%arg13 : memref<64x16xf32, #tpu.memory_space<vmem>>) dst(%dma_wait3A_788 : memref<64x16xf32, #tpu.memory_space<hbm>>)
      tpu.yield
    }) : () -> ()
    %add3A_657 = arith.constant 448 : i32
    %add3A_658 = arith.addi %mul3A_2, %add3A_657 : i32
    %add3A_659 = arith.constant 0 : i32
    %add3A_660 = arith.addi %add3A_658, %add3A_659 : i32
    %add3A_661 = vector.broadcast %add3A_660 : i32 to vector<16xi32>
    %add3A_662 = arith.addi %add3A_661, %iota3A : vector<16xi32>
    %swap3A_663 = arith.constant 0 : index
    %swap3A_664 = tpu.vector_load %arg10[%swap3A_663] {strides = array<i32>} : memref<64xi32, #tpu.memory_space<vmem>>, vector<16xi32>,
    tpu.vector_store %arg10[%swap3A_663], %add3A_662 {strides = array<i32>} : memref<64xi32, #tpu.memory_space<vmem>>, vector<16xi32>,
    %add3A_665 = arith.constant 448 : i32
    %add3A_666 = arith.addi %mul3A_2, %add3A_665 : i32
    %add3A_667 = arith.constant 16 : i32
    %add3A_668 = arith.addi %add3A_666, %add3A_667 : i32
    %add3A_669 = vector.broadcast %add3A_668 : i32 to vector<16xi32>
    %add3A_670 = arith.addi %add3A_669, %iota3A : vector<16xi32>
    %swap3A_671 = arith.constant 16 : index
    %swap3A_672 = tpu.vector_load %arg10[%swap3A_671] {strides = array<i32>} : memref<64xi32, #tpu.memory_space<vmem>>, vector<16xi32>,
    tpu.vector_store %arg10[%swap3A_671], %add3A_670 {strides = array<i32>} : memref<64xi32, #tpu.memory_space<vmem>>, vector<16xi32>,
    %add3A_673 = arith.constant 448 : i32
    %add3A_674 = arith.addi %mul3A_2, %add3A_673 : i32
    %add3A_675 = arith.constant 32 : i32
    %add3A_676 = arith.addi %add3A_674, %add3A_675 : i32
    %add3A_677 = vector.broadcast %add3A_676 : i32 to vector<16xi32>
    %add3A_678 = arith.addi %add3A_677, %iota3A : vector<16xi32>
    %swap3A_679 = arith.constant 32 : index
    %swap3A_680 = tpu.vector_load %arg10[%swap3A_679] {strides = array<i32>} : memref<64xi32, #tpu.memory_space<vmem>>, vector<16xi32>,
    tpu.vector_store %arg10[%swap3A_679], %add3A_678 {strides = array<i32>} : memref<64xi32, #tpu.memory_space<vmem>>, vector<16xi32>,
    %add3A_681 = arith.constant 448 : i32
    %add3A_682 = arith.addi %mul3A_2, %add3A_681 : i32
    %add3A_683 = arith.constant 48 : i32
    %add3A_684 = arith.addi %add3A_682, %add3A_683 : i32
    %add3A_685 = vector.broadcast %add3A_684 : i32 to vector<16xi32>
    %add3A_686 = arith.addi %add3A_685, %iota3A : vector<16xi32>
    %swap3A_687 = arith.constant 48 : index
    %swap3A_688 = tpu.vector_load %arg10[%swap3A_687] {strides = array<i32>} : memref<64xi32, #tpu.memory_space<vmem>>, vector<16xi32>,
    tpu.vector_store %arg10[%swap3A_687], %add3A_686 {strides = array<i32>} : memref<64xi32, #tpu.memory_space<vmem>>, vector<16xi32>,
    "tpu.region"() ({
      %run_scoped3A = tpu.sem_alloc : memref<!tpu.dma_semaphore, #tpu.memory_space<semaphore_mem>>
      %dma_start3A = arith.constant 0 : i32
      %dma_start3A_783 = arith.constant 0 : i32
      %dma_start3A_784 = tpu.memref_slice %arg14[%dma_start3A, %dma_start3A_783] : memref<10240x128xf32, #tpu.memory_space<vmem_shared>> -> memref<10240x128xf32, #tpu.memory_space<vmem_shared>>
      tpu.enqueue_indirect_dma source(%dma_start3A_784 : memref<10240x128xf32, #tpu.memory_space<vmem_shared>>) target(%arg11 : memref<64x128xf32, #tpu.memory_space<vmem>>) offsets(%arg10 : memref<64xi32, #tpu.memory_space<vmem>>) semaphore(%run_scoped3A : memref<!tpu.dma_semaphore, #tpu.memory_space<semaphore_mem>>)
      %dma_wait3A = arith.constant 0 : i32
      %dma_wait3A_785 = arith.constant 0 : i32
      %dma_wait3A_786 = tpu.memref_slice %arg14[%dma_wait3A, %dma_wait3A_785] : memref<10240x128xf32, #tpu.memory_space<vmem_shared>> -> memref<10240x128xf32, #tpu.memory_space<vmem_shared>>
      tpu.wait_indirect_dma semaphore(%run_scoped3A : memref<!tpu.dma_semaphore, #tpu.memory_space<semaphore_mem>>) src(%dma_wait3A_786 : memref<10240x128xf32, #tpu.memory_space<vmem_shared>>) dst(%arg11 : memref<64x128xf32, #tpu.memory_space<vmem>>)
      tpu.yield
    }) : () -> ()
    %mul3A_689 = arith.constant 10240 : i32
    %mul3A_690 = arith.muli %arg0, %mul3A_689 : i32
    %add3A_691 = arith.addi %mul3A_690, %mul3A_2 : i32
    %add3A_692 = arith.constant 448 : i32
    %add3A_693 = arith.addi %add3A_691, %add3A_692 : i32
    "tpu.region"() ({
      %run_scoped3A = tpu.sem_alloc : memref<!tpu.dma_semaphore, #tpu.memory_space<semaphore_mem>>
      %dma_start3A = arith.constant 0 : i32
      %dma_start3A_783 = tpu.memref_slice %arg6[%add3A_693, %dma_start3A] : memref<20480x128xf32, #tpu.memory_space<hbm>> -> memref<64x128xf32, #tpu.memory_space<hbm>>
      %dma_start3A_784 = arith.constant 0 : i32
      %dma_start3A_785 = tpu.memref_slice %arg6[%add3A_693, %dma_start3A_784] : memref<20480x128xf32, #tpu.memory_space<hbm>> -> memref<64x128xf32, #tpu.memory_space<hbm>>
      tpu.enqueue_dma source(%arg11 : memref<64x128xf32, #tpu.memory_space<vmem>>) target(%dma_start3A_785 : memref<64x128xf32, #tpu.memory_space<hbm>>) target_semaphore(%run_scoped3A : memref<!tpu.dma_semaphore, #tpu.memory_space<semaphore_mem>>)
      %dma_wait3A = arith.constant 0 : i32
      %dma_wait3A_786 = tpu.memref_slice %arg6[%add3A_693, %dma_wait3A] : memref<20480x128xf32, #tpu.memory_space<hbm>> -> memref<64x128xf32, #tpu.memory_space<hbm>>
      %dma_wait3A_787 = arith.constant 0 : i32
      %dma_wait3A_788 = tpu.memref_slice %arg6[%add3A_693, %dma_wait3A_787] : memref<20480x128xf32, #tpu.memory_space<hbm>> -> memref<64x128xf32, #tpu.memory_space<hbm>>
      tpu.wait_dma2 semaphore(%run_scoped3A : memref<!tpu.dma_semaphore, #tpu.memory_space<semaphore_mem>>) src(%arg11 : memref<64x128xf32, #tpu.memory_space<vmem>>) dst(%dma_wait3A_788 : memref<64x128xf32, #tpu.memory_space<hbm>>)
      tpu.yield
    }) : () -> ()
    "tpu.region"() ({
      %run_scoped3A = tpu.sem_alloc : memref<!tpu.dma_semaphore, #tpu.memory_space<semaphore_mem>>
      %dma_start3A = arith.constant 0 : i32
      %dma_start3A_783 = arith.constant 0 : i32
      %dma_start3A_784 = tpu.memref_slice %arg15[%dma_start3A, %dma_start3A_783] : memref<10240x16xf32, #tpu.memory_space<vmem_shared>> -> memref<10240x16xf32, #tpu.memory_space<vmem_shared>>
      tpu.enqueue_indirect_dma source(%dma_start3A_784 : memref<10240x16xf32, #tpu.memory_space<vmem_shared>>) target(%arg13 : memref<64x16xf32, #tpu.memory_space<vmem>>) offsets(%arg10 : memref<64xi32, #tpu.memory_space<vmem>>) semaphore(%run_scoped3A : memref<!tpu.dma_semaphore, #tpu.memory_space<semaphore_mem>>)
      %dma_wait3A = arith.constant 0 : i32
      %dma_wait3A_785 = arith.constant 0 : i32
      %dma_wait3A_786 = tpu.memref_slice %arg15[%dma_wait3A, %dma_wait3A_785] : memref<10240x16xf32, #tpu.memory_space<vmem_shared>> -> memref<10240x16xf32, #tpu.memory_space<vmem_shared>>
      tpu.wait_indirect_dma semaphore(%run_scoped3A : memref<!tpu.dma_semaphore, #tpu.memory_space<semaphore_mem>>) src(%dma_wait3A_786 : memref<10240x16xf32, #tpu.memory_space<vmem_shared>>) dst(%arg13 : memref<64x16xf32, #tpu.memory_space<vmem>>)
      tpu.yield
    }) : () -> ()
    %mul3A_694 = arith.constant 10240 : i32
    %mul3A_695 = arith.muli %arg0, %mul3A_694 : i32
    %add3A_696 = arith.addi %mul3A_695, %mul3A_2 : i32
    %add3A_697 = arith.constant 448 : i32
    %add3A_698 = arith.addi %add3A_696, %add3A_697 : i32
    "tpu.region"() ({
      %run_scoped3A = tpu.sem_alloc : memref<!tpu.dma_semaphore, #tpu.memory_space<semaphore_mem>>
      %dma_start3A = arith.constant 0 : i32
      %dma_start3A_783 = tpu.memref_slice %arg7[%add3A_698, %dma_start3A] : memref<20480x16xf32, #tpu.memory_space<hbm>> -> memref<64x16xf32, #tpu.memory_space<hbm>>
      %dma_start3A_784 = arith.constant 0 : i32
      %dma_start3A_785 = tpu.memref_slice %arg7[%add3A_698, %dma_start3A_784] : memref<20480x16xf32, #tpu.memory_space<hbm>> -> memref<64x16xf32, #tpu.memory_space<hbm>>
      tpu.enqueue_dma source(%arg13 : memref<64x16xf32, #tpu.memory_space<vmem>>) target(%dma_start3A_785 : memref<64x16xf32, #tpu.memory_space<hbm>>) target_semaphore(%run_scoped3A : memref<!tpu.dma_semaphore, #tpu.memory_space<semaphore_mem>>)
      %dma_wait3A = arith.constant 0 : i32
      %dma_wait3A_786 = tpu.memref_slice %arg7[%add3A_698, %dma_wait3A] : memref<20480x16xf32, #tpu.memory_space<hbm>> -> memref<64x16xf32, #tpu.memory_space<hbm>>
      %dma_wait3A_787 = arith.constant 0 : i32
      %dma_wait3A_788 = tpu.memref_slice %arg7[%add3A_698, %dma_wait3A_787] : memref<20480x16xf32, #tpu.memory_space<hbm>> -> memref<64x16xf32, #tpu.memory_space<hbm>>
      tpu.wait_dma2 semaphore(%run_scoped3A : memref<!tpu.dma_semaphore, #tpu.memory_space<semaphore_mem>>) src(%arg13 : memref<64x16xf32, #tpu.memory_space<vmem>>) dst(%dma_wait3A_788 : memref<64x16xf32, #tpu.memory_space<hbm>>)
      tpu.yield
    }) : () -> ()
    %add3A_699 = arith.constant 512 : i32
    %add3A_700 = arith.addi %mul3A_2, %add3A_699 : i32
    %add3A_701 = arith.constant 0 : i32
    %add3A_702 = arith.addi %add3A_700, %add3A_701 : i32
    %add3A_703 = vector.broadcast %add3A_702 : i32 to vector<16xi32>
    %add3A_704 = arith.addi %add3A_703, %iota3A : vector<16xi32>
    %swap3A_705 = arith.constant 0 : index
    %swap3A_706 = tpu.vector_load %arg10[%swap3A_705] {strides = array<i32>} : memref<64xi32, #tpu.memory_space<vmem>>, vector<16xi32>,
    tpu.vector_store %arg10[%swap3A_705], %add3A_704 {strides = array<i32>} : memref<64xi32, #tpu.memory_space<vmem>>, vector<16xi32>,
    %add3A_707 = arith.constant 512 : i32
    %add3A_708 = arith.addi %mul3A_2, %add3A_707 : i32
    %add3A_709 = arith.constant 16 : i32
    %add3A_710 = arith.addi %add3A_708, %add3A_709 : i32
    %add3A_711 = vector.broadcast %add3A_710 : i32 to vector<16xi32>
    %add3A_712 = arith.addi %add3A_711, %iota3A : vector<16xi32>
    %swap3A_713 = arith.constant 16 : index
    %swap3A_714 = tpu.vector_load %arg10[%swap3A_713] {strides = array<i32>} : memref<64xi32, #tpu.memory_space<vmem>>, vector<16xi32>,
    tpu.vector_store %arg10[%swap3A_713], %add3A_712 {strides = array<i32>} : memref<64xi32, #tpu.memory_space<vmem>>, vector<16xi32>,
    %add3A_715 = arith.constant 512 : i32
    %add3A_716 = arith.addi %mul3A_2, %add3A_715 : i32
    %add3A_717 = arith.constant 32 : i32
    %add3A_718 = arith.addi %add3A_716, %add3A_717 : i32
    %add3A_719 = vector.broadcast %add3A_718 : i32 to vector<16xi32>
    %add3A_720 = arith.addi %add3A_719, %iota3A : vector<16xi32>
    %swap3A_721 = arith.constant 32 : index
    %swap3A_722 = tpu.vector_load %arg10[%swap3A_721] {strides = array<i32>} : memref<64xi32, #tpu.memory_space<vmem>>, vector<16xi32>,
    tpu.vector_store %arg10[%swap3A_721], %add3A_720 {strides = array<i32>} : memref<64xi32, #tpu.memory_space<vmem>>, vector<16xi32>,
    %add3A_723 = arith.constant 512 : i32
    %add3A_724 = arith.addi %mul3A_2, %add3A_723 : i32
    %add3A_725 = arith.constant 48 : i32
    %add3A_726 = arith.addi %add3A_724, %add3A_725 : i32
    %add3A_727 = vector.broadcast %add3A_726 : i32 to vector<16xi32>
    %add3A_728 = arith.addi %add3A_727, %iota3A : vector<16xi32>
    %swap3A_729 = arith.constant 48 : index
    %swap3A_730 = tpu.vector_load %arg10[%swap3A_729] {strides = array<i32>} : memref<64xi32, #tpu.memory_space<vmem>>, vector<16xi32>,
    tpu.vector_store %arg10[%swap3A_729], %add3A_728 {strides = array<i32>} : memref<64xi32, #tpu.memory_space<vmem>>, vector<16xi32>,
    "tpu.region"() ({
      %run_scoped3A = tpu.sem_alloc : memref<!tpu.dma_semaphore, #tpu.memory_space<semaphore_mem>>
      %dma_start3A = arith.constant 0 : i32
      %dma_start3A_783 = arith.constant 0 : i32
      %dma_start3A_784 = tpu.memref_slice %arg14[%dma_start3A, %dma_start3A_783] : memref<10240x128xf32, #tpu.memory_space<vmem_shared>> -> memref<10240x128xf32, #tpu.memory_space<vmem_shared>>
      tpu.enqueue_indirect_dma source(%dma_start3A_784 : memref<10240x128xf32, #tpu.memory_space<vmem_shared>>) target(%arg11 : memref<64x128xf32, #tpu.memory_space<vmem>>) offsets(%arg10 : memref<64xi32, #tpu.memory_space<vmem>>) semaphore(%run_scoped3A : memref<!tpu.dma_semaphore, #tpu.memory_space<semaphore_mem>>)
      %dma_wait3A = arith.constant 0 : i32
      %dma_wait3A_785 = arith.constant 0 : i32
      %dma_wait3A_786 = tpu.memref_slice %arg14[%dma_wait3A, %dma_wait3A_785] : memref<10240x128xf32, #tpu.memory_space<vmem_shared>> -> memref<10240x128xf32, #tpu.memory_space<vmem_shared>>
      tpu.wait_indirect_dma semaphore(%run_scoped3A : memref<!tpu.dma_semaphore, #tpu.memory_space<semaphore_mem>>) src(%dma_wait3A_786 : memref<10240x128xf32, #tpu.memory_space<vmem_shared>>) dst(%arg11 : memref<64x128xf32, #tpu.memory_space<vmem>>)
      tpu.yield
    }) : () -> ()
    %mul3A_731 = arith.constant 10240 : i32
    %mul3A_732 = arith.muli %arg0, %mul3A_731 : i32
    %add3A_733 = arith.addi %mul3A_732, %mul3A_2 : i32
    %add3A_734 = arith.constant 512 : i32
    %add3A_735 = arith.addi %add3A_733, %add3A_734 : i32
    "tpu.region"() ({
      %run_scoped3A = tpu.sem_alloc : memref<!tpu.dma_semaphore, #tpu.memory_space<semaphore_mem>>
      %dma_start3A = arith.constant 0 : i32
      %dma_start3A_783 = tpu.memref_slice %arg6[%add3A_735, %dma_start3A] : memref<20480x128xf32, #tpu.memory_space<hbm>> -> memref<64x128xf32, #tpu.memory_space<hbm>>
      %dma_start3A_784 = arith.constant 0 : i32
      %dma_start3A_785 = tpu.memref_slice %arg6[%add3A_735, %dma_start3A_784] : memref<20480x128xf32, #tpu.memory_space<hbm>> -> memref<64x128xf32, #tpu.memory_space<hbm>>
      tpu.enqueue_dma source(%arg11 : memref<64x128xf32, #tpu.memory_space<vmem>>) target(%dma_start3A_785 : memref<64x128xf32, #tpu.memory_space<hbm>>) target_semaphore(%run_scoped3A : memref<!tpu.dma_semaphore, #tpu.memory_space<semaphore_mem>>)
      %dma_wait3A = arith.constant 0 : i32
      %dma_wait3A_786 = tpu.memref_slice %arg6[%add3A_735, %dma_wait3A] : memref<20480x128xf32, #tpu.memory_space<hbm>> -> memref<64x128xf32, #tpu.memory_space<hbm>>
      %dma_wait3A_787 = arith.constant 0 : i32
      %dma_wait3A_788 = tpu.memref_slice %arg6[%add3A_735, %dma_wait3A_787] : memref<20480x128xf32, #tpu.memory_space<hbm>> -> memref<64x128xf32, #tpu.memory_space<hbm>>
      tpu.wait_dma2 semaphore(%run_scoped3A : memref<!tpu.dma_semaphore, #tpu.memory_space<semaphore_mem>>) src(%arg11 : memref<64x128xf32, #tpu.memory_space<vmem>>) dst(%dma_wait3A_788 : memref<64x128xf32, #tpu.memory_space<hbm>>)
      tpu.yield
    }) : () -> ()
    "tpu.region"() ({
      %run_scoped3A = tpu.sem_alloc : memref<!tpu.dma_semaphore, #tpu.memory_space<semaphore_mem>>
      %dma_start3A = arith.constant 0 : i32
      %dma_start3A_783 = arith.constant 0 : i32
      %dma_start3A_784 = tpu.memref_slice %arg15[%dma_start3A, %dma_start3A_783] : memref<10240x16xf32, #tpu.memory_space<vmem_shared>> -> memref<10240x16xf32, #tpu.memory_space<vmem_shared>>
      tpu.enqueue_indirect_dma source(%dma_start3A_784 : memref<10240x16xf32, #tpu.memory_space<vmem_shared>>) target(%arg13 : memref<64x16xf32, #tpu.memory_space<vmem>>) offsets(%arg10 : memref<64xi32, #tpu.memory_space<vmem>>) semaphore(%run_scoped3A : memref<!tpu.dma_semaphore, #tpu.memory_space<semaphore_mem>>)
      %dma_wait3A = arith.constant 0 : i32
      %dma_wait3A_785 = arith.constant 0 : i32
      %dma_wait3A_786 = tpu.memref_slice %arg15[%dma_wait3A, %dma_wait3A_785] : memref<10240x16xf32, #tpu.memory_space<vmem_shared>> -> memref<10240x16xf32, #tpu.memory_space<vmem_shared>>
      tpu.wait_indirect_dma semaphore(%run_scoped3A : memref<!tpu.dma_semaphore, #tpu.memory_space<semaphore_mem>>) src(%dma_wait3A_786 : memref<10240x16xf32, #tpu.memory_space<vmem_shared>>) dst(%arg13 : memref<64x16xf32, #tpu.memory_space<vmem>>)
      tpu.yield
    }) : () -> ()
    %mul3A_736 = arith.constant 10240 : i32
    %mul3A_737 = arith.muli %arg0, %mul3A_736 : i32
    %add3A_738 = arith.addi %mul3A_737, %mul3A_2 : i32
    %add3A_739 = arith.constant 512 : i32
    %add3A_740 = arith.addi %add3A_738, %add3A_739 : i32
    "tpu.region"() ({
      %run_scoped3A = tpu.sem_alloc : memref<!tpu.dma_semaphore, #tpu.memory_space<semaphore_mem>>
      %dma_start3A = arith.constant 0 : i32
      %dma_start3A_783 = tpu.memref_slice %arg7[%add3A_740, %dma_start3A] : memref<20480x16xf32, #tpu.memory_space<hbm>> -> memref<64x16xf32, #tpu.memory_space<hbm>>
      %dma_start3A_784 = arith.constant 0 : i32
      %dma_start3A_785 = tpu.memref_slice %arg7[%add3A_740, %dma_start3A_784] : memref<20480x16xf32, #tpu.memory_space<hbm>> -> memref<64x16xf32, #tpu.memory_space<hbm>>
      tpu.enqueue_dma source(%arg13 : memref<64x16xf32, #tpu.memory_space<vmem>>) target(%dma_start3A_785 : memref<64x16xf32, #tpu.memory_space<hbm>>) target_semaphore(%run_scoped3A : memref<!tpu.dma_semaphore, #tpu.memory_space<semaphore_mem>>)
      %dma_wait3A = arith.constant 0 : i32
      %dma_wait3A_786 = tpu.memref_slice %arg7[%add3A_740, %dma_wait3A] : memref<20480x16xf32, #tpu.memory_space<hbm>> -> memref<64x16xf32, #tpu.memory_space<hbm>>
      %dma_wait3A_787 = arith.constant 0 : i32
      %dma_wait3A_788 = tpu.memref_slice %arg7[%add3A_740, %dma_wait3A_787] : memref<20480x16xf32, #tpu.memory_space<hbm>> -> memref<64x16xf32, #tpu.memory_space<hbm>>
      tpu.wait_dma2 semaphore(%run_scoped3A : memref<!tpu.dma_semaphore, #tpu.memory_space<semaphore_mem>>) src(%arg13 : memref<64x16xf32, #tpu.memory_space<vmem>>) dst(%dma_wait3A_788 : memref<64x16xf32, #tpu.memory_space<hbm>>)
      tpu.yield
    }) : () -> ()
    %add3A_741 = arith.constant 576 : i32
    %add3A_742 = arith.addi %mul3A_2, %add3A_741 : i32
    %add3A_743 = arith.constant 0 : i32
    %add3A_744 = arith.addi %add3A_742, %add3A_743 : i32
    %add3A_745 = vector.broadcast %add3A_744 : i32 to vector<16xi32>
    %add3A_746 = arith.addi %add3A_745, %iota3A : vector<16xi32>
    %swap3A_747 = arith.constant 0 : index
    %swap3A_748 = tpu.vector_load %arg10[%swap3A_747] {strides = array<i32>} : memref<64xi32, #tpu.memory_space<vmem>>, vector<16xi32>,
    tpu.vector_store %arg10[%swap3A_747], %add3A_746 {strides = array<i32>} : memref<64xi32, #tpu.memory_space<vmem>>, vector<16xi32>,
    %add3A_749 = arith.constant 576 : i32
    %add3A_750 = arith.addi %mul3A_2, %add3A_749 : i32
    %add3A_751 = arith.constant 16 : i32
    %add3A_752 = arith.addi %add3A_750, %add3A_751 : i32
    %add3A_753 = vector.broadcast %add3A_752 : i32 to vector<16xi32>
    %add3A_754 = arith.addi %add3A_753, %iota3A : vector<16xi32>
    %swap3A_755 = arith.constant 16 : index
    %swap3A_756 = tpu.vector_load %arg10[%swap3A_755] {strides = array<i32>} : memref<64xi32, #tpu.memory_space<vmem>>, vector<16xi32>,
    tpu.vector_store %arg10[%swap3A_755], %add3A_754 {strides = array<i32>} : memref<64xi32, #tpu.memory_space<vmem>>, vector<16xi32>,
    %add3A_757 = arith.constant 576 : i32
    %add3A_758 = arith.addi %mul3A_2, %add3A_757 : i32
    %add3A_759 = arith.constant 32 : i32
    %add3A_760 = arith.addi %add3A_758, %add3A_759 : i32
    %add3A_761 = vector.broadcast %add3A_760 : i32 to vector<16xi32>
    %add3A_762 = arith.addi %add3A_761, %iota3A : vector<16xi32>
    %swap3A_763 = arith.constant 32 : index
    %swap3A_764 = tpu.vector_load %arg10[%swap3A_763] {strides = array<i32>} : memref<64xi32, #tpu.memory_space<vmem>>, vector<16xi32>,
    tpu.vector_store %arg10[%swap3A_763], %add3A_762 {strides = array<i32>} : memref<64xi32, #tpu.memory_space<vmem>>, vector<16xi32>,
    %add3A_765 = arith.constant 576 : i32
    %add3A_766 = arith.addi %mul3A_2, %add3A_765 : i32
    %add3A_767 = arith.constant 48 : i32
    %add3A_768 = arith.addi %add3A_766, %add3A_767 : i32
    %add3A_769 = vector.broadcast %add3A_768 : i32 to vector<16xi32>
    %add3A_770 = arith.addi %add3A_769, %iota3A : vector<16xi32>
    %swap3A_771 = arith.constant 48 : index
    %swap3A_772 = tpu.vector_load %arg10[%swap3A_771] {strides = array<i32>} : memref<64xi32, #tpu.memory_space<vmem>>, vector<16xi32>,
    tpu.vector_store %arg10[%swap3A_771], %add3A_770 {strides = array<i32>} : memref<64xi32, #tpu.memory_space<vmem>>, vector<16xi32>,
    "tpu.region"() ({
      %run_scoped3A = tpu.sem_alloc : memref<!tpu.dma_semaphore, #tpu.memory_space<semaphore_mem>>
      %dma_start3A = arith.constant 0 : i32
      %dma_start3A_783 = arith.constant 0 : i32
      %dma_start3A_784 = tpu.memref_slice %arg14[%dma_start3A, %dma_start3A_783] : memref<10240x128xf32, #tpu.memory_space<vmem_shared>> -> memref<10240x128xf32, #tpu.memory_space<vmem_shared>>
      tpu.enqueue_indirect_dma source(%dma_start3A_784 : memref<10240x128xf32, #tpu.memory_space<vmem_shared>>) target(%arg11 : memref<64x128xf32, #tpu.memory_space<vmem>>) offsets(%arg10 : memref<64xi32, #tpu.memory_space<vmem>>) semaphore(%run_scoped3A : memref<!tpu.dma_semaphore, #tpu.memory_space<semaphore_mem>>)
      %dma_wait3A = arith.constant 0 : i32
      %dma_wait3A_785 = arith.constant 0 : i32
      %dma_wait3A_786 = tpu.memref_slice %arg14[%dma_wait3A, %dma_wait3A_785] : memref<10240x128xf32, #tpu.memory_space<vmem_shared>> -> memref<10240x128xf32, #tpu.memory_space<vmem_shared>>
      tpu.wait_indirect_dma semaphore(%run_scoped3A : memref<!tpu.dma_semaphore, #tpu.memory_space<semaphore_mem>>) src(%dma_wait3A_786 : memref<10240x128xf32, #tpu.memory_space<vmem_shared>>) dst(%arg11 : memref<64x128xf32, #tpu.memory_space<vmem>>)
      tpu.yield
    }) : () -> ()
    %mul3A_773 = arith.constant 10240 : i32
    %mul3A_774 = arith.muli %arg0, %mul3A_773 : i32
    %add3A_775 = arith.addi %mul3A_774, %mul3A_2 : i32
    %add3A_776 = arith.constant 576 : i32
    %add3A_777 = arith.addi %add3A_775, %add3A_776 : i32
    "tpu.region"() ({
      %run_scoped3A = tpu.sem_alloc : memref<!tpu.dma_semaphore, #tpu.memory_space<semaphore_mem>>
      %dma_start3A = arith.constant 0 : i32
      %dma_start3A_783 = tpu.memref_slice %arg6[%add3A_777, %dma_start3A] : memref<20480x128xf32, #tpu.memory_space<hbm>> -> memref<64x128xf32, #tpu.memory_space<hbm>>
      %dma_start3A_784 = arith.constant 0 : i32
      %dma_start3A_785 = tpu.memref_slice %arg6[%add3A_777, %dma_start3A_784] : memref<20480x128xf32, #tpu.memory_space<hbm>> -> memref<64x128xf32, #tpu.memory_space<hbm>>
      tpu.enqueue_dma source(%arg11 : memref<64x128xf32, #tpu.memory_space<vmem>>) target(%dma_start3A_785 : memref<64x128xf32, #tpu.memory_space<hbm>>) target_semaphore(%run_scoped3A : memref<!tpu.dma_semaphore, #tpu.memory_space<semaphore_mem>>)
      %dma_wait3A = arith.constant 0 : i32
      %dma_wait3A_786 = tpu.memref_slice %arg6[%add3A_777, %dma_wait3A] : memref<20480x128xf32, #tpu.memory_space<hbm>> -> memref<64x128xf32, #tpu.memory_space<hbm>>
      %dma_wait3A_787 = arith.constant 0 : i32
      %dma_wait3A_788 = tpu.memref_slice %arg6[%add3A_777, %dma_wait3A_787] : memref<20480x128xf32, #tpu.memory_space<hbm>> -> memref<64x128xf32, #tpu.memory_space<hbm>>
      tpu.wait_dma2 semaphore(%run_scoped3A : memref<!tpu.dma_semaphore, #tpu.memory_space<semaphore_mem>>) src(%arg11 : memref<64x128xf32, #tpu.memory_space<vmem>>) dst(%dma_wait3A_788 : memref<64x128xf32, #tpu.memory_space<hbm>>)
      tpu.yield
    }) : () -> ()
    "tpu.region"() ({
      %run_scoped3A = tpu.sem_alloc : memref<!tpu.dma_semaphore, #tpu.memory_space<semaphore_mem>>
      %dma_start3A = arith.constant 0 : i32
      %dma_start3A_783 = arith.constant 0 : i32
      %dma_start3A_784 = tpu.memref_slice %arg15[%dma_start3A, %dma_start3A_783] : memref<10240x16xf32, #tpu.memory_space<vmem_shared>> -> memref<10240x16xf32, #tpu.memory_space<vmem_shared>>
      tpu.enqueue_indirect_dma source(%dma_start3A_784 : memref<10240x16xf32, #tpu.memory_space<vmem_shared>>) target(%arg13 : memref<64x16xf32, #tpu.memory_space<vmem>>) offsets(%arg10 : memref<64xi32, #tpu.memory_space<vmem>>) semaphore(%run_scoped3A : memref<!tpu.dma_semaphore, #tpu.memory_space<semaphore_mem>>)
      %dma_wait3A = arith.constant 0 : i32
      %dma_wait3A_785 = arith.constant 0 : i32
      %dma_wait3A_786 = tpu.memref_slice %arg15[%dma_wait3A, %dma_wait3A_785] : memref<10240x16xf32, #tpu.memory_space<vmem_shared>> -> memref<10240x16xf32, #tpu.memory_space<vmem_shared>>
      tpu.wait_indirect_dma semaphore(%run_scoped3A : memref<!tpu.dma_semaphore, #tpu.memory_space<semaphore_mem>>) src(%dma_wait3A_786 : memref<10240x16xf32, #tpu.memory_space<vmem_shared>>) dst(%arg13 : memref<64x16xf32, #tpu.memory_space<vmem>>)
      tpu.yield
    }) : () -> ()
    %mul3A_778 = arith.constant 10240 : i32
    %mul3A_779 = arith.muli %arg0, %mul3A_778 : i32
    %add3A_780 = arith.addi %mul3A_779, %mul3A_2 : i32
    %add3A_781 = arith.constant 576 : i32
    %add3A_782 = arith.addi %add3A_780, %add3A_781 : i32
    "tpu.region"() ({
      %run_scoped3A = tpu.sem_alloc : memref<!tpu.dma_semaphore, #tpu.memory_space<semaphore_mem>>
      %dma_start3A = arith.constant 0 : i32
      %dma_start3A_783 = tpu.memref_slice %arg7[%add3A_782, %dma_start3A] : memref<20480x16xf32, #tpu.memory_space<hbm>> -> memref<64x16xf32, #tpu.memory_space<hbm>>
      %dma_start3A_784 = arith.constant 0 : i32
      %dma_start3A_785 = tpu.memref_slice %arg7[%add3A_782, %dma_start3A_784] : memref<20480x16xf32, #tpu.memory_space<hbm>> -> memref<64x16xf32, #tpu.memory_space<hbm>>
      tpu.enqueue_dma source(%arg13 : memref<64x16xf32, #tpu.memory_space<vmem>>) target(%dma_start3A_785 : memref<64x16xf32, #tpu.memory_space<hbm>>) target_semaphore(%run_scoped3A : memref<!tpu.dma_semaphore, #tpu.memory_space<semaphore_mem>>)
      %dma_wait3A = arith.constant 0 : i32
      %dma_wait3A_786 = tpu.memref_slice %arg7[%add3A_782, %dma_wait3A] : memref<20480x16xf32, #tpu.memory_space<hbm>> -> memref<64x16xf32, #tpu.memory_space<hbm>>
      %dma_wait3A_787 = arith.constant 0 : i32
      %dma_wait3A_788 = tpu.memref_slice %arg7[%add3A_782, %dma_wait3A_787] : memref<20480x16xf32, #tpu.memory_space<hbm>> -> memref<64x16xf32, #tpu.memory_space<hbm>>
      tpu.wait_dma2 semaphore(%run_scoped3A : memref<!tpu.dma_semaphore, #tpu.memory_space<semaphore_mem>>) src(%arg13 : memref<64x16xf32, #tpu.memory_space<vmem>>) dst(%dma_wait3A_788 : memref<64x16xf32, #tpu.memory_space<hbm>>)
      tpu.yield
    }) : () -> ()
    return
  }
}

module attributes {stable_mosaic.version = 14 : i64} {
  func.func @_proj_body(%arg0: i32, %arg1: memref<400x128xf32, #tpu.memory_space<vmem>>, %arg2: memref<128x512xf32, #tpu.memory_space<vmem>>, %arg3: memref<1x512xf32, #tpu.memory_space<vmem>>, %arg4: memref<400x128xf32, #tpu.memory_space<vmem>>, %arg5: memref<400x256xf32, #tpu.memory_space<vmem>>, %arg6: memref<400x128xf32, #tpu.memory_space<vmem>>) attributes {dimension_semantics = [#tpu.dimension_semantics<arbitrary>], iteration_bounds = array<i64: 25>, scalar_prefetch = 0 : i64, scratch_operands = 0 : i64, tpu.core_type = #tpu.core_type<tc>, window_params = [{transform_indices = @transform_0, window_bounds = array<i64: 400, 128>}, {pipeline_mode = #tpu.pipeline_mode<synchronous>, transform_indices = @transform_1, window_bounds = array<i64: 128, 512>}, {pipeline_mode = #tpu.pipeline_mode<synchronous>, transform_indices = @transform_2, window_bounds = array<i64: 1, 512>}, {transform_indices = @transform_3, window_bounds = array<i64: 400, 128>}, {transform_indices = @transform_4, window_bounds = array<i64: 400, 256>}, {transform_indices = @transform_5, window_bounds = array<i64: 400, 128>}]} {
    %get3A = arith.constant 0 : index
    %get3A_0 = arith.constant 0 : index
    %get3A_1 = vector.load %arg1[%get3A, %get3A_0] : memref<400x128xf32, #tpu.memory_space<vmem>>, vector<400x128xf32>
    %get3A_2 = arith.constant 0 : index
    %get3A_3 = arith.constant 0 : index
    %get3A_4 = vector.load %arg2[%get3A_2, %get3A_3] : memref<128x512xf32, #tpu.memory_space<vmem>>, vector<128x512xf32>
    %dot_general3A = arith.constant dense<0.000000e+00> : vector<400x512xf32>
    %dot_general3A_5 = tpu.matmul %get3A_1, %get3A_4, %dot_general3A {dimension_numbers = #tpu.dot_dimension_numbers<[1], [0], [0], [1], [0, 0, 1, 1], [], []>, transpose_lhs_hint = false} : vector<400x128xf32>, vector<128x512xf32>, vector<400x512xf32> -> vector<400x512xf32>
    %get3A_6 = arith.constant 0 : index
    %get3A_7 = arith.constant 0 : index
    %get3A_8 = vector.load %arg3[%get3A_6, %get3A_7] : memref<1x512xf32, #tpu.memory_space<vmem>>, vector<1x512xf32>
    %add3A = vector.broadcast %get3A_8 : vector<1x512xf32> to vector<400x512xf32>
    %add3A_9 = arith.addf %dot_general3A_5, %add3A : vector<400x512xf32>
    %slice3A = vector.extract_strided_slice %add3A_9 {offsets = [0, 0], sizes = [400, 128], strides = [1, 1]} : vector<400x512xf32> to vector<400x128xf32>
    %swap3A = arith.constant 0 : index
    %swap3A_10 = arith.constant 0 : index
    %swap3A_11 = vector.load %arg4[%swap3A, %swap3A_10] : memref<400x128xf32, #tpu.memory_space<vmem>>, vector<400x128xf32>
    tpu.vector_store %arg4[%swap3A, %swap3A_10], %slice3A {strides = array<i32>} : memref<400x128xf32, #tpu.memory_space<vmem>>, vector<400x128xf32>,
    %slice3A_12 = vector.extract_strided_slice %add3A_9 {offsets = [0, 128], sizes = [400, 256], strides = [1, 1]} : vector<400x512xf32> to vector<400x256xf32>
    %swap3A_13 = arith.constant 0 : index
    %swap3A_14 = arith.constant 0 : index
    %swap3A_15 = vector.load %arg5[%swap3A_13, %swap3A_14] : memref<400x256xf32, #tpu.memory_space<vmem>>, vector<400x256xf32>
    tpu.vector_store %arg5[%swap3A_13, %swap3A_14], %slice3A_12 {strides = array<i32>} : memref<400x256xf32, #tpu.memory_space<vmem>>, vector<400x256xf32>,
    %slice3A_16 = vector.extract_strided_slice %add3A_9 {offsets = [0, 384], sizes = [400, 128], strides = [1, 1]} : vector<400x512xf32> to vector<400x128xf32>
    %swap3A_17 = arith.constant 0 : index
    %swap3A_18 = arith.constant 0 : index
    %swap3A_19 = vector.load %arg6[%swap3A_17, %swap3A_18] : memref<400x128xf32, #tpu.memory_space<vmem>>, vector<400x128xf32>
    tpu.vector_store %arg6[%swap3A_17, %swap3A_18], %slice3A_16 {strides = array<i32>} : memref<400x128xf32, #tpu.memory_space<vmem>>, vector<400x128xf32>,
    return
  }
  func.func @transform_0(%arg0: i32) -> (i32, i32) {
    %c0_i32 = arith.constant 0 : i32
    %c0_i32_0 = arith.constant 0 : i32
    return %arg0, %c0_i32 : i32, i32
  }
  func.func @transform_1(%arg0: i32) -> (i32, i32) {
    %c0_i32 = arith.constant 0 : i32
    %c0_i32_0 = arith.constant 0 : i32
    %c0_i32_1 = arith.constant 0 : i32
    return %c0_i32, %c0_i32_0 : i32, i32
  }
  func.func @transform_2(%arg0: i32) -> (i32, i32) {
    %c0_i32 = arith.constant 0 : i32
    %c0_i32_0 = arith.constant 0 : i32
    %c0_i32_1 = arith.constant 0 : i32
    return %c0_i32, %c0_i32_0 : i32, i32
  }
  func.func @transform_3(%arg0: i32) -> (i32, i32) {
    %c0_i32 = arith.constant 0 : i32
    %c0_i32_0 = arith.constant 0 : i32
    return %arg0, %c0_i32 : i32, i32
  }
  func.func @transform_4(%arg0: i32) -> (i32, i32) {
    %c0_i32 = arith.constant 0 : i32
    %c0_i32_0 = arith.constant 0 : i32
    return %arg0, %c0_i32 : i32, i32
  }
  func.func @transform_5(%arg0: i32) -> (i32, i32) {
    %c0_i32 = arith.constant 0 : i32
    %c0_i32_0 = arith.constant 0 : i32
    return %arg0, %c0_i32 : i32, i32
  }
}

module attributes {stable_mosaic.version = 14 : i64} {
  func.func @_pool_body(%arg0: i32, %arg1: memref<80x128xf32, #tpu.memory_space<vmem>>, %arg2: memref<80x128xf32, #tpu.memory_space<vmem>>, %arg3: memref<80x16xf32, #tpu.memory_space<vmem>>, %arg4: memref<80x16xf32, #tpu.memory_space<vmem>>, %arg5: memref<80x128xf32, #tpu.memory_space<vmem>>, %arg6: memref<1x1x80xi32, #tpu.memory_space<vmem>>, %arg7: memref<64x128xf32, #tpu.memory_space<vmem>>, %arg8: memref<64x128xf32, #tpu.memory_space<vmem>>) attributes {dimension_semantics = [#tpu.dimension_semantics<arbitrary>], iteration_bounds = array<i64: 125>, scalar_prefetch = 0 : i64, scratch_operands = 1 : i64, tpu.core_type = #tpu.core_type<tc>, window_params = [{transform_indices = @transform_0, window_bounds = array<i64: 80, 128>}, {transform_indices = @transform_1, window_bounds = array<i64: 80, 128>}, {transform_indices = @transform_2, window_bounds = array<i64: 80, 16>}, {transform_indices = @transform_3, window_bounds = array<i64: 80, 16>}, {transform_indices = @transform_4, window_bounds = array<i64: 80, 128>}, {transform_indices = @transform_5, window_bounds = array<i64: 1, 1, 80>}, {pipeline_mode = #tpu.pipeline_mode<synchronous>, transform_indices = @transform_6, window_bounds = array<i64: 64, 128>}]} {
    %eq3A = arith.constant 0 : i32
    %eq3A_0 = arith.cmpi eq, %arg0, %eq3A : i32
    %convert_element_type3A = arith.extui %eq3A_0 : i1 to i32
    %cond3A = arith.constant 0 : i32
    %cond3A_1 = arith.cmpi ne, %convert_element_type3A, %cond3A : i32
    scf.if %cond3A_1 {
      %broadcast_in_dim3A_57 = arith.constant 0.000000e+00 : f32
      %broadcast_in_dim3A_58 = vector.broadcast %broadcast_in_dim3A_57 : f32 to vector<64x128xf32>
      %swap3A_59 = arith.constant 0 : index
      %swap3A_60 = arith.constant 0 : index
      %swap3A_61 = vector.load %arg7[%swap3A_59, %swap3A_60] : memref<64x128xf32, #tpu.memory_space<vmem>>, vector<64x128xf32>
      tpu.vector_store %arg7[%swap3A_59, %swap3A_60], %broadcast_in_dim3A_58 {strides = array<i32>} : memref<64x128xf32, #tpu.memory_space<vmem>>, vector<64x128xf32>,
      %broadcast_in_dim3A_62 = arith.constant 0.000000e+00 : f32
      %broadcast_in_dim3A_63 = vector.broadcast %broadcast_in_dim3A_62 : f32 to vector<64x128xf32>
      %swap3A_64 = arith.constant 0 : index
      %swap3A_65 = arith.constant 0 : index
      %swap3A_66 = vector.load %arg8[%swap3A_64, %swap3A_65] : memref<64x128xf32, #tpu.memory_space<vmem>>, vector<64x128xf32>
      tpu.vector_store %arg8[%swap3A_64, %swap3A_65], %broadcast_in_dim3A_63 {strides = array<i32>} : memref<64x128xf32, #tpu.memory_space<vmem>>, vector<64x128xf32>,
    } else {
    }
    %get3A = arith.constant 0 : index
    %get3A_2 = arith.constant 0 : index
    %get3A_3 = vector.load %arg3[%get3A, %get3A_2] : memref<80x16xf32, #tpu.memory_space<vmem>>, vector<80x16xf32>
    %slice3A = vector.extract_strided_slice %get3A_3 {offsets = [0, 0], sizes = [80, 1], strides = [1, 1]} : vector<80x16xf32> to vector<80x1xf32>
    %get3A_4 = arith.constant 0 : index
    %get3A_5 = arith.constant 0 : index
    %get3A_6 = vector.load %arg4[%get3A_4, %get3A_5] : memref<80x16xf32, #tpu.memory_space<vmem>>, vector<80x16xf32>
    %slice3A_7 = vector.extract_strided_slice %get3A_6 {offsets = [0, 0], sizes = [80, 1], strides = [1, 1]} : vector<80x16xf32> to vector<80x1xf32>
    %add3A = arith.addf %slice3A, %slice3A_7 : vector<80x1xf32>
    %get3A_8 = arith.constant 0 : index
    %get3A_9 = arith.constant 0 : index
    %get3A_10 = vector.load %arg1[%get3A_8, %get3A_9] : memref<80x128xf32, #tpu.memory_space<vmem>>, vector<80x128xf32>
    %get3A_11 = arith.constant 0 : index
    %get3A_12 = arith.constant 0 : index
    %get3A_13 = vector.load %arg2[%get3A_11, %get3A_12] : memref<80x128xf32, #tpu.memory_space<vmem>>, vector<80x128xf32>
    %add3A_14 = arith.addf %get3A_10, %get3A_13 : vector<80x128xf32>
    %add3A_15 = arith.constant 1.000000e-16 : f32
    %add3A_16 = vector.broadcast %add3A_15 : f32 to vector<80x1xf32>
    %add3A_17 = arith.addf %add3A, %add3A_16 : vector<80x1xf32>
    %div3A = vector.broadcast %add3A_17 : vector<80x1xf32> to vector<80x128xf32>
    %div3A_18 = arith.divf %add3A_14, %div3A : vector<80x128xf32>
    %get3A_19 = arith.constant 0 : index
    %get3A_20 = arith.constant 0 : index
    %get3A_21 = vector.load %arg5[%get3A_19, %get3A_20] : memref<80x128xf32, #tpu.memory_space<vmem>>, vector<80x128xf32>
    %add3A_22 = arith.addf %div3A_18, %get3A_21 : vector<80x128xf32>
    %max3A = arith.constant 0.000000e+00 : f32
    %max3A_23 = vector.broadcast %max3A : f32 to vector<80x128xf32>
    %max3A_24 = arith.maximumf %add3A_22, %max3A_23 : vector<80x128xf32>
    %get3A_25 = arith.constant 0 : index
    %get3A_26 = arith.constant 0 : index
    %get3A_27 = arith.constant 0 : index
    %get3A_28 = vector.load %arg6[%get3A_25, %get3A_26, %get3A_27] : memref<1x1x80xi32, #tpu.memory_space<vmem>>, vector<1x1x80xi32>
    %get3A_29 = vector.shape_cast %get3A_28 : vector<1x1x80xi32> to vector<1x80xi32>
    %iota3A = tpu.iota {dimensions = array<i32: 0>} : vector<64x80xi32>
    %broadcast_in_dim3A = vector.shape_cast %get3A_29 : vector<1x80xi32> to vector<1x80xi32>
    %broadcast_in_dim3A_30 = vector.broadcast %broadcast_in_dim3A : vector<1x80xi32> to vector<64x80xi32>
    %eq3A_31 = arith.cmpi eq, %iota3A, %broadcast_in_dim3A_30 : vector<64x80xi32>
    %convert_element_type3A_32 = arith.extui %eq3A_31 : vector<64x80xi1> to vector<64x80xi32>
    %convert_element_type3A_33 = arith.sitofp %convert_element_type3A_32 : vector<64x80xi32> to vector<64x80xf32>
    %get3A_34 = arith.constant 0 : index
    %get3A_35 = arith.constant 0 : index
    %get3A_36 = vector.load %arg7[%get3A_34, %get3A_35] : memref<64x128xf32, #tpu.memory_space<vmem>>, vector<64x128xf32>
    %dot_general3A = arith.constant dense<0.000000e+00> : vector<64x128xf32>
    %dot_general3A_37 = tpu.matmul %convert_element_type3A_33, %max3A_24, %dot_general3A {dimension_numbers = #tpu.dot_dimension_numbers<[1], [0], [0], [1], [0, 0, 1, 1], [], []>, transpose_lhs_hint = false} : vector<64x80xf32>, vector<80x128xf32>, vector<64x128xf32> -> vector<64x128xf32>
    %add3A_38 = arith.addf %get3A_36, %dot_general3A_37 : vector<64x128xf32>
    %swap3A = arith.constant 0 : index
    %swap3A_39 = arith.constant 0 : index
    %swap3A_40 = vector.load %arg7[%swap3A, %swap3A_39] : memref<64x128xf32, #tpu.memory_space<vmem>>, vector<64x128xf32>
    tpu.vector_store %arg7[%swap3A, %swap3A_39], %add3A_38 {strides = array<i32>} : memref<64x128xf32, #tpu.memory_space<vmem>>, vector<64x128xf32>,
    %get3A_41 = arith.constant 0 : index
    %get3A_42 = arith.constant 0 : index
    %get3A_43 = vector.load %arg8[%get3A_41, %get3A_42] : memref<64x128xf32, #tpu.memory_space<vmem>>, vector<64x128xf32>
    %broadcast_in_dim3A_44 = arith.constant 1.000000e+00 : f32
    %broadcast_in_dim3A_45 = vector.broadcast %broadcast_in_dim3A_44 : f32 to vector<80x128xf32>
    %dot_general3A_46 = arith.constant dense<0.000000e+00> : vector<64x128xf32>
    %dot_general3A_47 = tpu.matmul %convert_element_type3A_33, %broadcast_in_dim3A_45, %dot_general3A_46 {dimension_numbers = #tpu.dot_dimension_numbers<[1], [0], [0], [1], [0, 0, 1, 1], [], []>, transpose_lhs_hint = false} : vector<64x80xf32>, vector<80x128xf32>, vector<64x128xf32> -> vector<64x128xf32>
    %add3A_48 = arith.addf %get3A_43, %dot_general3A_47 : vector<64x128xf32>
    %swap3A_49 = arith.constant 0 : index
    %swap3A_50 = arith.constant 0 : index
    %swap3A_51 = vector.load %arg8[%swap3A_49, %swap3A_50] : memref<64x128xf32, #tpu.memory_space<vmem>>, vector<64x128xf32>
    tpu.vector_store %arg8[%swap3A_49, %swap3A_50], %add3A_48 {strides = array<i32>} : memref<64x128xf32, #tpu.memory_space<vmem>>, vector<64x128xf32>,
    %eq3A_52 = arith.constant 124 : i32
    %eq3A_53 = arith.cmpi eq, %arg0, %eq3A_52 : i32
    %convert_element_type3A_54 = arith.extui %eq3A_53 : i1 to i32
    %cond3A_55 = arith.constant 0 : i32
    %cond3A_56 = arith.cmpi ne, %convert_element_type3A_54, %cond3A_55 : i32
    scf.if %cond3A_56 {
      %get3A_57 = arith.constant 0 : index
      %get3A_58 = arith.constant 0 : index
      %get3A_59 = vector.load %arg7[%get3A_57, %get3A_58] : memref<64x128xf32, #tpu.memory_space<vmem>>, vector<64x128xf32>
      %get3A_60 = arith.constant 0 : index
      %get3A_61 = arith.constant 0 : index
      %get3A_62 = vector.load %arg8[%get3A_60, %get3A_61] : memref<64x128xf32, #tpu.memory_space<vmem>>, vector<64x128xf32>
      %max3A_63 = arith.constant 1.000000e+00 : f32
      %max3A_64 = vector.broadcast %max3A_63 : f32 to vector<64x128xf32>
      %max3A_65 = arith.maximumf %get3A_62, %max3A_64 : vector<64x128xf32>
      %div3A_66 = arith.divf %get3A_59, %max3A_65 : vector<64x128xf32>
      %swap3A_67 = arith.constant 0 : index
      %swap3A_68 = arith.constant 0 : index
      %swap3A_69 = vector.load %arg7[%swap3A_67, %swap3A_68] : memref<64x128xf32, #tpu.memory_space<vmem>>, vector<64x128xf32>
      tpu.vector_store %arg7[%swap3A_67, %swap3A_68], %div3A_66 {strides = array<i32>} : memref<64x128xf32, #tpu.memory_space<vmem>>, vector<64x128xf32>,
    } else {
    }
    return
  }
  func.func @transform_0(%arg0: i32) -> (i32, i32) {
    %c0_i32 = arith.constant 0 : i32
    %c0_i32_0 = arith.constant 0 : i32
    return %arg0, %c0_i32 : i32, i32
  }
  func.func @transform_1(%arg0: i32) -> (i32, i32) {
    %add3A = arith.constant 128 : i32
    %add3A_0 = arith.addi %arg0, %add3A : i32
    %c0_i32 = arith.constant 0 : i32
    %c0_i32_1 = arith.constant 0 : i32
    return %add3A_0, %c0_i32 : i32, i32
  }
  func.func @transform_2(%arg0: i32) -> (i32, i32) {
    %c0_i32 = arith.constant 0 : i32
    %c0_i32_0 = arith.constant 0 : i32
    return %arg0, %c0_i32 : i32, i32
  }
  func.func @transform_3(%arg0: i32) -> (i32, i32) {
    %add3A = arith.constant 128 : i32
    %add3A_0 = arith.addi %arg0, %add3A : i32
    %c0_i32 = arith.constant 0 : i32
    %c0_i32_1 = arith.constant 0 : i32
    return %add3A_0, %c0_i32 : i32, i32
  }
  func.func @transform_4(%arg0: i32) -> (i32, i32) {
    %c0_i32 = arith.constant 0 : i32
    %c0_i32_0 = arith.constant 0 : i32
    return %arg0, %c0_i32 : i32, i32
  }
  func.func @transform_5(%arg0: i32) -> (i32, i32, i32) {
    %c0_i32 = arith.constant 0 : i32
    %c0_i32_0 = arith.constant 0 : i32
    %c0_i32_1 = arith.constant 0 : i32
    return %arg0, %c0_i32, %c0_i32_0 : i32, i32, i32
  }
  func.func @transform_6(%arg0: i32) -> (i32, i32) {
    %c0_i32 = arith.constant 0 : i32
    %c0_i32_0 = arith.constant 0 : i32
    %c0_i32_1 = arith.constant 0 : i32
    return %c0_i32, %c0_i32_0 : i32, i32
  }
}

</mosaic_0001>

<sc_bundles>
// kernel: kernel.5.cloned.1.call-start
scs
__scs_entry_jumppad:
0x0: {  	(pc) =	sbr.rel $0x88, $3  }
0x1: {  	(tag) =	ssettag $0x0;
	lr =	simm.s32 $0x1  }
0x2: {  	[smem:$0x3F96] =	sst lr;
	_ =	strace $0xD0000000  }
0x3: {  	_ = 	snop  }
0x4: {  	_ = 	snop  }
0x5: {  	_ = 	snop  }
0x6: {  	_ = 	snop  }
0x7: {  	_ = 	snop  }
__scs_overlays_trampoline_lowered:
0x8: {  	[smem:$0x3FA5] =	sst s0  }
0x9: {  	[smem:$0x3FA6] =	sst s1  }
0xa: {  	[smem:$0x3FA7] =	sst s2  }
0xb: {  	[smem:$0x3FA8] =	sst s3  }
0xc: {  	[smem:$0x3FA9] =	sst s4  }
0xd: {  	[smem:$0x3FAA] =	sst s5  }
0xe: {  	[smem:$0x3FAB] =	sst s6  }
0xf: {  	[smem:$0x3FAC] =	sst s7  }
0x10: {  	[smem:$0x3FAD] =	sst s8  }
0x11: {  	[smem:$0x3FAE] =	sst s9;
	s0 =	simm.s32 @!p0 $0x0  }
0x12: {  	s1 =	sld [smem:$0x3F94];
	s0 =	simm.s32 @p0 $0x1  }
0x13: {  	[smem:$0x3FAF] =	sst s0;
	s0 =	simm.s32 @!p1 $0x0  }
0x14: {  	s2 =	sld [smem:$0x3F93];
	s0 =	simm.s32 @p1 $0x1  }
0x15: {  	[smem:$0x3FB0] =	sst s0;
	s0 =	simm.s32 @!p2 $0x0  }
0x16: {  	s3 =	sld [smem:$0x3FDB];
	s0 =	simm.s32 @p2 $0x1  }
0x17: {  	s4 =	simm.s32 $0x1BF5;
	[smem:$0x3FB2] =	sst s0  }
0x18: {  	s0 =	sld [smem:$0x3F95];
	_ =	swait.ge [sflag:s4], $0x0  }
0x19: {  	s7 =	sld [smem:$0x3F96]  }
0x1a: {  	s8 =	sadd.s32 $0xFFFFE003, lr  }
0x1b: {  	s9 =	sadd.s32 $0xFFFFFEF7, lr;
	s5 =	simm.s32 $0xFFFFFFFF;
	p2 =	slt.u32 s8, $0xFFFFF086  }
0x1c: {  	p1 =	slt.u32 s9, $0xF7A;
	s5 =	simm.s32 @!p2 $0x0  }
0x1d: {  	s5 =	simm.s32 @p1 $0x1;
	p0 =	seq.s32 s7, s2  }
0x1e: {  	s7 =	smul.u32 @!p0 $0xF7A, s2;
	p2 =	seq.s32 @!p0 s5, $0x0  }
0x1f: {  	s9 =	smul.u32 $0xF7A, s1;
	s8 =	simm.s32 @!p0 $0x1BF5;
	p2 =	por !p2, p0  }
0x20: {  	[sflag:s8] =	ssyncset.s32 @!p0 $0xFFFFF086;
	s6 =	sadd.s32 @!p0 s3, s7;
	s7 =	simm.s32 @!p0 $0x108  }
0x21: {  	s3 =	sadd.s32 s3, s9;
	s6 =	sadd.s32 @!p0 $0x88, s6;
	s7 =	simm.s32 @p2 $0x1082  }
0x22: {  	[simem:s7], [sflag:s8] =	dma.local @!p0 [hbm:s6], $0xF7A  }
0x23: {  	s9 =	sor.u32 $0xD0000000, s2;
	s6 =	simm.s32 $0x108;
	_ =	swait.ge @!p0 [sflag:s8], $0x0  }
0x24: {  	s3 =	sadd.s32 $0x88, s3;
	s6 =	simm.s32 @!p1 $0x1082;
	[sflag:s4] =	ssyncset.s32 $0xFFFFF086  }
0x25: {  	[simem:s6], [sflag:s4] =	dma.local [hbm:s3], $0xF7A  }
0x26: {  	[smem:$0x3F96] =	sst s1;
	(tag) =	ssettag s2;
	_ =	strace s9  }
0x27: {  	s1 =	sld [smem:$0x3FA6]  }
0x28: {  	s2 =	sld [smem:$0x3FA7]  }
0x29: {  	s4 =	sld [smem:$0x3FA9]  }
0x2a: {  	p0 =	seq.s32 s5, $0x0;
	s5 =	sld [smem:$0x3FAA]  }
0x2b: {  	s6 =	sld [smem:$0x3FAB]  }
0x2c: {  	s7 =	sld [smem:$0x3FAC]  }
0x2d: {  	s3 =	simm.s32 $0x108;
	s8 =	sld [smem:$0x3FAD]  }
0x2e: {  	s3 =	simm.s32 @!p0 $0x1082;
	s9 =	sld [smem:$0x3FAE]  }
0x2f: {  	lr =	sadd.s32 s0, s3;
	s0 =	sld [smem:$0x3FA5]  }
0x30: {  	s3 =	sld [smem:$0x3FA8]  }
0x31: {  	[smem:$0x3FB1] =	sst s10  }
0x32: {  	s10 =	sld [smem:$0x3FAF];
	_ =	sdelay $0x3  }
0x33: {  	p0 =	seq.s32 s10, $0x1;
	s10 =	sld [smem:$0x3FB1];
	_ =	sdelay $0x3  }
0x34: {  	[smem:$0x3FB1] =	sst s10  }
0x35: {  	s10 =	sld [smem:$0x3FB0];
	_ =	sdelay $0x3  }
0x36: {  	p1 =	seq.s32 s10, $0x1;
	s10 =	sld [smem:$0x3FB1];
	_ =	sdelay $0x3  }
0x37: {  	[smem:$0x3FB1] =	sst s10  }
0x38: {  	s10 =	sld [smem:$0x3FB2]  }
0x39: {  	_ = 	snop;
	(pc) =	sbr.ind lr, $3  }
0x3a: {  	_ = 	snop  }
0x3b: {  	_ = 	snop  }
0x3c: {  	p2 =	seq.s32 s10, $0x1;
	s10 =	sld [smem:$0x3FB1]  }
0x3d: {  	_ =	shalt  }
0x3e: {  	_ =	shalt  }
0x3f: {  	_ =	shalt  }
0x40: {  	_ =	shalt  }
0x41: {  	_ =	shalt  }
0x42: {  	_ =	shalt  }
0x43: {  	_ =	shalt  }
0x44: {  	_ =	shalt  }
0x45: {  	_ =	shalt  }
0x46: {  	_ =	shalt  }
0x47: {  	_ =	shalt  }
0x48: {  	_ =	shalt  }
0x49: {  	_ =	shalt  }
0x4a: {  	_ =	shalt  }
0x4b: {  	_ =	shalt  }
0x4c: {  	_ =	shalt  }
0x4d: {  	_ =	shalt  }
0x4e: {  	_ =	shalt  }
0x4f: {  	_ =	shalt  }
0x50: {  	_ =	shalt  }
0x51: {  	_ =	shalt  }
0x52: {  	_ =	shalt  }
0x53: {  	_ =	shalt  }
0x54: {  	_ =	shalt  }
0x55: {  	_ =	shalt  }
0x56: {  	_ =	shalt  }
0x57: {  	_ =	shalt  }
0x58: {  	_ =	shalt  }
0x59: {  	_ =	shalt  }
0x5a: {  	_ =	shalt  }
0x5b: {  	_ =	shalt  }
0x5c: {  	_ =	shalt  }
0x5d: {  	_ =	shalt  }
0x5e: {  	_ =	shalt  }
0x5f: {  	_ =	shalt  }
0x60: {  	_ =	shalt  }
0x61: {  	_ =	shalt  }
0x62: {  	_ =	shalt  }
0x63: {  	_ =	shalt  }
0x64: {  	_ =	shalt  }
0x65: {  	_ =	shalt  }
0x66: {  	_ =	shalt  }
0x67: {  	_ =	shalt  }
0x68: {  	_ =	shalt  }
0x69: {  	_ =	shalt  }
0x6a: {  	_ =	shalt  }
0x6b: {  	_ =	shalt  }
0x6c: {  	_ =	shalt  }
0x6d: {  	_ =	shalt  }
0x6e: {  	_ =	shalt  }
0x6f: {  	_ =	shalt  }
0x70: {  	_ =	shalt  }
0x71: {  	_ =	shalt  }
0x72: {  	_ =	shalt  }
0x73: {  	_ =	shalt  }
0x74: {  	_ =	shalt  }
0x75: {  	_ =	shalt  }
0x76: {  	_ =	shalt  }
0x77: {  	_ =	shalt  }
0x78: {  	_ =	shalt  }
0x79: {  	_ =	shalt  }
0x7a: {  	_ =	shalt  }
0x7b: {  	_ =	shalt  }
0x7c: {  	_ =	shalt  }
0x7d: {  	_ =	shalt  }
0x7e: {  	_ =	shalt  }
0x7f: {  	_ =	shalt  }
0x80: {  	_ =	shalt  }
0x81: {  	_ =	shalt  }
0x82: {  	_ =	shalt  }
0x83: {  	_ =	shalt  }
0x84: {  	_ =	shalt  }
0x85: {  	_ =	shalt  }
0x86: {  	_ =	shalt  }
0x87: {  	_ =	shalt  }
.Lfunc_end0:
.L_simem_size_0:
called_computation_lowered:
.L_overlay_start_0:
0x88: {  	s2 =	sld [smem:$0x3FD9]  }
0x89: {  	s3 =	sld [smem:$0x3FFE];
	_ =	sdelay $0x1  }
0x8a: {  	s1 =	srdreg.scid  }
0x8b: {  	s0 =	sand.u32 $0x1, s1  }
0x8c: {  	s16 =	sshll.u32 s0, $0xA;
	s2 =	sadd.s32 s3, s2  }
0x8d: {  	s2 =	sadd.s32 s2, s16  }
0x8e: {  	[smem:$0x3FBD] =	sst s2  }
0x8f: {  	_ = 	snop  }
0x90: {  	(tm) =	ssettm $0x1  }
0x91: {  	s17 =	sld [smem:$0x3FFB];
	_ =	sdelay $0x3  }
0x92: {  	_ =	strace s17  }
0x93: {  	s2 =	sld [smem:$0x3FFC];
	_ =	sdelay $0x3  }
0x94: {  	_ =	strace s2  }
0x95: {  	s2 =	sld [smem:$0x3FFD];
	_ =	sdelay $0x3  }
0x96: {  	_ =	strace s2  }
0x97: {  	_ =	strace $0x8FFFFFFF  }
0x98: {  	s18 =	sld [smem:$0x3FDB];
	_ =	sdelay $0x1  }
0x99: {  	s19 =	simm.s32 $_scs_section_size  }
0x9a: {  	s4 =	simm.s32 $_size__tile_overlayer_lowered;
	s5 =	simm.s32 $_tile_overlayer_lowered  }
0x9b: {  	s22 =	simm.s32 $0x1BFF;
	s21 =	sshll.u32 s5, $0x1;
	s2 =	sadd.s32 s19, s18  }
0x9c: {  	s6 =	simm.s32 $0x0;
	s20 =	sshll.u32 s4, $0x1;
	s4 =	sadd.s32 s21, s2  }
0x9d: {  	[timem:s6], [sflag:s22] =	dma.local [hbm:s4], s20  }
0x9e: {  	_ =	swait.ge [sflag:s22], s20  }
0x9f: {  	s3 =	ssub.s32 $0x0, s20;
	[sflag:s22] =	ssyncset.done $0x0  }
0xa0: {  	[sflag:s22] =	ssyncadd.s32 s3;
	_ =	sdelay $0x1  }
0xa1: {  	s23 =	simm.s32 $0x1B8B  }
0xa2: {  	_ =	swait.ge [sflag:s23], $0x1  }
0xa3: {  	[sflag:s23] =	ssyncset.done $0x0  }
0xa4: {  	s25 =	simm.s32 $0x1B8E;
	s24 =	sld [smem:$0x3FFE];
	[sflag:s23] =	ssyncadd.s32 $0xFFFFFFFF  }
0xa5: {  	s26 =	simm.s32 $execute0_lowered;
	[smem:$0x3FD2] =	sst s25  }
0xa6: {  	s4 =	sshll.u32 s26, $0x1;
	_ =	strace $0x80000046;
	[dreg:$0x1] =	wrdreg $0xFFFFFFFF  }
0xa7: {  	s28 =	simm.s32 $_size_execute0_lowered;
	s2 =	sadd.s32 s2, s4;
	[dreg:$0x0] =	wrdreg $0x0  }
0xa8: {  	s4 =	sshll.u32 s28, $0x1;
	[dreg:$0x2] =	wrdreg s2  }
0xa9: {  	[dreg:$0x3] =	wrdreg s4  }
0xaa: {  	[dreg:$0x4] =	wrdreg $0xC0  }
0xab: {  	_ =	task [dreg:s6], $0x5FFFF  }
0xac: {  	[dreg:$0x1] =	wrdreg $0xFFFFFFFF  }
0xad: {  	[dreg:$0x0] =	wrdreg $0x60  }
0xae: {  	[dreg:$0x2] =	wrdreg s24  }
0xaf: {  	[dreg:$0x3] =	wrdreg $0x81800  }
0xb0: {  	[dreg:$0x4] =	wrdreg $0x1C1800  }
0xb1: {  	[dreg:$0x5] =	wrdreg $0x9  }
0xb2: {  	_ =	task.clear_ibuf [dreg:s6], $0x6FFFF;
	_ =	strace $0x90000046  }
0xb3: {  	s29 =	simm.s32 $0x9;
	_ =	strace $0x80000048  }
0xb4: {  	_ =	swait.ge [sflag:s29], $0x1  }
0xb5: {  	[sflag:s29] =	ssyncadd.s32 $0xFFFFFFFF  }
0xb6: {  	_ =	strace $0x90000048  }
0xb7: {  	_ =	sfence  }
0xb8: {  	s30 =	sld [smem:$0x0];
	_ =	sdelay $0x2  }
0xb9: {  	s31 =	sshll.u32 s1, $0xD;
	s1 =	sshrl.u32 s1, $0x2  }
0xba: {  	s3 =	sand.u32 $0x4000, s31;
	s1 =	sadd.s32 s1, s30  }
0xbb: {  	s0 =	sor.u32 s3, s0;
	s1 =	sshll.u32 s1, $0x11  }
0xbc: {  	s0 =	sor.u32 s1, s0  }
0xbd: {  	s0 =	sadd.s32 $0x8F2B, s0  }
0xbe: {  	[sflag:s0] =	ssyncadd.remote.s32 $0x1  }
0xbf: {  	_ =	sfence.sel $0xFFFF  }
0xc0: {  	[dreg:$0x0] =	wrdreg $0xFFFFFFFF;
	(pc) =	sbr.abs _section_cstart, $3  }
0xc1: {  	[dreg:$0x1] =	wrdreg $0xFFFFFFFF  }
0xc2: {  	_ =	task.clear_ibuf [dreg:s6], $0x2FFFF;
	_ =	strace $0x9FFFFFFF  }
0xc3: {  	(tm) =	ssettm $0x7FFFFFFF  }
tec
execute0_lowered:
.L_overlay_start_1:
0x0: {  	(tag) =	ssettag $0x1  }
0x1: {  	s4 =	rddreg [dreg:$0x0]  }
0x2: {  	s1 =	rddreg [dreg:$0x1]  }
0x3: {  	s0 =	srdreg.scid;
	s9 =	stileid.u32  }
0x4: {  	s2 =	simm.s32 $0x0;
	s3 =	sand.u32 $0x1, s0;
	s0 =	smul.u32 $0x280, s9  }
0x5: {  	[smem:$0x7FF] =	sst s2;
	s25 =	smul.u32 $0x2800, s3  }
0x6: {  	s5 =	sadd.s32 $0x8A200, s4;
	s6 =	sadd.s32 $0xDA200, s4;
	s9 =	sshll.u32 s9, $0x1  }
0x7: {  	s28 =	sadd.s32 $0xB000, s4;
	s29 =	sadd.s32 $0x1200, s4;
	s10 =	sadd.s32 s0, s25  }
0x8: {  	s7 =	ssub.s32 $0x2, s3;
	s3 =	sor.u32 s3, s9;
	s26 =	sshll.u32 s10, $0x4  }
0x9: {  	s8 =	sshrl.u32 s7, $0x1;
	s30 =	sshll.u32 s3, $0x6;
	s9 =	sadd.s32 s5, s26  }
0xa: {  	s10 =	sadd.s32 s6, s26;
	s11 =	sor.u32 $0x400, s26;
	[dreg:$0x4] =	wrdreg s9  }
0xb: {  	s2 =	ssub.s32 s7, s8;
	[dreg:$0x5] =	wrdreg s10;
	s12 =	sadd.s32 s5, s11  }
0xc: {  	s13 =	sadd.s32 $0x800, s26;
	s8 =	sadd.s32 s6, s11;
	[dreg:$0x6] =	wrdreg s12  }
0xd: {  	s15 =	sadd.s32 $0xC00, s26;
	s14 =	sadd.s32 s5, s13;
	[dreg:$0x7] =	wrdreg s8  }
0xe: {  	s17 =	sadd.s32 $0x1000, s26;
	s16 =	sadd.s32 s5, s15;
	[dreg:$0x8] =	wrdreg s14  }
0xf: {  	s19 =	sadd.s32 $0x1400, s26;
	s18 =	sadd.s32 s5, s17;
	[dreg:$0xa] =	wrdreg s16  }
0x10: {  	s21 =	sadd.s32 $0x1800, s26;
	s20 =	sadd.s32 s5, s19;
	[dreg:$0xc] =	wrdreg s18  }
0x11: {  	s23 =	sadd.s32 $0x1C00, s26;
	s22 =	sadd.s32 s5, s21;
	[dreg:$0xe] =	wrdreg s20  }
0x12: {  	s25 =	sadd.s32 $0x2000, s26;
	s24 =	sadd.s32 s5, s23;
	[dreg:$0x10] =	wrdreg s22  }
0x13: {  	s7 =	sadd.s32 $0x2400, s26;
	s26 =	sadd.s32 s5, s25;
	[dreg:$0x12] =	wrdreg s24  }
0x14: {  	s5 =	sadd.s32 s5, s7;
	s9 =	sor.u32 $0x30, s0;
	s20 =	rddreg [dreg:$0x2]  }
0x15: {  	s10 =	sor.u32 $0x40, s0;
	s11 =	sadd.s32 $0x80, s0;
	[dreg:$0x14] =	wrdreg s26  }
0x16: {  	s8 =	sadd.s32 s6, s13;
	[dreg:$0x16] =	wrdreg s5;
	s26 =	sadd.s32 $0x14E00, s4  }
0x17: {  	s18 =	sor.u32 $0x60, s0;
	s12 =	sadd.s32 $0x90, s0;
	s13 =	sadd.s32 $0xA0, s0  }
0x18: {  	v43 =	vlaneseq.u32;
	s14 =	sadd.s32 $0xB0, s0;
	s22 =	sadd.s32 $0xE0, s0;
	s16 =	sadd.s32 $0xF0, s0  }
0x19: {  	v2 =	vor.u32 s9, v43;
	s24 =	sadd.s32 $0x120, s0;
	v7 =	vor.u32 s11, v43;
	s11 =	sadd.s32 $0x130, s0;
	s9 =	sadd.s32 $0x200, s0  }
0x1a: {  	v3 =	vor.u32 s10, v43;
	s10 =	sadd.s32 $0x210, s0;
	s5 =	simm.s32 $0x3;
	[dreg:$0x9] =	wrdreg s8  }
0x1b: {  	s8 =	sadd.s32 s6, s15;
	s15 =	sadd.s32 $0xC0, s0;
	v5 =	vor.u32 s18, v43;
	s18 =	sadd.s32 $0x140, s0  }
0x1c: {  	v9 =	vor.u32 s13, v43;
	v10 =	vor.u32 s14, v43;
	s13 =	sadd.s32 $0x160, s0;
	s14 =	sadd.s32 $0x170, s0;
	v13 =	vor.u32 s22, v43;
	s22 =	sadd.s32 $0x1A0, s0  }
0x1d: {  	v14 =	vor.u32 s16, v43;
	s16 =	sadd.s32 $0x1E0, s0;
	v17 =	vor.u32 s24, v43;
	v18 =	vor.u32 s11, v43;
	s24 =	sadd.s32 $0x1F0, s0;
	s11 =	simm.s32 $0x3980  }
0x1e: {  	v8 =	vor.u32 s12, v43;
	s12 =	simm.s32 $0x4180;
	[dreg:$0xb] =	wrdreg s8;
	s8 =	sadd.s32 s6, s17  }
0x1f: {  	s17 =	sor.u32 $0x50, s0;
	v11 =	vor.u32 s15, v43;
	s15 =	sadd.s32 $0x1B0, s0;
	v21 =	vor.u32 s13, v43;
	s13 =	sadd.s32 $0x220, s0  }
0x20: {  	v19 =	vor.u32 s18, v43;
	s18 =	sadd.s32 $0x230, s0;
	v25 =	vor.u32 s22, v43;
	s22 =	ssub.s32 $0x13A7, s3;
	v31 =	vor.u32 s24, v43;
	s24 =	smax.u32 s2, $0x1  }
0x21: {  	v22 =	vor.u32 s14, v43;
	v30 =	vor.u32 s16, v43;
	s3 =	simm.s32 $0x100;
	s14 =	simm.s32 $0x5180;
	s16 =	simm.s32 $0x1  }
0x22: {  	[dreg:$0xd] =	wrdreg s8;
	s8 =	sadd.s32 s6, s19;
	s19 =	sor.u32 $0x70, s0  }
0x23: {  	v4 =	vor.u32 s17, v43;
	s17 =	sadd.s32 $0x180, s0;
	s31 =	sshrl.u32 s22, $0x5;
	v34 =	vor.u32 s13, v43;
	s13 =	simm.s32 $0x4980  }
0x24: {  	v26 =	vor.u32 s15, v43;
	s15 =	simm.s32 $0x5980;
	[dreg:$0xf] =	wrdreg s8;
	s8 =	sadd.s32 s6, s21  }
0x25: {  	s21 =	sadd.s32 $0xD0, s0;
	v6 =	vor.u32 s19, v43;
	s19 =	sadd.s32 $0x150, s0;
	v23 =	vor.u32 s17, v43;
	s17 =	sadd.s32 $0x260, s0  }
0x26: {  	[dreg:$0x11] =	wrdreg s8;
	s8 =	sadd.s32 s6, s23;
	s23 =	sadd.s32 $0x110, s0  }
0x27: {  	v12 =	vor.u32 s21, v43;
	s21 =	sadd.s32 $0x190, s0;
	v20 =	vor.u32 s19, v43;
	s19 =	sadd.s32 $0x240, s0;
	v38 =	vor.u32 s17, v43;
	s17 =	simm.s32 $0x2  }
0x28: {  	v40 =	vimm.f32 $0.0e+00;
	vm0 =	vmmov $0xffff;
	vm1 =	vmmov $0x1;
	[dreg:$0x13] =	wrdreg s8;
	s8 =	sadd.s32 s6, s25;
	s6 =	sadd.s32 s6, s7  }
0x29: {  	v42 =	vshrl.u32 v43, $0x3;
	v41 =	vand.u32 $0x7, v43;
	s25 =	sadd.s32 $0x63000, s4;
	s7 =	sor.u32 $0x10, s0;
	v16 =	vor.u32 s23, v43;
	s23 =	sadd.s32 $0x1C0, s0  }
0x2a: {  	v42 =	vmul.u32 $0x8, v42;
	v28 =	vor.u32 s0, v43;
	v24 =	vor.u32 s21, v43;
	s21 =	sadd.s32 $0x250, s0;
	s4 =	simm.s32 $0x180;
	[dreg:$0x15] =	wrdreg s8  }
0x2b: {  	v32 =	vor.u32 s9, v43;
	v33 =	vor.u32 s10, v43;
	[dreg:$0x17] =	wrdreg s6;
	s8 =	sor.u32 $0x20, s0;
	v0 =	vor.u32 s7, v43;
	s7 =	sadd.s32 $0x1D0, s0  }
0x2c: {  	v35 =	vor.u32 s18, v43;
	v27 =	vor.u32 s23, v43;
	s23 =	sadd.s32 $0x270, s0;
	s6 =	simm.s32 $0x6180;
	v37 =	vor.u32 s21, v43;
	s21 =	simm.s32 $0x0  }
0x2d: {  	v36 =	vor.u32 s19, v43;
	_ =	strace $0x80000047;
	v1 =	vor.u32 s8, v43;
	s8 =	sadd.s32 $0x100, s0;
	v29 =	vor.u32 s7, v43;
	[dreg:$0x18] =	wrdreg s24  }
0x2e: {  	s0 =	simm.s32 $0x40;
	s7 =	simm.s32 $0x80;
	v39 =	vor.u32 s23, v43;
	v15 =	vor.u32 s8, v43;
	v43 =	vor.u32 $0x8, v43;
	s8 =	simm.s32 $0x0  }
.LBB2_1:
0x2f: {  	[dreg:$0x19] =	wrdreg s8;
	s2 =	simm.s32 $0x0;
	s8 =	simm.s32 $0x200  }
.LBB2_2:
0x30: {  	p0 =	sne.s32 s8, $0x7E00;
	[tilespmem:s2+$0x6180] =	vst v40  }
0x31: {  	[tilespmem:s2+$0x180] =	vst v40  }
0x32: {  	[tilespmem:s2+$0x190] =	vst v40  }
0x33: {  	[tilespmem:s2+$0x1A0] =	vst v40  }
.Ltmp0:
0x34: {  	[tilespmem:s2+$0x1B0] =	vst v40;
	(pc) =	sbr.rel @p0 .LBB2_2-.Ltmp0, $4  }
0x35: {  	[tilespmem:s2+$0x1C0] =	vst v40  }
0x36: {  	[tilespmem:s2+$0x1D0] =	vst v40  }
0x37: {  	[tilespmem:s2+$0x1E0] =	vst v40  }
0x38: {  	[tilespmem:s2+$0x1F0] =	vst v40;
	s2 =	sshra.s32 s8, $0x2;
	s8 =	sadd.s32 $0x200, s8  }
0x39: {  	[tilespmem:s2+$0x6180] =	vst v40  }
0x3a: {  	[tilespmem:s2+$0x180] =	vst v40  }
0x3b: {  	[tilespmem:s2+$0x190] =	vst v40  }
0x3c: {  	[tilespmem:s2+$0x1A0] =	vst v40  }
0x3d: {  	[tilespmem:s2+$0x1B0] =	vst v40  }
0x3e: {  	[tilespmem:s2+$0x1C0] =	vst v40  }
0x3f: {  	[tilespmem:s2+$0x1D0] =	vst v40  }
0x40: {  	[tilespmem:s2+$0x1E0] =	vst v40  }
0x41: {  	[tilespmem:s2+$0x1F0] =	vst v40  }
0x42: {  	[tilespmem:$0x100] =	vst v28  }
0x43: {  	[tilespmem:$0x110] =	vst v0  }
0x44: {  	[tilespmem:$0x120] =	vst v1  }
0x45: {  	[tilespmem:$0x130] =	vst v2  }
0x46: {  	[spmem:s1] =	stream.indirect.scatter [tilespmem:s4], [sflag:$0x3], $0x80, s3, s0, $0xb8;
	[tilespmem:$0x1E980] =	vst v63  }
0x47: {  	_ =	swait.ge [sflag:s5], $0x2000  }
0x48: {  	[sflag:s5] =	ssyncset.done $0x0  }
0x49: {  	[sflag:s5] =	ssyncadd.s32 $0xFFFFE000  }
0x4a: {  	[spmem:s20] =	stream.indirect.scatter [tilespmem:s6], [sflag:$0x3], $0x10, s3, s0, $0xb8;
	[tilespmem:$0x1E980] =	vst v63  }
0x4b: {  	_ =	swait.ge [sflag:s5], $0x400  }
0x4c: {  	[sflag:s5] =	ssyncset.done $0x0  }
0x4d: {  	[sflag:s5] =	ssyncadd.s32 $0xFFFFFC00  }
0x4e: {  	[tilespmem:$0x100] =	vst v3  }
0x4f: {  	[tilespmem:$0x110] =	vst v4  }
0x50: {  	[tilespmem:$0x120] =	vst v5  }
0x51: {  	[tilespmem:$0x130] =	vst v6  }
0x52: {  	[spmem:s1] =	stream.indirect.scatter [tilespmem:s4], [sflag:$0x3], $0x80, s3, s0, $0xb8;
	[tilespmem:$0x1E980] =	vst v63  }
0x53: {  	_ =	swait.ge [sflag:s5], $0x2000  }
0x54: {  	[sflag:s5] =	ssyncset.done $0x0  }
0x55: {  	[sflag:s5] =	ssyncadd.s32 $0xFFFFE000  }
0x56: {  	[spmem:s20] =	stream.indirect.scatter [tilespmem:s6], [sflag:$0x3], $0x10, s3, s0, $0xb8;
	[tilespmem:$0x1E980] =	vst v63  }
0x57: {  	_ =	swait.ge [sflag:s5], $0x400  }
0x58: {  	[sflag:s5] =	ssyncset.done $0x0  }
0x59: {  	[sflag:s5] =	ssyncadd.s32 $0xFFFFFC00  }
0x5a: {  	[tilespmem:$0x100] =	vst v7  }
0x5b: {  	[tilespmem:$0x110] =	vst v8  }
0x5c: {  	[tilespmem:$0x120] =	vst v9  }
0x5d: {  	[tilespmem:$0x130] =	vst v10  }
0x5e: {  	[spmem:s1] =	stream.indirect.scatter [tilespmem:s4], [sflag:$0x3], $0x80, s3, s0, $0xb8;
	[tilespmem:$0x1E980] =	vst v63  }
0x5f: {  	_ =	swait.ge [sflag:s5], $0x2000  }
0x60: {  	[sflag:s5] =	ssyncset.done $0x0  }
0x61: {  	[sflag:s5] =	ssyncadd.s32 $0xFFFFE000  }
0x62: {  	[spmem:s20] =	stream.indirect.scatter [tilespmem:s6], [sflag:$0x3], $0x10, s3, s0, $0xb8;
	[tilespmem:$0x1E980] =	vst v63  }
0x63: {  	_ =	swait.ge [sflag:s5], $0x400  }
0x64: {  	[sflag:s5] =	ssyncset.done $0x0  }
0x65: {  	[sflag:s5] =	ssyncadd.s32 $0xFFFFFC00  }
0x66: {  	[tilespmem:$0x100] =	vst v11  }
0x67: {  	[tilespmem:$0x110] =	vst v12  }
0x68: {  	[tilespmem:$0x120] =	vst v13  }
0x69: {  	[tilespmem:$0x130] =	vst v14  }
0x6a: {  	[spmem:s1] =	stream.indirect.scatter [tilespmem:s4], [sflag:$0x3], $0x80, s3, s0, $0xb8;
	[tilespmem:$0x1E980] =	vst v63  }
0x6b: {  	_ =	swait.ge [sflag:s5], $0x2000  }
0x6c: {  	[sflag:s5] =	ssyncset.done $0x0  }
0x6d: {  	[sflag:s5] =	ssyncadd.s32 $0xFFFFE000  }
0x6e: {  	[spmem:s20] =	stream.indirect.scatter [tilespmem:s6], [sflag:$0x3], $0x10, s3, s0, $0xb8;
	[tilespmem:$0x1E980] =	vst v63  }
0x6f: {  	_ =	swait.ge [sflag:s5], $0x400  }
0x70: {  	[sflag:s5] =	ssyncset.done $0x0  }
0x71: {  	[sflag:s5] =	ssyncadd.s32 $0xFFFFFC00  }
0x72: {  	[tilespmem:$0x100] =	vst v15  }
0x73: {  	[tilespmem:$0x110] =	vst v16  }
0x74: {  	[tilespmem:$0x120] =	vst v17  }
0x75: {  	[tilespmem:$0x130] =	vst v18  }
0x76: {  	[spmem:s1] =	stream.indirect.scatter [tilespmem:s4], [sflag:$0x3], $0x80, s3, s0, $0xb8;
	[tilespmem:$0x1E980] =	vst v63  }
0x77: {  	_ =	swait.ge [sflag:s5], $0x2000  }
0x78: {  	[sflag:s5] =	ssyncset.done $0x0  }
0x79: {  	[sflag:s5] =	ssyncadd.s32 $0xFFFFE000  }
0x7a: {  	[spmem:s20] =	stream.indirect.scatter [tilespmem:s6], [sflag:$0x3], $0x10, s3, s0, $0xb8;
	[tilespmem:$0x1E980] =	vst v63  }
0x7b: {  	_ =	swait.ge [sflag:s5], $0x400  }
0x7c: {  	[sflag:s5] =	ssyncset.done $0x0  }
0x7d: {  	[sflag:s5] =	ssyncadd.s32 $0xFFFFFC00  }
0x7e: {  	[tilespmem:$0x100] =	vst v19  }
0x7f: {  	[tilespmem:$0x110] =	vst v20  }
0x80: {  	[tilespmem:$0x120] =	vst v21  }
0x81: {  	[tilespmem:$0x130] =	vst v22  }
0x82: {  	[spmem:s1] =	stream.indirect.scatter [tilespmem:s4], [sflag:$0x3], $0x80, s3, s0, $0xb8;
	[tilespmem:$0x1E980] =	vst v63  }
0x83: {  	_ =	swait.ge [sflag:s5], $0x2000  }
0x84: {  	[sflag:s5] =	ssyncset.done $0x0  }
0x85: {  	[sflag:s5] =	ssyncadd.s32 $0xFFFFE000  }
0x86: {  	[spmem:s20] =	stream.indirect.scatter [tilespmem:s6], [sflag:$0x3], $0x10, s3, s0, $0xb8;
	[tilespmem:$0x1E980] =	vst v63  }
0x87: {  	_ =	swait.ge [sflag:s5], $0x400  }
0x88: {  	[sflag:s5] =	ssyncset.done $0x0  }
0x89: {  	[sflag:s5] =	ssyncadd.s32 $0xFFFFFC00  }
0x8a: {  	[tilespmem:$0x100] =	vst v23  }
0x8b: {  	[tilespmem:$0x110] =	vst v24  }
0x8c: {  	[tilespmem:$0x120] =	vst v25  }
0x8d: {  	[tilespmem:$0x130] =	vst v26  }
0x8e: {  	[spmem:s1] =	stream.indirect.scatter [tilespmem:s4], [sflag:$0x3], $0x80, s3, s0, $0xb8;
	[tilespmem:$0x1E980] =	vst v63  }
0x8f: {  	_ =	swait.ge [sflag:s5], $0x2000  }
0x90: {  	[sflag:s5] =	ssyncset.done $0x0  }
0x91: {  	[sflag:s5] =	ssyncadd.s32 $0xFFFFE000  }
0x92: {  	[spmem:s20] =	stream.indirect.scatter [tilespmem:s6], [sflag:$0x3], $0x10, s3, s0, $0xb8;
	[tilespmem:$0x1E980] =	vst v63  }
0x93: {  	_ =	swait.ge [sflag:s5], $0x400  }
0x94: {  	[sflag:s5] =	ssyncset.done $0x0  }
0x95: {  	[sflag:s5] =	ssyncadd.s32 $0xFFFFFC00  }
0x96: {  	[tilespmem:$0x100] =	vst v27  }
0x97: {  	[tilespmem:$0x110] =	vst v29  }
0x98: {  	[tilespmem:$0x120] =	vst v30  }
0x99: {  	[tilespmem:$0x130] =	vst v31  }
0x9a: {  	[spmem:s1] =	stream.indirect.scatter [tilespmem:s4], [sflag:$0x3], $0x80, s3, s0, $0xb8;
	[tilespmem:$0x1E980] =	vst v63  }
0x9b: {  	_ =	swait.ge [sflag:s5], $0x2000  }
0x9c: {  	[sflag:s5] =	ssyncset.done $0x0  }
0x9d: {  	[sflag:s5] =	ssyncadd.s32 $0xFFFFE000  }
0x9e: {  	[spmem:s20] =	stream.indirect.scatter [tilespmem:s6], [sflag:$0x3], $0x10, s3, s0, $0xb8;
	[tilespmem:$0x1E980] =	vst v63  }
0x9f: {  	_ =	swait.ge [sflag:s5], $0x400  }
0xa0: {  	[sflag:s5] =	ssyncset.done $0x0  }
0xa1: {  	[sflag:s5] =	ssyncadd.s32 $0xFFFFFC00  }
0xa2: {  	[tilespmem:$0x100] =	vst v32  }
0xa3: {  	[tilespmem:$0x110] =	vst v33  }
0xa4: {  	[tilespmem:$0x120] =	vst v34  }
0xa5: {  	[tilespmem:$0x130] =	vst v35  }
0xa6: {  	[spmem:s1] =	stream.indirect.scatter [tilespmem:s4], [sflag:$0x3], $0x80, s3, s0, $0xb8;
	[tilespmem:$0x1E980] =	vst v63  }
0xa7: {  	_ =	swait.ge [sflag:s5], $0x2000  }
0xa8: {  	[sflag:s5] =	ssyncset.done $0x0  }
0xa9: {  	[sflag:s5] =	ssyncadd.s32 $0xFFFFE000  }
0xaa: {  	[spmem:s20] =	stream.indirect.scatter [tilespmem:s6], [sflag:$0x3], $0x10, s3, s0, $0xb8;
	[tilespmem:$0x1E980] =	vst v63  }
0xab: {  	_ =	swait.ge [sflag:s5], $0x400  }
0xac: {  	[sflag:s5] =	ssyncset.done $0x0  }
0xad: {  	[sflag:s5] =	ssyncadd.s32 $0xFFFFFC00  }
0xae: {  	[tilespmem:$0x100] =	vst v36  }
0xaf: {  	[tilespmem:$0x110] =	vst v37  }
0xb0: {  	[tilespmem:$0x120] =	vst v38  }
0xb1: {  	[tilespmem:$0x130] =	vst v39  }
0xb2: {  	[spmem:s1] =	stream.indirect.scatter [tilespmem:s4], [sflag:$0x3], $0x80, s3, s0, $0xb8;
	[tilespmem:$0x1E980] =	vst v63  }
0xb3: {  	_ =	swait.ge [sflag:s5], $0x2000  }
0xb4: {  	[sflag:s5] =	ssyncset.done $0x0  }
0xb5: {  	[sflag:s5] =	ssyncadd.s32 $0xFFFFE000  }
0xb6: {  	[spmem:s20] =	stream.indirect.scatter [tilespmem:s6], [sflag:$0x3], $0x10, s3, s0, $0xb8;
	[tilespmem:$0x1E980] =	vst v63  }
0xb7: {  	_ =	swait.ge [sflag:s5], $0x400  }
0xb8: {  	[sflag:s5] =	ssyncset.done $0x0  }
0xb9: {  	[sflag:s5] =	ssyncadd.s32 $0xFFFFFC00  }
0xba: {  	s22 =	simm.s32 $0x0;
	[bflag:$0x0] =	sbarrier.arrive $0xFFFF  }
.LBB2_4:
0xbb: {  	s2 =	sshll.u32 s22, $0xB  }
0xbc: {  	s2 =	sor.u32 s30, s2  }
0xbd: {  	s2 =	sshrl.u32 s2, $0x3  }
0xbe: {  	s8 =	sadd.s32 s28, s2  }
0xbf: {  	[tilespmem:s21], [sflag:$0x3] =	stream.linear.gather [hbm4b:s8+s21], $0x40, $0x38;
	[tilespmem:$0x1E980] =	vst v63  }
0xc0: {  	_ =	swait.ge [sflag:s5], $0x40  }
0xc1: {  	[sflag:s5] =	ssyncset.done $0x0  }
0xc2: {  	s2 =	sadd.s32 s29, s2;
	[sflag:s5] =	ssyncadd.s32 $0xFFFFFFC0  }
0xc3: {  	[tilespmem:s7], [sflag:$0x3] =	stream.linear.gather [hbm4b:s2+s21], $0x40, $0x38;
	[tilespmem:$0x1E980] =	vst v63  }
0xc4: {  	_ =	swait.ge [sflag:s5], $0x40  }
0xc5: {  	[sflag:s5] =	ssyncset.done $0x0  }
0xc6: {  	[sflag:s5] =	ssyncadd.s32 $0xFFFFFFC0  }
0xc7: {  	v44 =	vld [tilespmem:$0x0];
	_ =	sdelay $0x4  }
0xc8: {  	v45 =	vshll.u32 v44, $0x1  }
0xc9: {  	v44 =	vand.u32 $0x7, v44;
	v45 =	vand.u32 $0xFFFFFFF0, v45  }
0xca: {  	v44 =	vor.u32 v44, v45  }
0xcb: {  	v45 =	vperm.xlane v44, v41;
	_ =	sdelay $0x1  }
0xcc: {  	v44 =	vperm.xlane v44, v43;
	v45 =	vadd.s32 v42, v45;
	_ =	sdelay $0x1  }
0xcd: {  	v44 =	vadd.s32 v42, v44;
	_ =	sdelay $0x1  }
0xce: {  	s23 =	simm.s32 $0x2180  }
0xcf: {  	[tilespmem:s23], [sflag:$0x1] =	stream.indirect_vreg.gather [hbm4b:s26+s21], $0x80, v45, vm0, $0xb8;
	[tilespmem:$0x1E980] =	vst v63  }
0xd0: {  	s24 =	simm.s32 $0x2980  }
0xd1: {  	[tilespmem:s24], [sflag:$0x1] =	stream.indirect_vreg.gather [hbm4b:s26+s21], $0x80, v44, vm0, $0xb8;
	[tilespmem:$0x1E980] =	vst v63  }
0xd2: {  	v44 =	vld [tilespmem:$0x10];
	_ =	sdelay $0x4  }
0xd3: {  	v54 =	vshll.u32 v44, $0x1  }
0xd4: {  	v44 =	vand.u32 $0x7, v44;
	v45 =	vand.u32 $0xFFFFFFF0, v54  }
0xd5: {  	v44 =	vor.u32 v44, v45  }
0xd6: {  	v45 =	vperm.xlane v44, v41;
	_ =	sdelay $0x1  }
0xd7: {  	v44 =	vperm.xlane v44, v43;
	v45 =	vadd.s32 v42, v45;
	_ =	sdelay $0x1  }
0xd8: {  	v44 =	vadd.s32 v42, v44;
	_ =	sdelay $0x1  }
0xd9: {  	s8 =	simm.s32 $0x3180  }
0xda: {  	[tilespmem:s8], [sflag:$0x1] =	stream.indirect_vreg.gather [hbm4b:s26+s21], $0x80, v45, vm0, $0xb8;
	[tilespmem:$0x1E980] =	vst v63  }
0xdb: {  	_ = 	snop  }
0xdc: {  	[tilespmem:s11], [sflag:$0x1] =	stream.indirect_vreg.gather [hbm4b:s26+s21], $0x80, v44, vm0, $0xb8;
	[tilespmem:$0x1E980] =	vst v63  }
0xdd: {  	v44 =	vld [tilespmem:$0x20];
	_ =	sdelay $0x4  }
0xde: {  	v55 =	vshll.u32 v44, $0x1  }
0xdf: {  	v44 =	vand.u32 $0x7, v44;
	v45 =	vand.u32 $0xFFFFFFF0, v55  }
0xe0: {  	v44 =	vor.u32 v44, v45  }
0xe1: {  	v45 =	vperm.xlane v44, v41;
	_ =	sdelay $0x1  }
0xe2: {  	v44 =	vperm.xlane v44, v43;
	v45 =	vadd.s32 v42, v45;
	_ =	sdelay $0x1  }
0xe3: {  	v44 =	vadd.s32 v42, v44;
	_ =	sdelay $0x2  }
0xe4: {  	[tilespmem:s12], [sflag:$0x1] =	stream.indirect_vreg.gather [hbm4b:s26+s21], $0x80, v45, vm0, $0xb8;
	[tilespmem:$0x1E980] =	vst v63  }
0xe5: {  	_ = 	snop  }
0xe6: {  	[tilespmem:s13], [sflag:$0x1] =	stream.indirect_vreg.gather [hbm4b:s26+s21], $0x80, v44, vm0, $0xb8;
	[tilespmem:$0x1E980] =	vst v63  }
0xe7: {  	v44 =	vld [tilespmem:$0x30];
	_ =	sdelay $0x4  }
0xe8: {  	v56 =	vshll.u32 v44, $0x1  }
0xe9: {  	v44 =	vand.u32 $0x7, v44;
	v45 =	vand.u32 $0xFFFFFFF0, v56  }
0xea: {  	v44 =	vor.u32 v44, v45  }
0xeb: {  	v45 =	vperm.xlane v44, v41;
	_ =	sdelay $0x1  }
0xec: {  	v44 =	vperm.xlane v44, v43;
	v45 =	vadd.s32 v42, v45;
	_ =	sdelay $0x1  }
0xed: {  	v44 =	vadd.s32 v42, v44;
	_ =	sdelay $0x2  }
0xee: {  	[tilespmem:s14], [sflag:$0x1] =	stream.indirect_vreg.gather [hbm4b:s26+s21], $0x80, v45, vm0, $0xb8;
	[tilespmem:$0x1E980] =	vst v63  }
0xef: {  	_ = 	snop  }
0xf0: {  	[tilespmem:s15], [sflag:$0x1] =	stream.indirect_vreg.gather [hbm4b:s26+s21], $0x80, v44, vm0, $0xb8;
	[tilespmem:$0x1E980] =	vst v63  }
0xf1: {  	_ = 	snop  }
0xf2: {  	[tilespmem:s4], [sflag:$0x2] =	stream.indirect.gather [hbm4b:s25+s0], $0x80, s7, s0, $0xb8;
	[tilespmem:$0x1E980] =	vst v63  }
0xf3: {  	_ =	swait.ge [sflag:s16], $0x4000  }
0xf4: {  	[sflag:s16] =	ssyncset.done $0x0  }
0xf5: {  	[sflag:s16] =	ssyncadd.s32 $0xFFFFC000  }
0xf6: {  	_ =	swait.ge [sflag:s17], $0x2000  }
0xf7: {  	s9 =	sand.u32 $0x3800, s21;
	[sflag:s17] =	ssyncset.done $0x0  }
0xf8: {  	s10 =	sand.u32 $0x380, s21;
	s23 =	simm.s32 $0x1C0;
	[sflag:s17] =	ssyncadd.s32 $0xFFFFE000  }
0xf9: {  	s2 =	sor.u32 s10, s9;
	v57 =	vld [tilespmem:s23+$0xFFFFFFC0]  }
0xfa: {  	v58 =	vld [tilespmem:s2+$0x2180]  }
0xfb: {  	v46 =	vld [tilespmem:s23+$0xFFFFFFD0]  }
0xfc: {  	v47 =	vld [tilespmem:s2+$0x2190]  }
0xfd: {  	v48 =	vld [tilespmem:s23+$0xFFFFFFE0]  }
0xfe: {  	v49 =	vld [tilespmem:s2+$0x21A0]  }
0xff: {  	v59 =	vld [tilespmem:s23+$0xFFFFFFF0];
	v44 =	vmul.f32 v58, v57  }
0x100: {  	v50 =	vld [tilespmem:s2+$0x21B0]  }
0x101: {  	v60 =	vld [tilespmem:s23+$0x0];
	v46 =	vmul.f32 v47, v46;
	v44 =	vadd.f32 $0.0e+00, v44  }
0x102: {  	v51 =	vld [tilespmem:s2+$0x21C0]  }
0x103: {  	v62 =	vld [tilespmem:s23+$0x10];
	v61 =	vmul.f32 v49, v48;
	v44 =	vadd.f32 v46, v44  }
0x104: {  	v63 =	vld [tilespmem:s2+$0x21D0]  }
0x105: {  	v54 =	vld [tilespmem:s23+$0x20];
	v45 =	vmul.f32 v50, v59;
	v44 =	vadd.f32 v61, v44  }
0x106: {  	v55 =	vld [tilespmem:s2+$0x21E0]  }
0x107: {  	v56 =	vmul.f32 v51, v60;
	v57 =	vld [tilespmem:s2+$0x21F0];
	v44 =	vadd.f32 v45, v44  }
0x108: {  	v58 =	vld [tilespmem:s23+$0x30]  }
0x109: {  	v59 =	vmul.f32 v63, v62;
	v44 =	vadd.f32 v56, v44;
	_ =	sdelay $0x1  }
0x10a: {  	v60 =	vmul.f32 v55, v54;
	v44 =	vadd.f32 v59, v44;
	_ =	sdelay $0x1  }
0x10b: {  	v61 =	vmul.f32 v57, v58;
	v44 =	vadd.f32 v60, v44;
	_ =	sdelay $0x1  }
0x10c: {  	v44 =	vadd.f32 v61, v44;
	_ =	sdelay $0x1  }
0x10d: {  	(xrf2) =	vadd.scan.msk.f32 $0xffff, v44;
	_ =	sdelay $0x9  }
0x10e: {  	v44, _, _ =	vpop (xrf2)  }
0x10f: {  	(v2sf) =	vpush v44, $0xF;
	_ =	sdelay $0xe  }
0x110: {  	s18 =	spop (v2sf)  }
0x111: {  	s8 =	smul.f32 $8.838834610e-02, s18;
	_ =	sdelay $0x1  }
0x112: {  	v62 =	vmov s8  }
0x113: {  	v44 =	vmul.f32 $1.442695020e+00, v62;
	_ =	sdelay $0x1  }
0x114: {  	v44 =	vbroadcast v44, $0x0;
	_ =	sdelay $0x1  }
0x115: {  	(erf) = vpow2.f32 v44;
	_ =	sdelay $0x8  }
0x116: {  	v44 =	vpop (erf)  }
0x117: {  	s24 =	simm.s32 $0x6180;
	v63 =	vnsel vm1, $0x0, v44  }
0x118: {  	[tilespmem:s24+$0x0] =	vst v63  }
0x119: {  	v45 =	vld [tilespmem:s2+$0x2580];
	_ =	sdelay $0x4  }
0x11a: {  	v45 =	vmul.f32 v44, v45;
	_ =	sdelay $0x1  }
0x11b: {  	[tilespmem:s23+$0xFFFFFFC0] =	vst v45  }
0x11c: {  	v45 =	vld [tilespmem:s2+$0x2590];
	_ =	sdelay $0x4  }
0x11d: {  	v45 =	vmul.f32 v44, v45;
	_ =	sdelay $0x1  }
0x11e: {  	[tilespmem:s23+$0xFFFFFFD0] =	vst v45  }
0x11f: {  	v45 =	vld [tilespmem:s2+$0x25A0];
	_ =	sdelay $0x4  }
0x120: {  	v45 =	vmul.f32 v44, v45;
	_ =	sdelay $0x1  }
0x121: {  	[tilespmem:s23+$0xFFFFFFE0] =	vst v45  }
0x122: {  	v45 =	vld [tilespmem:s2+$0x25B0];
	_ =	sdelay $0x4  }
0x123: {  	v45 =	vmul.f32 v44, v45;
	_ =	sdelay $0x1  }
0x124: {  	[tilespmem:s23+$0xFFFFFFF0] =	vst v45  }
0x125: {  	v45 =	vld [tilespmem:s2+$0x25C0];
	_ =	sdelay $0x4  }
0x126: {  	v45 =	vmul.f32 v44, v45;
	_ =	sdelay $0x1  }
0x127: {  	[tilespmem:s23+$0x0] =	vst v45  }
0x128: {  	v45 =	vld [tilespmem:s2+$0x25D0];
	_ =	sdelay $0x4  }
0x129: {  	v45 =	vmul.f32 v45, v44;
	_ =	sdelay $0x1  }
0x12a: {  	[tilespmem:s23+$0x10] =	vst v45  }
0x12b: {  	v45 =	vld [tilespmem:s2+$0x25E0];
	_ =	sdelay $0x4  }
0x12c: {  	v45 =	vmul.f32 v45, v44;
	_ =	sdelay $0x1  }
0x12d: {  	[tilespmem:s23+$0x20] =	vst v45  }
0x12e: {  	v45 =	vld [tilespmem:s2+$0x25F0];
	_ =	sdelay $0x2  }
0x12f: {  	s18 =	simm.s32 $0x100  }
0x130: {  	s19 =	simm.s32 $0x80;
	s9 =	sand.u32 $0x3800, s18  }
0x131: {  	s8 =	sand.u32 $0x380, s19;
	s19 =	simm.s32 $0x240;
	s2 =	simm.s32 $0x100;
	v44 =	vmul.f32 v45, v44  }
.LBB2_5:
0x132: {  	s9 =	sor.u32 s8, s9;
	s24 =	sadd.s32 $0x80, s24  }
0x133: {  	v45 =	vld [tilespmem:s19+$0xFFFFFFC0];
	[tilespmem:s23+$0x30] =	vst v44;
	s8 =	smov.u32 s2;
	s10 =	sadd.s32 $0x80, s2;
	s23 =	smov.u32 s19  }
0x134: {  	p0 =	sne.s32 s2, $0x1F80;
	v44 =	vld [tilespmem:s9+$0x2180]  }
0x135: {  	v46 =	vld [tilespmem:s19+$0xFFFFFFD0]  }
0x136: {  	v47 =	vld [tilespmem:s9+$0x2190]  }
0x137: {  	v48 =	vld [tilespmem:s19+$0xFFFFFFE0]  }
0x138: {  	v49 =	vld [tilespmem:s9+$0x21A0]  }
0x139: {  	v44 =	vmul.f32 v44, v45;
	v45 =	vld [tilespmem:s19+$0xFFFFFFF0]  }
0x13a: {  	v50 =	vld [tilespmem:s9+$0x21B0]  }
0x13b: {  	v44 =	vadd.f32 $0.0e+00, v44;
	v46 =	vmul.f32 v47, v46;
	v47 =	vld [tilespmem:s19+$0x0]  }
0x13c: {  	v51 =	vld [tilespmem:s9+$0x21C0]  }
0x13d: {  	v44 =	vadd.f32 v46, v44;
	v46 =	vmul.f32 v49, v48;
	v48 =	vld [tilespmem:s19+$0x10]  }
0x13e: {  	v49 =	vld [tilespmem:s9+$0x21D0]  }
0x13f: {  	v44 =	vadd.f32 v46, v44;
	v45 =	vmul.f32 v50, v45;
	v46 =	vld [tilespmem:s19+$0x20]  }
0x140: {  	v50 =	vld [tilespmem:s9+$0x21E0]  }
0x141: {  	v44 =	vadd.f32 v45, v44;
	v45 =	vmul.f32 v51, v47;
	v47 =	vld [tilespmem:s9+$0x21F0]  }
0x142: {  	v51 =	vld [tilespmem:s19+$0x30]  }
0x143: {  	v44 =	vadd.f32 v45, v44;
	v45 =	vmul.f32 v49, v48;
	_ =	sdelay $0x1  }
0x144: {  	v44 =	vadd.f32 v45, v44;
	v45 =	vmul.f32 v50, v46;
	_ =	sdelay $0x1  }
0x145: {  	v44 =	vadd.f32 v45, v44;
	v45 =	vmul.f32 v47, v51;
	_ =	sdelay $0x1  }
0x146: {  	v44 =	vadd.f32 v45, v44;
	_ =	sdelay $0x1  }
0x147: {  	(xrf2) =	vadd.scan.msk.f32 $0xffff, v44;
	_ =	sdelay $0x9  }
0x148: {  	v44, _, _ =	vpop (xrf2)  }
0x149: {  	(v2sf) =	vpush v44, $0xF;
	_ =	sdelay $0xe  }
0x14a: {  	s2 =	spop (v2sf)  }
0x14b: {  	s2 =	smul.f32 $8.838834610e-02, s2;
	_ =	sdelay $0x1  }
0x14c: {  	v44 =	vmov s2  }
0x14d: {  	v44 =	vmul.f32 $1.442695020e+00, v44;
	_ =	sdelay $0x1  }
0x14e: {  	v44 =	vbroadcast v44, $0x0;
	_ =	sdelay $0x1  }
0x14f: {  	(erf) = vpow2.f32 v44;
	_ =	sdelay $0x8  }
0x150: {  	v44 =	vpop (erf)  }
0x151: {  	v45 =	vnsel vm1, $0x0, v44  }
0x152: {  	[tilespmem:s24+$0x0] =	vst v45  }
0x153: {  	v45 =	vld [tilespmem:s9+$0x2580];
	_ =	sdelay $0x4  }
0x154: {  	v45 =	vmul.f32 v44, v45;
	_ =	sdelay $0x1  }
0x155: {  	[tilespmem:s19+$0xFFFFFFC0] =	vst v45  }
0x156: {  	v45 =	vld [tilespmem:s9+$0x2590];
	_ =	sdelay $0x4  }
0x157: {  	v45 =	vmul.f32 v44, v45;
	_ =	sdelay $0x1  }
0x158: {  	[tilespmem:s19+$0xFFFFFFD0] =	vst v45  }
0x159: {  	v45 =	vld [tilespmem:s9+$0x25A0];
	_ =	sdelay $0x4  }
0x15a: {  	v45 =	vmul.f32 v44, v45;
	_ =	sdelay $0x1  }
0x15b: {  	[tilespmem:s19+$0xFFFFFFE0] =	vst v45  }
0x15c: {  	v45 =	vld [tilespmem:s9+$0x25B0];
	_ =	sdelay $0x4  }
0x15d: {  	v45 =	vmul.f32 v44, v45;
	_ =	sdelay $0x1  }
0x15e: {  	[tilespmem:s19+$0xFFFFFFF0] =	vst v45  }
0x15f: {  	v45 =	vld [tilespmem:s9+$0x25C0];
	_ =	sdelay $0x4  }
0x160: {  	v45 =	vmul.f32 v44, v45;
	_ =	sdelay $0x1  }
0x161: {  	[tilespmem:s19+$0x0] =	vst v45  }
0x162: {  	v45 =	vld [tilespmem:s9+$0x25D0];
	_ =	sdelay $0x4  }
0x163: {  	v45 =	vmul.f32 v45, v44;
	_ =	sdelay $0x1  }
0x164: {  	[tilespmem:s19+$0x10] =	vst v45  }
0x165: {  	v45 =	vld [tilespmem:s9+$0x25E0];
	_ =	sdelay $0x4  }
0x166: {  	v45 =	vmul.f32 v45, v44;
	_ =	sdelay $0x1  }
0x167: {  	[tilespmem:s19+$0x20] =	vst v45  }
0x168: {  	v45 =	vld [tilespmem:s9+$0x25F0];
	_ =	sdelay $0x1  }
.Ltmp1:
0x169: {  	(pc) =	sbr.rel @p0 .LBB2_5-.Ltmp1, $3  }
0x16a: {  	_ =	sdelay $0x1  }
0x16b: {  	s18 =	sadd.s32 $0x100, s18;
	s8 =	sand.u32 $0x380, s8;
	v44 =	vmul.f32 v45, v44  }
0x16c: {  	s2 =	smov.u32 s10;
	s19 =	sadd.s32 $0x80, s19;
	s9 =	sand.u32 $0x3800, s18  }
0x16d: {  	v45 =	vld [tilespmem:s19+$0xFFFFFFC0];
	s2 =	sor.u32 s8, s9;
	[tilespmem:s23+$0x30] =	vst v44  }
0x16e: {  	v44 =	vld [tilespmem:s2+$0x2180]  }
0x16f: {  	v46 =	vld [tilespmem:s19+$0xFFFFFFD0]  }
0x170: {  	v47 =	vld [tilespmem:s2+$0x2190]  }
0x171: {  	v48 =	vld [tilespmem:s19+$0xFFFFFFE0]  }
0x172: {  	v49 =	vld [tilespmem:s2+$0x21A0]  }
0x173: {  	v59 =	vld [tilespmem:s19+$0xFFFFFFF0];
	v44 =	vmul.f32 v44, v45  }
0x174: {  	v50 =	vld [tilespmem:s2+$0x21B0]  }
0x175: {  	v60 =	vld [tilespmem:s19+$0x0];
	v46 =	vmul.f32 v47, v46;
	v44 =	vadd.f32 $0.0e+00, v44  }
0x176: {  	v51 =	vld [tilespmem:s2+$0x21C0]  }
0x177: {  	v62 =	vld [tilespmem:s19+$0x10];
	v61 =	vmul.f32 v49, v48;
	v44 =	vadd.f32 v46, v44  }
0x178: {  	v63 =	vld [tilespmem:s2+$0x21D0]  }
0x179: {  	v54 =	vld [tilespmem:s19+$0x20];
	v45 =	vmul.f32 v50, v59;
	v44 =	vadd.f32 v61, v44  }
0x17a: {  	v55 =	vld [tilespmem:s2+$0x21E0]  }
0x17b: {  	v57 =	vld [tilespmem:s2+$0x21F0];
	v56 =	vmul.f32 v51, v60;
	v44 =	vadd.f32 v45, v44  }
0x17c: {  	v58 =	vld [tilespmem:s19+$0x30]  }
0x17d: {  	v59 =	vmul.f32 v63, v62;
	v44 =	vadd.f32 v56, v44;
	_ =	sdelay $0x1  }
0x17e: {  	v60 =	vmul.f32 v55, v54;
	v44 =	vadd.f32 v59, v44;
	_ =	sdelay $0x1  }
0x17f: {  	v61 =	vmul.f32 v57, v58;
	v44 =	vadd.f32 v60, v44;
	_ =	sdelay $0x1  }
0x180: {  	v44 =	vadd.f32 v61, v44;
	_ =	sdelay $0x1  }
0x181: {  	(xrf2) =	vadd.scan.msk.f32 $0xffff, v44;
	_ =	sdelay $0x9  }
0x182: {  	v44, _, _ =	vpop (xrf2)  }
0x183: {  	(v2sf) =	vpush v44, $0xF;
	_ =	sdelay $0xe  }
0x184: {  	s23 =	spop (v2sf)  }
0x185: {  	s8 =	smul.f32 $8.838834610e-02, s23;
	_ =	sdelay $0x1  }
0x186: {  	v62 =	vmov s8  }
0x187: {  	v44 =	vmul.f32 $1.442695020e+00, v62;
	_ =	sdelay $0x1  }
0x188: {  	v44 =	vbroadcast v44, $0x0;
	_ =	sdelay $0x1  }
0x189: {  	(erf) = vpow2.f32 v44;
	_ =	sdelay $0x8  }
0x18a: {  	v44 =	vpop (erf)  }
0x18b: {  	s24 =	sadd.s32 $0x80, s24;
	v63 =	vnsel vm1, $0x0, v44  }
0x18c: {  	[tilespmem:s24+$0x0] =	vst v63  }
0x18d: {  	v45 =	vld [tilespmem:s2+$0x2580];
	_ =	sdelay $0x4  }
0x18e: {  	v45 =	vmul.f32 v44, v45;
	_ =	sdelay $0x1  }
0x18f: {  	[tilespmem:s19+$0xFFFFFFC0] =	vst v45  }
0x190: {  	v45 =	vld [tilespmem:s2+$0x2590];
	_ =	sdelay $0x4  }
0x191: {  	v45 =	vmul.f32 v44, v45;
	_ =	sdelay $0x1  }
0x192: {  	[tilespmem:s19+$0xFFFFFFD0] =	vst v45  }
0x193: {  	v45 =	vld [tilespmem:s2+$0x25A0];
	_ =	sdelay $0x4  }
0x194: {  	v45 =	vmul.f32 v44, v45;
	_ =	sdelay $0x1  }
0x195: {  	[tilespmem:s19+$0xFFFFFFE0] =	vst v45  }
0x196: {  	v45 =	vld [tilespmem:s2+$0x25B0];
	_ =	sdelay $0x4  }
0x197: {  	v45 =	vmul.f32 v44, v45;
	_ =	sdelay $0x1  }
0x198: {  	[tilespmem:s19+$0xFFFFFFF0] =	vst v45  }
0x199: {  	v45 =	vld [tilespmem:s2+$0x25C0];
	_ =	sdelay $0x4  }
0x19a: {  	v45 =	vmul.f32 v44, v45;
	_ =	sdelay $0x1  }
0x19b: {  	[tilespmem:s19+$0x0] =	vst v45  }
0x19c: {  	v45 =	vld [tilespmem:s2+$0x25D0];
	_ =	sdelay $0x4  }
0x19d: {  	v45 =	vmul.f32 v45, v44;
	_ =	sdelay $0x1  }
0x19e: {  	[tilespmem:s19+$0x10] =	vst v45  }
0x19f: {  	v45 =	vld [tilespmem:s2+$0x25E0];
	_ =	sdelay $0x4  }
0x1a0: {  	v45 =	vmul.f32 v45, v44;
	_ =	sdelay $0x1  }
0x1a1: {  	[tilespmem:s19+$0x20] =	vst v45  }
0x1a2: {  	v45 =	vld [tilespmem:s2+$0x25F0];
	_ =	sdelay $0x4  }
0x1a3: {  	v44 =	vmul.f32 v45, v44;
	_ =	sdelay $0x1  }
0x1a4: {  	[tilespmem:s19+$0x30] =	vst v44  }
0x1a5: {  	[spmem:s1] =	stream.indirect.scatter.add.f32 [tilespmem:s4], [sflag:$0x3], $0x80, s7, s0, $0xb8;
	[tilespmem:$0x1E980] =	vst v63  }
0x1a6: {  	s22 =	sadd.s32 $0x1, s22;
	_ =	swait.ge [sflag:s5], $0x2000  }
0x1a7: {  	p0 =	sne.s32 s22, s31;
	[sflag:s5] =	ssyncset.done $0x0  }
.Ltmp2:
0x1a8: {  	[sflag:s5] =	ssyncadd.s32 $0xFFFFE000;
	(pc) =	sbr.rel @p0 .LBB2_4-.Ltmp2, $4  }
0x1a9: {  	[spmem:s20] =	stream.indirect.scatter.add.f32 [tilespmem:s6], [sflag:$0x3], $0x10, s7, s0, $0xb8;
	[tilespmem:$0x1E980] =	vst v63  }
0x1aa: {  	_ =	swait.ge [sflag:s5], $0x400  }
0x1ab: {  	[sflag:s5] =	ssyncset.done $0x0  }
0x1ac: {  	[sflag:s5] =	ssyncadd.s32 $0xFFFFFC00  }
0x1ad: {  	[bflag:$0x0] =	sbarrier.arrive $0xFFFF  }
0x1ae: {  	[tilespmem:$0x100] =	vst v28  }
0x1af: {  	[tilespmem:$0x110] =	vst v0  }
0x1b0: {  	[tilespmem:$0x120] =	vst v1  }
0x1b1: {  	[tilespmem:$0x130] =	vst v2  }
0x1b2: {  	[tilespmem:s4], [sflag:$0x3] =	stream.indirect.gather [spmem:s1], $0x80, s3, s0, $0xb8;
	[tilespmem:$0x1E980] =	vst v63  }
0x1b3: {  	_ =	swait.ge [sflag:s5], $0x2000  }
0x1b4: {  	[sflag:s5] =	ssyncset.done $0x0  }
0x1b5: {  	s2 =	simm.s32 $0x0;
	s8 =	rddreg [dreg:$0x4];
	[sflag:s5] =	ssyncadd.s32 $0xFFFFE000  }
0x1b6: {  	[hbm4b:s8+s2] =	stream.linear.scatter [tilespmem:s4], [sflag:$0x3], $0x2000, $0x38;
	[tilespmem:$0x1E980] =	vst v63  }
0x1b7: {  	_ =	swait.ge [sflag:s5], $0x2000  }
0x1b8: {  	[sflag:s5] =	ssyncset.done $0x0  }
0x1b9: {  	[sflag:s5] =	ssyncadd.s32 $0xFFFFE000  }
0x1ba: {  	[tilespmem:s6], [sflag:$0x3] =	stream.indirect.gather [spmem:s20], $0x10, s3, s0, $0xb8;
	[tilespmem:$0x1E980] =	vst v63  }
0x1bb: {  	_ =	swait.ge [sflag:s5], $0x400  }
0x1bc: {  	[sflag:s5] =	ssyncset.done $0x0  }
0x1bd: {  	s9 =	rddreg [dreg:$0x5];
	[sflag:s5] =	ssyncadd.s32 $0xFFFFFC00  }
0x1be: {  	[hbm4b:s9+s2] =	stream.linear.scatter [tilespmem:s6], [sflag:$0x3], $0x2000, $0x38;
	[tilespmem:$0x1E980] =	vst v63  }
0x1bf: {  	_ =	swait.ge [sflag:s5], $0x2000  }
0x1c0: {  	[sflag:s5] =	ssyncset.done $0x0  }
0x1c1: {  	[sflag:s5] =	ssyncadd.s32 $0xFFFFE000  }
0x1c2: {  	[tilespmem:$0x100] =	vst v3  }
0x1c3: {  	[tilespmem:$0x110] =	vst v4  }
0x1c4: {  	[tilespmem:$0x120] =	vst v5  }
0x1c5: {  	[tilespmem:$0x130] =	vst v6  }
0x1c6: {  	[tilespmem:s4], [sflag:$0x3] =	stream.indirect.gather [spmem:s1], $0x80, s3, s0, $0xb8;
	[tilespmem:$0x1E980] =	vst v63  }
0x1c7: {  	_ =	swait.ge [sflag:s5], $0x2000  }
0x1c8: {  	[sflag:s5] =	ssyncset.done $0x0  }
0x1c9: {  	s10 =	rddreg [dreg:$0x6];
	[sflag:s5] =	ssyncadd.s32 $0xFFFFE000  }
0x1ca: {  	[hbm4b:s10+s2] =	stream.linear.scatter [tilespmem:s4], [sflag:$0x3], $0x2000, $0x38;
	[tilespmem:$0x1E980] =	vst v63  }
0x1cb: {  	_ =	swait.ge [sflag:s5], $0x2000  }
0x1cc: {  	[sflag:s5] =	ssyncset.done $0x0  }
0x1cd: {  	[sflag:s5] =	ssyncadd.s32 $0xFFFFE000  }
0x1ce: {  	[tilespmem:s6], [sflag:$0x3] =	stream.indirect.gather [spmem:s20], $0x10, s3, s0, $0xb8;
	[tilespmem:$0x1E980] =	vst v63  }
0x1cf: {  	_ =	swait.ge [sflag:s5], $0x400  }
0x1d0: {  	[sflag:s5] =	ssyncset.done $0x0  }
0x1d1: {  	s18 =	rddreg [dreg:$0x7];
	[sflag:s5] =	ssyncadd.s32 $0xFFFFFC00  }
0x1d2: {  	[hbm4b:s18+s2] =	stream.linear.scatter [tilespmem:s6], [sflag:$0x3], $0x2000, $0x38;
	[tilespmem:$0x1E980] =	vst v63  }
0x1d3: {  	_ =	swait.ge [sflag:s5], $0x2000  }
0x1d4: {  	[sflag:s5] =	ssyncset.done $0x0  }
0x1d5: {  	[sflag:s5] =	ssyncadd.s32 $0xFFFFE000  }
0x1d6: {  	[tilespmem:$0x100] =	vst v7  }
0x1d7: {  	[tilespmem:$0x110] =	vst v8  }
0x1d8: {  	[tilespmem:$0x120] =	vst v9  }
0x1d9: {  	[tilespmem:$0x130] =	vst v10  }
0x1da: {  	[tilespmem:s4], [sflag:$0x3] =	stream.indirect.gather [spmem:s1], $0x80, s3, s0, $0xb8;
	[tilespmem:$0x1E980] =	vst v63  }
0x1db: {  	_ =	swait.ge [sflag:s5], $0x2000  }
0x1dc: {  	[sflag:s5] =	ssyncset.done $0x0  }
0x1dd: {  	s19 =	rddreg [dreg:$0x8];
	[sflag:s5] =	ssyncadd.s32 $0xFFFFE000  }
0x1de: {  	[hbm4b:s19+s2] =	stream.linear.scatter [tilespmem:s4], [sflag:$0x3], $0x2000, $0x38;
	[tilespmem:$0x1E980] =	vst v63  }
0x1df: {  	_ =	swait.ge [sflag:s5], $0x2000  }
0x1e0: {  	[sflag:s5] =	ssyncset.done $0x0  }
0x1e1: {  	[sflag:s5] =	ssyncadd.s32 $0xFFFFE000  }
0x1e2: {  	[tilespmem:s6], [sflag:$0x3] =	stream.indirect.gather [spmem:s20], $0x10, s3, s0, $0xb8;
	[tilespmem:$0x1E980] =	vst v63  }
0x1e3: {  	_ =	swait.ge [sflag:s5], $0x400  }
0x1e4: {  	[sflag:s5] =	ssyncset.done $0x0  }
0x1e5: {  	s22 =	rddreg [dreg:$0x9];
	[sflag:s5] =	ssyncadd.s32 $0xFFFFFC00  }
0x1e6: {  	[hbm4b:s22+s2] =	stream.linear.scatter [tilespmem:s6], [sflag:$0x3], $0x2000, $0x38;
	[tilespmem:$0x1E980] =	vst v63  }
0x1e7: {  	_ =	swait.ge [sflag:s5], $0x2000  }
0x1e8: {  	[sflag:s5] =	ssyncset.done $0x0  }
0x1e9: {  	[sflag:s5] =	ssyncadd.s32 $0xFFFFE000  }
0x1ea: {  	[tilespmem:$0x100] =	vst v11  }
0x1eb: {  	[tilespmem:$0x110] =	vst v12  }
0x1ec: {  	[tilespmem:$0x120] =	vst v13  }
0x1ed: {  	[tilespmem:$0x130] =	vst v14  }
0x1ee: {  	[tilespmem:s4], [sflag:$0x3] =	stream.indirect.gather [spmem:s1], $0x80, s3, s0, $0xb8;
	[tilespmem:$0x1E980] =	vst v63  }
0x1ef: {  	_ =	swait.ge [sflag:s5], $0x2000  }
0x1f0: {  	[sflag:s5] =	ssyncset.done $0x0  }
0x1f1: {  	s23 =	rddreg [dreg:$0xa];
	[sflag:s5] =	ssyncadd.s32 $0xFFFFE000  }
0x1f2: {  	[hbm4b:s23+s2] =	stream.linear.scatter [tilespmem:s4], [sflag:$0x3], $0x2000, $0x38;
	[tilespmem:$0x1E980] =	vst v63  }
0x1f3: {  	_ =	swait.ge [sflag:s5], $0x2000  }
0x1f4: {  	[sflag:s5] =	ssyncset.done $0x0  }
0x1f5: {  	[sflag:s5] =	ssyncadd.s32 $0xFFFFE000  }
0x1f6: {  	[tilespmem:s6], [sflag:$0x3] =	stream.indirect.gather [spmem:s20], $0x10, s3, s0, $0xb8;
	[tilespmem:$0x1E980] =	vst v63  }
0x1f7: {  	_ =	swait.ge [sflag:s5], $0x400  }
0x1f8: {  	[sflag:s5] =	ssyncset.done $0x0  }
0x1f9: {  	s24 =	rddreg [dreg:$0xb];
	[sflag:s5] =	ssyncadd.s32 $0xFFFFFC00  }
0x1fa: {  	[hbm4b:s24+s2] =	stream.linear.scatter [tilespmem:s6], [sflag:$0x3], $0x2000, $0x38;
	[tilespmem:$0x1E980] =	vst v63  }
0x1fb: {  	_ =	swait.ge [sflag:s5], $0x2000  }
0x1fc: {  	[sflag:s5] =	ssyncset.done $0x0  }
0x1fd: {  	[sflag:s5] =	ssyncadd.s32 $0xFFFFE000  }
0x1fe: {  	[tilespmem:$0x100] =	vst v15  }
0x1ff: {  	[tilespmem:$0x110] =	vst v16  }
0x200: {  	[tilespmem:$0x120] =	vst v17  }
0x201: {  	[tilespmem:$0x130] =	vst v18  }
0x202: {  	[tilespmem:s4], [sflag:$0x3] =	stream.indirect.gather [spmem:s1], $0x80, s3, s0, $0xb8;
	[tilespmem:$0x1E980] =	vst v63  }
0x203: {  	_ =	swait.ge [sflag:s5], $0x2000  }
0x204: {  	[sflag:s5] =	ssyncset.done $0x0  }
0x205: {  	s9 =	rddreg [dreg:$0xc];
	[sflag:s5] =	ssyncadd.s32 $0xFFFFE000  }
0x206: {  	[hbm4b:s9+s2] =	stream.linear.scatter [tilespmem:s4], [sflag:$0x3], $0x2000, $0x38;
	[tilespmem:$0x1E980] =	vst v63  }
0x207: {  	_ =	swait.ge [sflag:s5], $0x2000  }
0x208: {  	[sflag:s5] =	ssyncset.done $0x0  }
0x209: {  	[sflag:s5] =	ssyncadd.s32 $0xFFFFE000  }
0x20a: {  	[tilespmem:s6], [sflag:$0x3] =	stream.indirect.gather [spmem:s20], $0x10, s3, s0, $0xb8;
	[tilespmem:$0x1E980] =	vst v63  }
0x20b: {  	_ =	swait.ge [sflag:s5], $0x400  }
0x20c: {  	[sflag:s5] =	ssyncset.done $0x0  }
0x20d: {  	s10 =	rddreg [dreg:$0xd];
	[sflag:s5] =	ssyncadd.s32 $0xFFFFFC00  }
0x20e: {  	[hbm4b:s10+s2] =	stream.linear.scatter [tilespmem:s6], [sflag:$0x3], $0x2000, $0x38;
	[tilespmem:$0x1E980] =	vst v63  }
0x20f: {  	_ =	swait.ge [sflag:s5], $0x2000  }
0x210: {  	[sflag:s5] =	ssyncset.done $0x0  }
0x211: {  	[sflag:s5] =	ssyncadd.s32 $0xFFFFE000  }
0x212: {  	[tilespmem:$0x100] =	vst v19  }
0x213: {  	[tilespmem:$0x110] =	vst v20  }
0x214: {  	[tilespmem:$0x120] =	vst v21  }
0x215: {  	[tilespmem:$0x130] =	vst v22  }
0x216: {  	[tilespmem:s4], [sflag:$0x3] =	stream.indirect.gather [spmem:s1], $0x80, s3, s0, $0xb8;
	[tilespmem:$0x1E980] =	vst v63  }
0x217: {  	_ =	swait.ge [sflag:s5], $0x2000  }
0x218: {  	[sflag:s5] =	ssyncset.done $0x0  }
0x219: {  	s18 =	rddreg [dreg:$0xe];
	[sflag:s5] =	ssyncadd.s32 $0xFFFFE000  }
0x21a: {  	[hbm4b:s18+s2] =	stream.linear.scatter [tilespmem:s4], [sflag:$0x3], $0x2000, $0x38;
	[tilespmem:$0x1E980] =	vst v63  }
0x21b: {  	_ =	swait.ge [sflag:s5], $0x2000  }
0x21c: {  	[sflag:s5] =	ssyncset.done $0x0  }
0x21d: {  	[sflag:s5] =	ssyncadd.s32 $0xFFFFE000  }
0x21e: {  	[tilespmem:s6], [sflag:$0x3] =	stream.indirect.gather [spmem:s20], $0x10, s3, s0, $0xb8;
	[tilespmem:$0x1E980] =	vst v63  }
0x21f: {  	_ =	swait.ge [sflag:s5], $0x400  }
0x220: {  	[sflag:s5] =	ssyncset.done $0x0  }
0x221: {  	s19 =	rddreg [dreg:$0xf];
	[sflag:s5] =	ssyncadd.s32 $0xFFFFFC00  }
0x222: {  	[hbm4b:s19+s2] =	stream.linear.scatter [tilespmem:s6], [sflag:$0x3], $0x2000, $0x38;
	[tilespmem:$0x1E980] =	vst v63  }
0x223: {  	_ =	swait.ge [sflag:s5], $0x2000  }
0x224: {  	[sflag:s5] =	ssyncset.done $0x0  }
0x225: {  	[sflag:s5] =	ssyncadd.s32 $0xFFFFE000  }
0x226: {  	[tilespmem:$0x100] =	vst v23  }
0x227: {  	[tilespmem:$0x110] =	vst v24  }
0x228: {  	[tilespmem:$0x120] =	vst v25  }
0x229: {  	[tilespmem:$0x130] =	vst v26  }
0x22a: {  	[tilespmem:s4], [sflag:$0x3] =	stream.indirect.gather [spmem:s1], $0x80, s3, s0, $0xb8;
	[tilespmem:$0x1E980] =	vst v63  }
0x22b: {  	_ =	swait.ge [sflag:s5], $0x2000  }
0x22c: {  	[sflag:s5] =	ssyncset.done $0x0  }
0x22d: {  	s22 =	rddreg [dreg:$0x10];
	[sflag:s5] =	ssyncadd.s32 $0xFFFFE000  }
0x22e: {  	[hbm4b:s22+s2] =	stream.linear.scatter [tilespmem:s4], [sflag:$0x3], $0x2000, $0x38;
	[tilespmem:$0x1E980] =	vst v63  }
0x22f: {  	_ =	swait.ge [sflag:s5], $0x2000  }
0x230: {  	[sflag:s5] =	ssyncset.done $0x0  }
0x231: {  	[sflag:s5] =	ssyncadd.s32 $0xFFFFE000  }
0x232: {  	[tilespmem:s6], [sflag:$0x3] =	stream.indirect.gather [spmem:s20], $0x10, s3, s0, $0xb8;
	[tilespmem:$0x1E980] =	vst v63  }
0x233: {  	_ =	swait.ge [sflag:s5], $0x400  }
0x234: {  	[sflag:s5] =	ssyncset.done $0x0  }
0x235: {  	s23 =	rddreg [dreg:$0x11];
	[sflag:s5] =	ssyncadd.s32 $0xFFFFFC00  }
0x236: {  	[hbm4b:s23+s2] =	stream.linear.scatter [tilespmem:s6], [sflag:$0x3], $0x2000, $0x38;
	[tilespmem:$0x1E980] =	vst v63  }
0x237: {  	_ =	swait.ge [sflag:s5], $0x2000  }
0x238: {  	[sflag:s5] =	ssyncset.done $0x0  }
0x239: {  	[sflag:s5] =	ssyncadd.s32 $0xFFFFE000  }
0x23a: {  	[tilespmem:$0x100] =	vst v27  }
0x23b: {  	[tilespmem:$0x110] =	vst v29  }
0x23c: {  	[tilespmem:$0x120] =	vst v30  }
0x23d: {  	[tilespmem:$0x130] =	vst v31  }
0x23e: {  	[tilespmem:s4], [sflag:$0x3] =	stream.indirect.gather [spmem:s1], $0x80, s3, s0, $0xb8;
	[tilespmem:$0x1E980] =	vst v63  }
0x23f: {  	_ =	swait.ge [sflag:s5], $0x2000  }
0x240: {  	[sflag:s5] =	ssyncset.done $0x0  }
0x241: {  	s24 =	rddreg [dreg:$0x12];
	[sflag:s5] =	ssyncadd.s32 $0xFFFFE000  }
0x242: {  	[hbm4b:s24+s2] =	stream.linear.scatter [tilespmem:s4], [sflag:$0x3], $0x2000, $0x38;
	[tilespmem:$0x1E980] =	vst v63  }
0x243: {  	_ =	swait.ge [sflag:s5], $0x2000  }
0x244: {  	[sflag:s5] =	ssyncset.done $0x0  }
0x245: {  	[sflag:s5] =	ssyncadd.s32 $0xFFFFE000  }
0x246: {  	[tilespmem:s6], [sflag:$0x3] =	stream.indirect.gather [spmem:s20], $0x10, s3, s0, $0xb8;
	[tilespmem:$0x1E980] =	vst v63  }
0x247: {  	_ =	swait.ge [sflag:s5], $0x400  }
0x248: {  	[sflag:s5] =	ssyncset.done $0x0  }
0x249: {  	s9 =	rddreg [dreg:$0x13];
	[sflag:s5] =	ssyncadd.s32 $0xFFFFFC00  }
0x24a: {  	[hbm4b:s9+s2] =	stream.linear.scatter [tilespmem:s6], [sflag:$0x3], $0x2000, $0x38;
	[tilespmem:$0x1E980] =	vst v63  }
0x24b: {  	_ =	swait.ge [sflag:s5], $0x2000  }
0x24c: {  	[sflag:s5] =	ssyncset.done $0x0  }
0x24d: {  	[sflag:s5] =	ssyncadd.s32 $0xFFFFE000  }
0x24e: {  	[tilespmem:$0x100] =	vst v32  }
0x24f: {  	[tilespmem:$0x110] =	vst v33  }
0x250: {  	[tilespmem:$0x120] =	vst v34  }
0x251: {  	[tilespmem:$0x130] =	vst v35  }
0x252: {  	[tilespmem:s4], [sflag:$0x3] =	stream.indirect.gather [spmem:s1], $0x80, s3, s0, $0xb8;
	[tilespmem:$0x1E980] =	vst v63  }
0x253: {  	_ =	swait.ge [sflag:s5], $0x2000  }
0x254: {  	[sflag:s5] =	ssyncset.done $0x0  }
0x255: {  	s10 =	rddreg [dreg:$0x14];
	[sflag:s5] =	ssyncadd.s32 $0xFFFFE000  }
0x256: {  	[hbm4b:s10+s2] =	stream.linear.scatter [tilespmem:s4], [sflag:$0x3], $0x2000, $0x38;
	[tilespmem:$0x1E980] =	vst v63  }
0x257: {  	_ =	swait.ge [sflag:s5], $0x2000  }
0x258: {  	[sflag:s5] =	ssyncset.done $0x0  }
0x259: {  	[sflag:s5] =	ssyncadd.s32 $0xFFFFE000  }
0x25a: {  	[tilespmem:s6], [sflag:$0x3] =	stream.indirect.gather [spmem:s20], $0x10, s3, s0, $0xb8;
	[tilespmem:$0x1E980] =	vst v63  }
0x25b: {  	_ =	swait.ge [sflag:s5], $0x400  }
0x25c: {  	[sflag:s5] =	ssyncset.done $0x0  }
0x25d: {  	s18 =	rddreg [dreg:$0x15];
	[sflag:s5] =	ssyncadd.s32 $0xFFFFFC00  }
0x25e: {  	[hbm4b:s18+s2] =	stream.linear.scatter [tilespmem:s6], [sflag:$0x3], $0x2000, $0x38;
	[tilespmem:$0x1E980] =	vst v63  }
0x25f: {  	_ =	swait.ge [sflag:s5], $0x2000  }
0x260: {  	[sflag:s5] =	ssyncset.done $0x0  }
0x261: {  	[sflag:s5] =	ssyncadd.s32 $0xFFFFE000  }
0x262: {  	[tilespmem:$0x100] =	vst v36  }
0x263: {  	[tilespmem:$0x110] =	vst v37  }
0x264: {  	[tilespmem:$0x120] =	vst v38  }
0x265: {  	[tilespmem:$0x130] =	vst v39  }
0x266: {  	[tilespmem:s4], [sflag:$0x3] =	stream.indirect.gather [spmem:s1], $0x80, s3, s0, $0xb8;
	[tilespmem:$0x1E980] =	vst v63  }
0x267: {  	_ =	swait.ge [sflag:s5], $0x2000  }
0x268: {  	[sflag:s5] =	ssyncset.done $0x0  }
0x269: {  	s19 =	rddreg [dreg:$0x16];
	[sflag:s5] =	ssyncadd.s32 $0xFFFFE000  }
0x26a: {  	[hbm4b:s19+s2] =	stream.linear.scatter [tilespmem:s4], [sflag:$0x3], $0x2000, $0x38;
	[tilespmem:$0x1E980] =	vst v63  }
0x26b: {  	_ =	swait.ge [sflag:s5], $0x2000  }
0x26c: {  	[sflag:s5] =	ssyncset.done $0x0  }
0x26d: {  	[sflag:s5] =	ssyncadd.s32 $0xFFFFE000  }
0x26e: {  	[tilespmem:s6], [sflag:$0x3] =	stream.indirect.gather [spmem:s20], $0x10, s3, s0, $0xb8;
	[tilespmem:$0x1E980] =	vst v63  }
0x26f: {  	_ =	swait.ge [sflag:s5], $0x400  }
0x270: {  	[sflag:s5] =	ssyncset.done $0x0  }
0x271: {  	s22 =	rddreg [dreg:$0x17];
	[sflag:s5] =	ssyncadd.s32 $0xFFFFFC00  }
0x272: {  	[hbm4b:s22+s2] =	stream.linear.scatter [tilespmem:s6], [sflag:$0x3], $0x2000, $0x38;
	[tilespmem:$0x1E980] =	vst v63  }
0x273: {  	_ =	swait.ge [sflag:s5], $0x2000  }
0x274: {  	s23 =	rddreg [dreg:$0x19]  }
0x275: {  	s24 =	rddreg [dreg:$0x18];
	s8 =	sadd.s32 $0x1, s23  }
0x276: {  	p0 =	sne.s32 s8, s24  }
.Ltmp3:
0x277: {  	_ = 	snop;
	(pc) =	sbr.rel @p0 .LBB2_1-.Ltmp3, $3  }
0x278: {  	_ =	sdelay $0x1  }
0x279: {  	[sflag:s5] =	ssyncset.done $0x0  }
0x27a: {  	[sflag:s5] =	ssyncadd.s32 $0xFFFFE000  }
0x27b: {  	_ =	sfence.sel $0x180000  }
0x27c: {  	[bflag:$0x0] =	sbarrier.arrive $0xFFFF  }
0x27d: {  	_ =	strace $0x90000047  }
0x27e: {  	s0 =	stileid.u32;
	[bflag:$0x2] =	sbarrier.arrive $0xFFFF  }
0x27f: {  	p0 =	sne.s32 s0, $0x0;
	s0 =	rddreg [dreg:$0x3]  }
0x280: {  	s0 =	sadd.s32 @!p0 $0x100000, s0  }
0x281: {  	[sflag:s0] =	ssyncadd.tile.s32 @!p0 $0x1;
	_ =	shalt  }
.Lfunc_end2:
_tile_overlayer_lowered:
.L_overlay_start_2:
0x282: {  	(tag) =	ssettag $0x2  }
0x283: {  	s0 =	rddreg [dreg:$0x0];
	s2 =	stileid.u32  }
0x284: {  	s1 =	rddreg [dreg:$0x1];
	p0 =	sne.s32 s2, $0x0  }
0x285: {  	s3 =	rddreg [dreg:$0x2];
	[bflag:$0x3] =	sbarrier.arrive $0xFFFF;
	s2 =	simm.s32 @!p0 $0x1C03  }
0x286: {  	[timem:s3], [sflag:s2] =	dma.local @!p0 [hbm:s0], s1  }
0x287: {  	s0 =	simm.s32 @!p0 $0x3  }
0x288: {  	_ =	swait.ge @!p0 [sflag:s0], s1  }
0x289: {  	s1 =	ssub.s32 @!p0 $0x0, s1;
	[sflag:s0] =	ssyncset.done @!p0 $0x0  }
0x28a: {  	[sflag:s0] =	ssyncadd.s32 @!p0 s1  }
0x28b: {  	[bflag:$0x3] =	sbarrier.arrive $0xFFFF  }
0x28c: {  	_ =	shalt  }

</sc_bundles>
